<compile_context>
chip_gen: v7x
topology: tpu7x:2x2x1
jax: 0.10.2.dev20260603
libtpu: 0.0.44.dev20260713+nightly
codegen_flags: <defaults>
</compile_context>

<pallas_src>
import functools

import jax
import jax.numpy as jnp
from jax import lax
from jax.experimental import pallas as pl
from jax.experimental.pallas import tpu as pltpu
from jax.experimental.pallas import tpu_sc as plsc

B = 16384
LSEQ = 200
VOCAB = 1000
D = 10
DP = 5
NC, NS = 2, 16
NW = NC * NS
RPW = B // NW
RB = 16
CH = 128
NCH = RPW // CH
NBC = CH // RB


def _sc_body(x_hbm, emb_hbm, wb_hbm, out_hbm, x_v0, x_v1, emb_v, wb_v, out_v,
             sem0, sem1):
    wid = lax.axis_index("s") * NC + lax.axis_index("c")
    base = wid * RPW
    pltpu.sync_copy(emb_hbm, emb_v)
    pltpu.sync_copy(wb_hbm, wb_v)

    lanes = lax.iota(jnp.int32, 16)
    w_splat = [plsc.load_gather(wb_v, [jnp.full((16,), 1 + d, jnp.int32)])
               for d in range(D)]
    b_splat = plsc.load_gather(wb_v, [jnp.full((16,), 1 + D, jnp.int32)])
    invs_splat = plsc.load_gather(wb_v, [jnp.full((16,), 2 + D, jnp.int32)])

    bufs = [(x_v0, sem0), (x_v1, sem1)]
    copies = [None] * NCH
    copies[0] = pltpu.async_copy(x_hbm.at[pl.ds(base, CH), :], x_v0, sem0)

    for k in range(NCH):
        x_v, _ = bufs[k % 2]
        copies[k].wait()
        if k + 1 < NCH:
            nxt, nsem = bufs[(k + 1) % 2]
            copies[k + 1] = pltpu.async_copy(
                x_hbm.at[pl.ds(base + (k + 1) * CH, CH), :], nxt, nsem)

        def block(blk, carry):
            rowids = [blk * (2 * RB) + v * RB + lanes for v in range(2)]

            def step(l, acc):
                t = l + lanes
                lrot = jnp.where(t >= LSEQ, t - LSEQ, t)
                new = []
                for v in range(2):
                    idx = plsc.load_gather(x_v, [rowids[v], lrot])
                    idxd = idx * DP
                    new.extend(
                        jnp.maximum(acc[v * DP + c],
                                    plsc.bitcast(
                                        plsc.load_gather(emb_v, [idxd + c]),
                                        jnp.int16))
                        for c in range(DP))
                return tuple(new)

            init = tuple(jnp.full((32,), -32768, jnp.int16)
                         for _ in range(2 * DP))
            acc = lax.fori_loop(0, LSEQ, step, init)

            def bf16_rne(x):
                y = plsc.bitcast(x, jnp.int32)
                y = y + 0x7FFF + jnp.bitwise_and(
                    jax.lax.shift_right_logical(y, 16), 1)
                return plsc.bitcast(
                    jnp.bitwise_and(y, jnp.int32(-65536)), jnp.float32)

            for v in range(2):
                out16 = b_splat
                for c in range(DP):
                    lo, hi = plsc.unpack(acc[v * DP + c],
                                         format=plsc.PackFormat.INTERLEAVED)
                    p0 = bf16_rne(lo.astype(jnp.float32) * invs_splat)
                    p1 = bf16_rne(hi.astype(jnp.float32) * invs_splat)
                    out16 = out16 + w_splat[2 * c] * p0
                    out16 = out16 + w_splat[2 * c + 1] * p1
                out_v[pl.ds(k * CH + blk * (2 * RB) + v * RB, RB)] = out16
            return carry

        lax.fori_loop(0, NBC // 2, block, 0)

    pltpu.sync_copy(out_v, out_hbm.at[pl.ds(base, RPW)])


@jax.jit
def _set_nn(x, emb, W, b):
    mesh = plsc.VectorSubcoreMesh(core_axis_name="c", subcore_axis_name="s",
                                  num_cores=NC, num_subcores=NS)
    run = pl.kernel(
        _sc_body,
        out_type=jax.ShapeDtypeStruct((B,), jnp.float32),
        mesh=mesh,
        compiler_params=pltpu.CompilerParams(needs_layout_passes=False,
                                             use_tc_tiling_on_sc=True),
        scratch_types=[
            pltpu.VMEM((CH, LSEQ), jnp.int32),
            pltpu.VMEM((CH, LSEQ), jnp.int32),
            pltpu.VMEM((VOCAB * DP,), jnp.int32),
            pltpu.VMEM((16,), jnp.float32),
            pltpu.VMEM((RPW,), jnp.float32),
            pltpu.SemaphoreType.DMA,
            pltpu.SemaphoreType.DMA,
        ],
    )
    scale = 32766.0 / jnp.maximum(jnp.max(jnp.abs(emb)), 1e-30)
    q = jnp.round(emb * scale).astype(jnp.int16)
    w_bf = W.reshape(-1).astype(jnp.bfloat16).astype(jnp.float32)
    wb = jnp.pad(jnp.concatenate([w_bf, b, 1.0 / scale[None]]),
                 (1, 16 - D - 3))
    emb_packed = lax.bitcast_convert_type(
        q.reshape(VOCAB, DP, 2), jnp.int32).reshape(VOCAB * DP)
    out = run(x, emb_packed, wb)
    return out.reshape(B, 1)


def kernel(x, emb, W, b):
    return _set_nn(x, emb, W, b)

# --- scband reference (transcript-rebuilt; emitter-appended) ---
"""Pipeline reference for scband-set-nn-81200651698290 (READ-ONLY COPY).

The authoritative reference and input builder live on the scoring server;
editing this copy changes nothing except your own understanding.
"""

import jax, jax.numpy as jnp
import numpy as np


def setup_inputs(seed: int = 0) -> dict:
    key = jax.random.key(seed)
    k1, k2, k3, k4 = jax.random.split(key, 4)
    x = jax.random.randint(k1, (16384, 200), 0, 1000, dtype=jnp.int64) if jax.config.jax_enable_x64 else jax.random.randint(k1, (16384, 200), 0, 1000, dtype=jnp.int32)
    emb = jax.random.normal(k2, (1000, 10), dtype=jnp.float32)
    W = jax.random.normal(k3, (1, 10), dtype=jnp.float32) * 0.1
    b = jnp.zeros((1,), dtype=jnp.float32)
    return {"x": x, "emb": emb, "W": W, "b": b}


def reference(x, emb, W, b):
    # nn.Embedding: gather rows -> [B, L, 10]
    e = jnp.take(emb, x, axis=0)
    # transpose(1,2) + AdaptiveMaxPool1d(1) == global max over sequence dim -> [B, 10]
    pooled = jnp.max(e, axis=1)
    # fc: Linear(10, 1) -> [B, 1]
    out = pooled @ W.T + b
    return out

if __name__ == "__main__":
    import jax
    _d = setup_inputs()
    print(jax.jit(kernel)(*tuple(_d.values())))

</pallas_src>

<mosaic_0001>
#map = affine_map<(d0, d1) -> (0, 0)>
#map1 = affine_map<(d0, d1) -> (0)>
module attributes {stable_mosaic.version = 14 : i64} {
  func.func @_sc_body(%arg0: i32, %arg1: i32, %arg2: memref<16384x200xi32, #tpu.memory_space<hbm>>, %arg3: memref<5000xi32, #tpu.memory_space<hbm>>, %arg4: memref<16xf32, #tpu.memory_space<hbm>>, %arg5: memref<16384xf32, #tpu.memory_space<hbm>>, %arg6: memref<128x200xi32, #tpu.memory_space<vmem>>, %arg7: memref<128x200xi32, #tpu.memory_space<vmem>>, %arg8: memref<5000xi32, #tpu.memory_space<vmem>>, %arg9: memref<16xf32, #tpu.memory_space<vmem>>, %arg10: memref<512xf32, #tpu.memory_space<vmem>>, %arg11: memref<!tpu.dma_semaphore, #tpu.memory_space<semaphore_mem>>, %arg12: memref<!tpu.dma_semaphore, #tpu.memory_space<semaphore_mem>>) attributes {dimension_semantics = [#tpu.dimension_semantics<core_parallel>, #tpu.dimension_semantics<subcore_parallel>], iteration_bounds = array<i64: 2, 16>, scalar_prefetch = 0 : i64, scratch_operands = 7 : i64, tpu.core_type = #tpu.core_type<sc_vector_subcore>, window_params = [{transform_indices = #map}, {transform_indices = #map1}, {transform_indices = #map1}, {transform_indices = #map1}]} {
    %mul3A = arith.constant 2 : i32
    %mul3A_0 = arith.muli %arg1, %mul3A : i32
    %add3A = arith.addi %mul3A_0, %arg0 : i32
    %mul3A_1 = arith.constant 512 : i32
    %mul3A_2 = arith.muli %add3A, %mul3A_1 : i32
    "tpu.region"() ({
      %run_scoped3A = tpu.sem_alloc : memref<!tpu.dma_semaphore, #tpu.memory_space<semaphore_mem>>
      tpu.enqueue_dma source(%arg3 : memref<5000xi32, #tpu.memory_space<hbm>>) target(%arg8 : memref<5000xi32, #tpu.memory_space<vmem>>) target_semaphore(%run_scoped3A : memref<!tpu.dma_semaphore, #tpu.memory_space<semaphore_mem>>)
      tpu.wait_dma2 semaphore(%run_scoped3A : memref<!tpu.dma_semaphore, #tpu.memory_space<semaphore_mem>>) src(%arg3 : memref<5000xi32, #tpu.memory_space<hbm>>) dst(%arg8 : memref<5000xi32, #tpu.memory_space<vmem>>)
      tpu.yield
    }) : () -> ()
    "tpu.region"() ({
      %run_scoped3A = tpu.sem_alloc : memref<!tpu.dma_semaphore, #tpu.memory_space<semaphore_mem>>
      tpu.enqueue_dma source(%arg4 : memref<16xf32, #tpu.memory_space<hbm>>) target(%arg9 : memref<16xf32, #tpu.memory_space<vmem>>) target_semaphore(%run_scoped3A : memref<!tpu.dma_semaphore, #tpu.memory_space<semaphore_mem>>)
      tpu.wait_dma2 semaphore(%run_scoped3A : memref<!tpu.dma_semaphore, #tpu.memory_space<semaphore_mem>>) src(%arg4 : memref<16xf32, #tpu.memory_space<hbm>>) dst(%arg9 : memref<16xf32, #tpu.memory_space<vmem>>)
      tpu.yield
    }) : () -> ()
    %iota3A = tpu.iota {dimensions = array<i32: 0>} : vector<16xi32>
    %broadcast_in_dim3A = arith.constant 1 : i32
    %broadcast_in_dim3A_3 = vector.broadcast %broadcast_in_dim3A : i32 to vector<16xi32>
    %gather3A = tpu.vector_load_idx %arg9[%broadcast_in_dim3A_3] : memref<16xf32, #tpu.memory_space<vmem>>[vector<16xi32>], vector<16xf32>,
    %broadcast_in_dim3A_4 = arith.constant 2 : i32
    %broadcast_in_dim3A_5 = vector.broadcast %broadcast_in_dim3A_4 : i32 to vector<16xi32>
    %gather3A_6 = tpu.vector_load_idx %arg9[%broadcast_in_dim3A_5] : memref<16xf32, #tpu.memory_space<vmem>>[vector<16xi32>], vector<16xf32>,
    %broadcast_in_dim3A_7 = arith.constant 3 : i32
    %broadcast_in_dim3A_8 = vector.broadcast %broadcast_in_dim3A_7 : i32 to vector<16xi32>
    %gather3A_9 = tpu.vector_load_idx %arg9[%broadcast_in_dim3A_8] : memref<16xf32, #tpu.memory_space<vmem>>[vector<16xi32>], vector<16xf32>,
    %broadcast_in_dim3A_10 = arith.constant 4 : i32
    %broadcast_in_dim3A_11 = vector.broadcast %broadcast_in_dim3A_10 : i32 to vector<16xi32>
    %gather3A_12 = tpu.vector_load_idx %arg9[%broadcast_in_dim3A_11] : memref<16xf32, #tpu.memory_space<vmem>>[vector<16xi32>], vector<16xf32>,
    %broadcast_in_dim3A_13 = arith.constant 5 : i32
    %broadcast_in_dim3A_14 = vector.broadcast %broadcast_in_dim3A_13 : i32 to vector<16xi32>
    %gather3A_15 = tpu.vector_load_idx %arg9[%broadcast_in_dim3A_14] : memref<16xf32, #tpu.memory_space<vmem>>[vector<16xi32>], vector<16xf32>,
    %broadcast_in_dim3A_16 = arith.constant 6 : i32
    %broadcast_in_dim3A_17 = vector.broadcast %broadcast_in_dim3A_16 : i32 to vector<16xi32>
    %gather3A_18 = tpu.vector_load_idx %arg9[%broadcast_in_dim3A_17] : memref<16xf32, #tpu.memory_space<vmem>>[vector<16xi32>], vector<16xf32>,
    %broadcast_in_dim3A_19 = arith.constant 7 : i32
    %broadcast_in_dim3A_20 = vector.broadcast %broadcast_in_dim3A_19 : i32 to vector<16xi32>
    %gather3A_21 = tpu.vector_load_idx %arg9[%broadcast_in_dim3A_20] : memref<16xf32, #tpu.memory_space<vmem>>[vector<16xi32>], vector<16xf32>,
    %broadcast_in_dim3A_22 = arith.constant 8 : i32
    %broadcast_in_dim3A_23 = vector.broadcast %broadcast_in_dim3A_22 : i32 to vector<16xi32>
    %gather3A_24 = tpu.vector_load_idx %arg9[%broadcast_in_dim3A_23] : memref<16xf32, #tpu.memory_space<vmem>>[vector<16xi32>], vector<16xf32>,
    %broadcast_in_dim3A_25 = arith.constant 9 : i32
    %broadcast_in_dim3A_26 = vector.broadcast %broadcast_in_dim3A_25 : i32 to vector<16xi32>
    %gather3A_27 = tpu.vector_load_idx %arg9[%broadcast_in_dim3A_26] : memref<16xf32, #tpu.memory_space<vmem>>[vector<16xi32>], vector<16xf32>,
    %broadcast_in_dim3A_28 = arith.constant 10 : i32
    %broadcast_in_dim3A_29 = vector.broadcast %broadcast_in_dim3A_28 : i32 to vector<16xi32>
    %gather3A_30 = tpu.vector_load_idx %arg9[%broadcast_in_dim3A_29] : memref<16xf32, #tpu.memory_space<vmem>>[vector<16xi32>], vector<16xf32>,
    %broadcast_in_dim3A_31 = arith.constant 11 : i32
    %broadcast_in_dim3A_32 = vector.broadcast %broadcast_in_dim3A_31 : i32 to vector<16xi32>
    %gather3A_33 = tpu.vector_load_idx %arg9[%broadcast_in_dim3A_32] : memref<16xf32, #tpu.memory_space<vmem>>[vector<16xi32>], vector<16xf32>,
    %broadcast_in_dim3A_34 = arith.constant 12 : i32
    %broadcast_in_dim3A_35 = vector.broadcast %broadcast_in_dim3A_34 : i32 to vector<16xi32>
    %gather3A_36 = tpu.vector_load_idx %arg9[%broadcast_in_dim3A_35] : memref<16xf32, #tpu.memory_space<vmem>>[vector<16xi32>], vector<16xf32>,
    %dma_start3A = arith.constant 0 : i32
    %dma_start3A_37 = tpu.memref_slice %arg2[%mul3A_2, %dma_start3A] : memref<16384x200xi32, #tpu.memory_space<hbm>> -> memref<128x200xi32, #tpu.memory_space<hbm>>
    %dma_start3A_38 = arith.constant 0 : i32
    %dma_start3A_39 = tpu.memref_slice %arg2[%mul3A_2, %dma_start3A_38] : memref<16384x200xi32, #tpu.memory_space<hbm>> -> memref<128x200xi32, #tpu.memory_space<hbm>>
    tpu.enqueue_dma source(%dma_start3A_39 : memref<128x200xi32, #tpu.memory_space<hbm>>) target(%arg6 : memref<128x200xi32, #tpu.memory_space<vmem>>) target_semaphore(%arg11 : memref<!tpu.dma_semaphore, #tpu.memory_space<semaphore_mem>>)
    %dma_wait3A = arith.constant 0 : i32
    %dma_wait3A_40 = tpu.memref_slice %arg2[%mul3A_2, %dma_wait3A] : memref<16384x200xi32, #tpu.memory_space<hbm>> -> memref<128x200xi32, #tpu.memory_space<hbm>>
    %dma_wait3A_41 = arith.constant 0 : i32
    %dma_wait3A_42 = tpu.memref_slice %arg2[%mul3A_2, %dma_wait3A_41] : memref<16384x200xi32, #tpu.memory_space<hbm>> -> memref<128x200xi32, #tpu.memory_space<hbm>>
    tpu.wait_dma2 semaphore(%arg11 : memref<!tpu.dma_semaphore, #tpu.memory_space<semaphore_mem>>) src(%dma_wait3A_42 : memref<128x200xi32, #tpu.memory_space<hbm>>) dst(%arg6 : memref<128x200xi32, #tpu.memory_space<vmem>>)
    %add3A_43 = arith.constant 128 : i32
    %add3A_44 = arith.addi %mul3A_2, %add3A_43 : i32
    %dma_start3A_45 = arith.constant 0 : i32
    %dma_start3A_46 = tpu.memref_slice %arg2[%add3A_44, %dma_start3A_45] : memref<16384x200xi32, #tpu.memory_space<hbm>> -> memref<128x200xi32, #tpu.memory_space<hbm>>
    %dma_start3A_47 = arith.constant 0 : i32
    %dma_start3A_48 = tpu.memref_slice %arg2[%add3A_44, %dma_start3A_47] : memref<16384x200xi32, #tpu.memory_space<hbm>> -> memref<128x200xi32, #tpu.memory_space<hbm>>
    tpu.enqueue_dma source(%dma_start3A_48 : memref<128x200xi32, #tpu.memory_space<hbm>>) target(%arg7 : memref<128x200xi32, #tpu.memory_space<vmem>>) target_semaphore(%arg12 : memref<!tpu.dma_semaphore, #tpu.memory_space<semaphore_mem>>)
    %scan3A = arith.constant 0 : i32
    %scan3A_49 = arith.constant 0 : i32
    %scan3A_50 = arith.constant 4 : i32
    %scan3A_51 = arith.addi %scan3A_49, %scan3A_50 : i32
    %scan3A_52 = arith.constant 1 : i32
    scf.for %scan3A_96 = %scan3A_49 to %scan3A_51 step %scan3A_52  : i32 {
      %mul3A_97 = arith.constant 32 : i32
      %mul3A_98 = arith.muli %scan3A_96, %mul3A_97 : i32
      %add3A_99 = arith.constant 0 : i32
      %add3A_100 = arith.addi %mul3A_98, %add3A_99 : i32
      %add3A_101 = vector.broadcast %add3A_100 : i32 to vector<16xi32>
      %add3A_102 = arith.addi %add3A_101, %iota3A : vector<16xi32>
      %mul3A_103 = arith.constant 32 : i32
      %mul3A_104 = arith.muli %scan3A_96, %mul3A_103 : i32
      %add3A_105 = arith.constant 16 : i32
      %add3A_106 = arith.addi %mul3A_104, %add3A_105 : i32
      %add3A_107 = vector.broadcast %add3A_106 : i32 to vector<16xi32>
      %add3A_108 = arith.addi %add3A_107, %iota3A : vector<16xi32>
      %broadcast_in_dim3A_109 = arith.constant -32768 : i16
      %broadcast_in_dim3A_110 = vector.broadcast %broadcast_in_dim3A_109 : i16 to vector<32xi16>
      %broadcast_in_dim3A_111 = arith.constant -32768 : i16
      %broadcast_in_dim3A_112 = vector.broadcast %broadcast_in_dim3A_111 : i16 to vector<32xi16>
      %broadcast_in_dim3A_113 = arith.constant -32768 : i16
      %broadcast_in_dim3A_114 = vector.broadcast %broadcast_in_dim3A_113 : i16 to vector<32xi16>
      %broadcast_in_dim3A_115 = arith.constant -32768 : i16
      %broadcast_in_dim3A_116 = vector.broadcast %broadcast_in_dim3A_115 : i16 to vector<32xi16>
      %broadcast_in_dim3A_117 = arith.constant -32768 : i16
      %broadcast_in_dim3A_118 = vector.broadcast %broadcast_in_dim3A_117 : i16 to vector<32xi16>
      %broadcast_in_dim3A_119 = arith.constant -32768 : i16
      %broadcast_in_dim3A_120 = vector.broadcast %broadcast_in_dim3A_119 : i16 to vector<32xi16>
      %broadcast_in_dim3A_121 = arith.constant -32768 : i16
      %broadcast_in_dim3A_122 = vector.broadcast %broadcast_in_dim3A_121 : i16 to vector<32xi16>
      %broadcast_in_dim3A_123 = arith.constant -32768 : i16
      %broadcast_in_dim3A_124 = vector.broadcast %broadcast_in_dim3A_123 : i16 to vector<32xi16>
      %broadcast_in_dim3A_125 = arith.constant -32768 : i16
      %broadcast_in_dim3A_126 = vector.broadcast %broadcast_in_dim3A_125 : i16 to vector<32xi16>
      %broadcast_in_dim3A_127 = arith.constant -32768 : i16
      %broadcast_in_dim3A_128 = vector.broadcast %broadcast_in_dim3A_127 : i16 to vector<32xi16>
      %scan3A_129 = arith.constant 0 : i32
      %scan3A_130 = arith.constant 200 : i32
      %scan3A_131 = arith.addi %scan3A_129, %scan3A_130 : i32
      %scan3A_132 = arith.constant 1 : i32
      %scan3A_133:10 = scf.for %scan3A_545 = %scan3A_129 to %scan3A_131 step %scan3A_132 iter_args(%scan3A_546 = %broadcast_in_dim3A_110, %scan3A_547 = %broadcast_in_dim3A_112, %scan3A_548 = %broadcast_in_dim3A_114, %scan3A_549 = %broadcast_in_dim3A_116, %scan3A_550 = %broadcast_in_dim3A_118, %scan3A_551 = %broadcast_in_dim3A_120, %scan3A_552 = %broadcast_in_dim3A_122, %scan3A_553 = %broadcast_in_dim3A_124, %scan3A_554 = %broadcast_in_dim3A_126, %scan3A_555 = %broadcast_in_dim3A_128) -> (vector<32xi16>, vector<32xi16>, vector<32xi16>, vector<32xi16>, vector<32xi16>, vector<32xi16>, vector<32xi16>, vector<32xi16>, vector<32xi16>, vector<32xi16>)  : i32 {
        %add3A_556 = vector.broadcast %scan3A_545 : i32 to vector<16xi32>
        %add3A_557 = arith.addi %add3A_556, %iota3A : vector<16xi32>
        %ge3A = arith.constant 200 : i32
        %ge3A_558 = vector.broadcast %ge3A : i32 to vector<16xi32>
        %ge3A_559 = arith.cmpi sge, %add3A_557, %ge3A_558 : vector<16xi32>
        %sub3A = arith.constant 200 : i32
        %sub3A_560 = vector.broadcast %sub3A : i32 to vector<16xi32>
        %sub3A_561 = arith.subi %add3A_557, %sub3A_560 : vector<16xi32>
        %select_n3A = arith.select %ge3A_559, %sub3A_561, %add3A_557 : vector<16xi1>, vector<16xi32>
        %gather3A_562 = tpu.vector_load_idx %arg6[%add3A_102, %select_n3A] : memref<128x200xi32, #tpu.memory_space<vmem>>[vector<16xi32>, vector<16xi32>], vector<16xi32>,
        %mul3A_563 = arith.constant 5 : i32
        %mul3A_564 = vector.broadcast %mul3A_563 : i32 to vector<16xi32>
        %mul3A_565 = arith.muli %gather3A_562, %mul3A_564 : vector<16xi32>
        %add3A_566 = arith.constant 0 : i32
        %add3A_567 = vector.broadcast %add3A_566 : i32 to vector<16xi32>
        %add3A_568 = arith.addi %mul3A_565, %add3A_567 : vector<16xi32>
        %gather3A_569 = tpu.vector_load_idx %arg8[%add3A_568] : memref<5000xi32, #tpu.memory_space<vmem>>[vector<16xi32>], vector<16xi32>,
        %bitcast3A_570 = vector.bitcast %gather3A_569 : vector<16xi32> to vector<32xi16>
        %max3A = arith.maxsi %scan3A_546, %bitcast3A_570 : vector<32xi16>
        %add3A_571 = arith.constant 1 : i32
        %add3A_572 = vector.broadcast %add3A_571 : i32 to vector<16xi32>
        %add3A_573 = arith.addi %mul3A_565, %add3A_572 : vector<16xi32>
        %gather3A_574 = tpu.vector_load_idx %arg8[%add3A_573] : memref<5000xi32, #tpu.memory_space<vmem>>[vector<16xi32>], vector<16xi32>,
        %bitcast3A_575 = vector.bitcast %gather3A_574 : vector<16xi32> to vector<32xi16>
        %max3A_576 = arith.maxsi %scan3A_547, %bitcast3A_575 : vector<32xi16>
        %add3A_577 = arith.constant 2 : i32
        %add3A_578 = vector.broadcast %add3A_577 : i32 to vector<16xi32>
        %add3A_579 = arith.addi %mul3A_565, %add3A_578 : vector<16xi32>
        %gather3A_580 = tpu.vector_load_idx %arg8[%add3A_579] : memref<5000xi32, #tpu.memory_space<vmem>>[vector<16xi32>], vector<16xi32>,
        %bitcast3A_581 = vector.bitcast %gather3A_580 : vector<16xi32> to vector<32xi16>
        %max3A_582 = arith.maxsi %scan3A_548, %bitcast3A_581 : vector<32xi16>
        %add3A_583 = arith.constant 3 : i32
        %add3A_584 = vector.broadcast %add3A_583 : i32 to vector<16xi32>
        %add3A_585 = arith.addi %mul3A_565, %add3A_584 : vector<16xi32>
        %gather3A_586 = tpu.vector_load_idx %arg8[%add3A_585] : memref<5000xi32, #tpu.memory_space<vmem>>[vector<16xi32>], vector<16xi32>,
        %bitcast3A_587 = vector.bitcast %gather3A_586 : vector<16xi32> to vector<32xi16>
        %max3A_588 = arith.maxsi %scan3A_549, %bitcast3A_587 : vector<32xi16>
        %add3A_589 = arith.constant 4 : i32
        %add3A_590 = vector.broadcast %add3A_589 : i32 to vector<16xi32>
        %add3A_591 = arith.addi %mul3A_565, %add3A_590 : vector<16xi32>
        %gather3A_592 = tpu.vector_load_idx %arg8[%add3A_591] : memref<5000xi32, #tpu.memory_space<vmem>>[vector<16xi32>], vector<16xi32>,
        %bitcast3A_593 = vector.bitcast %gather3A_592 : vector<16xi32> to vector<32xi16>
        %max3A_594 = arith.maxsi %scan3A_550, %bitcast3A_593 : vector<32xi16>
        %gather3A_595 = tpu.vector_load_idx %arg6[%add3A_108, %select_n3A] : memref<128x200xi32, #tpu.memory_space<vmem>>[vector<16xi32>, vector<16xi32>], vector<16xi32>,
        %mul3A_596 = arith.constant 5 : i32
        %mul3A_597 = vector.broadcast %mul3A_596 : i32 to vector<16xi32>
        %mul3A_598 = arith.muli %gather3A_595, %mul3A_597 : vector<16xi32>
        %add3A_599 = arith.constant 0 : i32
        %add3A_600 = vector.broadcast %add3A_599 : i32 to vector<16xi32>
        %add3A_601 = arith.addi %mul3A_598, %add3A_600 : vector<16xi32>
        %gather3A_602 = tpu.vector_load_idx %arg8[%add3A_601] : memref<5000xi32, #tpu.memory_space<vmem>>[vector<16xi32>], vector<16xi32>,
        %bitcast3A_603 = vector.bitcast %gather3A_602 : vector<16xi32> to vector<32xi16>
        %max3A_604 = arith.maxsi %scan3A_551, %bitcast3A_603 : vector<32xi16>
        %add3A_605 = arith.constant 1 : i32
        %add3A_606 = vector.broadcast %add3A_605 : i32 to vector<16xi32>
        %add3A_607 = arith.addi %mul3A_598, %add3A_606 : vector<16xi32>
        %gather3A_608 = tpu.vector_load_idx %arg8[%add3A_607] : memref<5000xi32, #tpu.memory_space<vmem>>[vector<16xi32>], vector<16xi32>,
        %bitcast3A_609 = vector.bitcast %gather3A_608 : vector<16xi32> to vector<32xi16>
        %max3A_610 = arith.maxsi %scan3A_552, %bitcast3A_609 : vector<32xi16>
        %add3A_611 = arith.constant 2 : i32
        %add3A_612 = vector.broadcast %add3A_611 : i32 to vector<16xi32>
        %add3A_613 = arith.addi %mul3A_598, %add3A_612 : vector<16xi32>
        %gather3A_614 = tpu.vector_load_idx %arg8[%add3A_613] : memref<5000xi32, #tpu.memory_space<vmem>>[vector<16xi32>], vector<16xi32>,
        %bitcast3A_615 = vector.bitcast %gather3A_614 : vector<16xi32> to vector<32xi16>
        %max3A_616 = arith.maxsi %scan3A_553, %bitcast3A_615 : vector<32xi16>
        %add3A_617 = arith.constant 3 : i32
        %add3A_618 = vector.broadcast %add3A_617 : i32 to vector<16xi32>
        %add3A_619 = arith.addi %mul3A_598, %add3A_618 : vector<16xi32>
        %gather3A_620 = tpu.vector_load_idx %arg8[%add3A_619] : memref<5000xi32, #tpu.memory_space<vmem>>[vector<16xi32>], vector<16xi32>,
        %bitcast3A_621 = vector.bitcast %gather3A_620 : vector<16xi32> to vector<32xi16>
        %max3A_622 = arith.maxsi %scan3A_554, %bitcast3A_621 : vector<32xi16>
        %add3A_623 = arith.constant 4 : i32
        %add3A_624 = vector.broadcast %add3A_623 : i32 to vector<16xi32>
        %add3A_625 = arith.addi %mul3A_598, %add3A_624 : vector<16xi32>
        %gather3A_626 = tpu.vector_load_idx %arg8[%add3A_625] : memref<5000xi32, #tpu.memory_space<vmem>>[vector<16xi32>], vector<16xi32>,
        %bitcast3A_627 = vector.bitcast %gather3A_626 : vector<16xi32> to vector<32xi16>
        %max3A_628 = arith.maxsi %scan3A_555, %bitcast3A_627 : vector<32xi16>
        scf.yield %max3A, %max3A_576, %max3A_582, %max3A_588, %max3A_594, %max3A_604, %max3A_610, %max3A_616, %max3A_622, %max3A_628 : vector<32xi16>, vector<32xi16>, vector<32xi16>, vector<32xi16>, vector<32xi16>, vector<32xi16>, vector<32xi16>, vector<32xi16>, vector<32xi16>, vector<32xi16>
      }
      %scan3A_134 = arith.constant 200 : i32
      %unpack3A = tpu.unpack_subelements %scan3A_133#0, 0 {pack_format = #tpu.pack_format<interleaved>} : vector<32xi16> -> vector<16xi32>
      %unpack3A_135 = tpu.unpack_subelements %scan3A_133#0, 1 {pack_format = #tpu.pack_format<interleaved>} : vector<32xi16> -> vector<16xi32>
      %convert_element_type3A = arith.sitofp %unpack3A : vector<16xi32> to vector<16xf32>
      %mul3A_136 = arith.mulf %convert_element_type3A, %gather3A_36 : vector<16xf32>
      %bitcast3A = vector.bitcast %mul3A_136 : vector<16xf32> to vector<16xi32>
      %add3A_137 = arith.constant 32767 : i32
      %add3A_138 = vector.broadcast %add3A_137 : i32 to vector<16xi32>
      %add3A_139 = arith.addi %bitcast3A, %add3A_138 : vector<16xi32>
      %shift_right_logical3A = arith.constant 16 : i32
      %shift_right_logical3A_140 = vector.broadcast %shift_right_logical3A : i32 to vector<16xi32>
      %shift_right_logical3A_141 = arith.shrui %bitcast3A, %shift_right_logical3A_140 : vector<16xi32>
      %and3A = arith.constant 1 : i32
      %and3A_142 = vector.broadcast %and3A : i32 to vector<16xi32>
      %and3A_143 = arith.andi %shift_right_logical3A_141, %and3A_142 : vector<16xi32>
      %add3A_144 = arith.addi %add3A_139, %and3A_143 : vector<16xi32>
      %and3A_145 = arith.constant -65536 : i32
      %and3A_146 = vector.broadcast %and3A_145 : i32 to vector<16xi32>
      %and3A_147 = arith.andi %add3A_144, %and3A_146 : vector<16xi32>
      %bitcast3A_148 = vector.bitcast %and3A_147 : vector<16xi32> to vector<16xf32>
      %convert_element_type3A_149 = arith.sitofp %unpack3A_135 : vector<16xi32> to vector<16xf32>
      %mul3A_150 = arith.mulf %convert_element_type3A_149, %gather3A_36 : vector<16xf32>
      %bitcast3A_151 = vector.bitcast %mul3A_150 : vector<16xf32> to vector<16xi32>
      %add3A_152 = arith.constant 32767 : i32
      %add3A_153 = vector.broadcast %add3A_152 : i32 to vector<16xi32>
      %add3A_154 = arith.addi %bitcast3A_151, %add3A_153 : vector<16xi32>
      %shift_right_logical3A_155 = arith.constant 16 : i32
      %shift_right_logical3A_156 = vector.broadcast %shift_right_logical3A_155 : i32 to vector<16xi32>
      %shift_right_logical3A_157 = arith.shrui %bitcast3A_151, %shift_right_logical3A_156 : vector<16xi32>
      %and3A_158 = arith.constant 1 : i32
      %and3A_159 = vector.broadcast %and3A_158 : i32 to vector<16xi32>
      %and3A_160 = arith.andi %shift_right_logical3A_157, %and3A_159 : vector<16xi32>
      %add3A_161 = arith.addi %add3A_154, %and3A_160 : vector<16xi32>
      %and3A_162 = arith.constant -65536 : i32
      %and3A_163 = vector.broadcast %and3A_162 : i32 to vector<16xi32>
      %and3A_164 = arith.andi %add3A_161, %and3A_163 : vector<16xi32>
      %bitcast3A_165 = vector.bitcast %and3A_164 : vector<16xi32> to vector<16xf32>
      %mul3A_166 = arith.mulf %gather3A, %bitcast3A_148 : vector<16xf32>
      %add3A_167 = arith.addf %gather3A_33, %mul3A_166 : vector<16xf32>
      %mul3A_168 = arith.mulf %gather3A_6, %bitcast3A_165 : vector<16xf32>
      %add3A_169 = arith.addf %add3A_167, %mul3A_168 : vector<16xf32>
      %unpack3A_170 = tpu.unpack_subelements %scan3A_133#1, 0 {pack_format = #tpu.pack_format<interleaved>} : vector<32xi16> -> vector<16xi32>
      %unpack3A_171 = tpu.unpack_subelements %scan3A_133#1, 1 {pack_format = #tpu.pack_format<interleaved>} : vector<32xi16> -> vector<16xi32>
      %convert_element_type3A_172 = arith.sitofp %unpack3A_170 : vector<16xi32> to vector<16xf32>
      %mul3A_173 = arith.mulf %convert_element_type3A_172, %gather3A_36 : vector<16xf32>
      %bitcast3A_174 = vector.bitcast %mul3A_173 : vector<16xf32> to vector<16xi32>
      %add3A_175 = arith.constant 32767 : i32
      %add3A_176 = vector.broadcast %add3A_175 : i32 to vector<16xi32>
      %add3A_177 = arith.addi %bitcast3A_174, %add3A_176 : vector<16xi32>
      %shift_right_logical3A_178 = arith.constant 16 : i32
      %shift_right_logical3A_179 = vector.broadcast %shift_right_logical3A_178 : i32 to vector<16xi32>
      %shift_right_logical3A_180 = arith.shrui %bitcast3A_174, %shift_right_logical3A_179 : vector<16xi32>
      %and3A_181 = arith.constant 1 : i32
      %and3A_182 = vector.broadcast %and3A_181 : i32 to vector<16xi32>
      %and3A_183 = arith.andi %shift_right_logical3A_180, %and3A_182 : vector<16xi32>
      %add3A_184 = arith.addi %add3A_177, %and3A_183 : vector<16xi32>
      %and3A_185 = arith.constant -65536 : i32
      %and3A_186 = vector.broadcast %and3A_185 : i32 to vector<16xi32>
      %and3A_187 = arith.andi %add3A_184, %and3A_186 : vector<16xi32>
      %bitcast3A_188 = vector.bitcast %and3A_187 : vector<16xi32> to vector<16xf32>
      %convert_element_type3A_189 = arith.sitofp %unpack3A_171 : vector<16xi32> to vector<16xf32>
      %mul3A_190 = arith.mulf %convert_element_type3A_189, %gather3A_36 : vector<16xf32>
      %bitcast3A_191 = vector.bitcast %mul3A_190 : vector<16xf32> to vector<16xi32>
      %add3A_192 = arith.constant 32767 : i32
      %add3A_193 = vector.broadcast %add3A_192 : i32 to vector<16xi32>
      %add3A_194 = arith.addi %bitcast3A_191, %add3A_193 : vector<16xi32>
      %shift_right_logical3A_195 = arith.constant 16 : i32
      %shift_right_logical3A_196 = vector.broadcast %shift_right_logical3A_195 : i32 to vector<16xi32>
      %shift_right_logical3A_197 = arith.shrui %bitcast3A_191, %shift_right_logical3A_196 : vector<16xi32>
      %and3A_198 = arith.constant 1 : i32
      %and3A_199 = vector.broadcast %and3A_198 : i32 to vector<16xi32>
      %and3A_200 = arith.andi %shift_right_logical3A_197, %and3A_199 : vector<16xi32>
      %add3A_201 = arith.addi %add3A_194, %and3A_200 : vector<16xi32>
      %and3A_202 = arith.constant -65536 : i32
      %and3A_203 = vector.broadcast %and3A_202 : i32 to vector<16xi32>
      %and3A_204 = arith.andi %add3A_201, %and3A_203 : vector<16xi32>
      %bitcast3A_205 = vector.bitcast %and3A_204 : vector<16xi32> to vector<16xf32>
      %mul3A_206 = arith.mulf %gather3A_9, %bitcast3A_188 : vector<16xf32>
      %add3A_207 = arith.addf %add3A_169, %mul3A_206 : vector<16xf32>
      %mul3A_208 = arith.mulf %gather3A_12, %bitcast3A_205 : vector<16xf32>
      %add3A_209 = arith.addf %add3A_207, %mul3A_208 : vector<16xf32>
      %unpack3A_210 = tpu.unpack_subelements %scan3A_133#2, 0 {pack_format = #tpu.pack_format<interleaved>} : vector<32xi16> -> vector<16xi32>
      %unpack3A_211 = tpu.unpack_subelements %scan3A_133#2, 1 {pack_format = #tpu.pack_format<interleaved>} : vector<32xi16> -> vector<16xi32>
      %convert_element_type3A_212 = arith.sitofp %unpack3A_210 : vector<16xi32> to vector<16xf32>
      %mul3A_213 = arith.mulf %convert_element_type3A_212, %gather3A_36 : vector<16xf32>
      %bitcast3A_214 = vector.bitcast %mul3A_213 : vector<16xf32> to vector<16xi32>
      %add3A_215 = arith.constant 32767 : i32
      %add3A_216 = vector.broadcast %add3A_215 : i32 to vector<16xi32>
      %add3A_217 = arith.addi %bitcast3A_214, %add3A_216 : vector<16xi32>
      %shift_right_logical3A_218 = arith.constant 16 : i32
      %shift_right_logical3A_219 = vector.broadcast %shift_right_logical3A_218 : i32 to vector<16xi32>
      %shift_right_logical3A_220 = arith.shrui %bitcast3A_214, %shift_right_logical3A_219 : vector<16xi32>
      %and3A_221 = arith.constant 1 : i32
      %and3A_222 = vector.broadcast %and3A_221 : i32 to vector<16xi32>
      %and3A_223 = arith.andi %shift_right_logical3A_220, %and3A_222 : vector<16xi32>
      %add3A_224 = arith.addi %add3A_217, %and3A_223 : vector<16xi32>
      %and3A_225 = arith.constant -65536 : i32
      %and3A_226 = vector.broadcast %and3A_225 : i32 to vector<16xi32>
      %and3A_227 = arith.andi %add3A_224, %and3A_226 : vector<16xi32>
      %bitcast3A_228 = vector.bitcast %and3A_227 : vector<16xi32> to vector<16xf32>
      %convert_element_type3A_229 = arith.sitofp %unpack3A_211 : vector<16xi32> to vector<16xf32>
      %mul3A_230 = arith.mulf %convert_element_type3A_229, %gather3A_36 : vector<16xf32>
      %bitcast3A_231 = vector.bitcast %mul3A_230 : vector<16xf32> to vector<16xi32>
      %add3A_232 = arith.constant 32767 : i32
      %add3A_233 = vector.broadcast %add3A_232 : i32 to vector<16xi32>
      %add3A_234 = arith.addi %bitcast3A_231, %add3A_233 : vector<16xi32>
      %shift_right_logical3A_235 = arith.constant 16 : i32
      %shift_right_logical3A_236 = vector.broadcast %shift_right_logical3A_235 : i32 to vector<16xi32>
      %shift_right_logical3A_237 = arith.shrui %bitcast3A_231, %shift_right_logical3A_236 : vector<16xi32>
      %and3A_238 = arith.constant 1 : i32
      %and3A_239 = vector.broadcast %and3A_238 : i32 to vector<16xi32>
      %and3A_240 = arith.andi %shift_right_logical3A_237, %and3A_239 : vector<16xi32>
      %add3A_241 = arith.addi %add3A_234, %and3A_240 : vector<16xi32>
      %and3A_242 = arith.constant -65536 : i32
      %and3A_243 = vector.broadcast %and3A_242 : i32 to vector<16xi32>
      %and3A_244 = arith.andi %add3A_241, %and3A_243 : vector<16xi32>
      %bitcast3A_245 = vector.bitcast %and3A_244 : vector<16xi32> to vector<16xf32>
      %mul3A_246 = arith.mulf %gather3A_15, %bitcast3A_228 : vector<16xf32>
      %add3A_247 = arith.addf %add3A_209, %mul3A_246 : vector<16xf32>
      %mul3A_248 = arith.mulf %gather3A_18, %bitcast3A_245 : vector<16xf32>
      %add3A_249 = arith.addf %add3A_247, %mul3A_248 : vector<16xf32>
      %unpack3A_250 = tpu.unpack_subelements %scan3A_133#3, 0 {pack_format = #tpu.pack_format<interleaved>} : vector<32xi16> -> vector<16xi32>
      %unpack3A_251 = tpu.unpack_subelements %scan3A_133#3, 1 {pack_format = #tpu.pack_format<interleaved>} : vector<32xi16> -> vector<16xi32>
      %convert_element_type3A_252 = arith.sitofp %unpack3A_250 : vector<16xi32> to vector<16xf32>
      %mul3A_253 = arith.mulf %convert_element_type3A_252, %gather3A_36 : vector<16xf32>
      %bitcast3A_254 = vector.bitcast %mul3A_253 : vector<16xf32> to vector<16xi32>
      %add3A_255 = arith.constant 32767 : i32
      %add3A_256 = vector.broadcast %add3A_255 : i32 to vector<16xi32>
      %add3A_257 = arith.addi %bitcast3A_254, %add3A_256 : vector<16xi32>
      %shift_right_logical3A_258 = arith.constant 16 : i32
      %shift_right_logical3A_259 = vector.broadcast %shift_right_logical3A_258 : i32 to vector<16xi32>
      %shift_right_logical3A_260 = arith.shrui %bitcast3A_254, %shift_right_logical3A_259 : vector<16xi32>
      %and3A_261 = arith.constant 1 : i32
      %and3A_262 = vector.broadcast %and3A_261 : i32 to vector<16xi32>
      %and3A_263 = arith.andi %shift_right_logical3A_260, %and3A_262 : vector<16xi32>
      %add3A_264 = arith.addi %add3A_257, %and3A_263 : vector<16xi32>
      %and3A_265 = arith.constant -65536 : i32
      %and3A_266 = vector.broadcast %and3A_265 : i32 to vector<16xi32>
      %and3A_267 = arith.andi %add3A_264, %and3A_266 : vector<16xi32>
      %bitcast3A_268 = vector.bitcast %and3A_267 : vector<16xi32> to vector<16xf32>
      %convert_element_type3A_269 = arith.sitofp %unpack3A_251 : vector<16xi32> to vector<16xf32>
      %mul3A_270 = arith.mulf %convert_element_type3A_269, %gather3A_36 : vector<16xf32>
      %bitcast3A_271 = vector.bitcast %mul3A_270 : vector<16xf32> to vector<16xi32>
      %add3A_272 = arith.constant 32767 : i32
      %add3A_273 = vector.broadcast %add3A_272 : i32 to vector<16xi32>
      %add3A_274 = arith.addi %bitcast3A_271, %add3A_273 : vector<16xi32>
      %shift_right_logical3A_275 = arith.constant 16 : i32
      %shift_right_logical3A_276 = vector.broadcast %shift_right_logical3A_275 : i32 to vector<16xi32>
      %shift_right_logical3A_277 = arith.shrui %bitcast3A_271, %shift_right_logical3A_276 : vector<16xi32>
      %and3A_278 = arith.constant 1 : i32
      %and3A_279 = vector.broadcast %and3A_278 : i32 to vector<16xi32>
      %and3A_280 = arith.andi %shift_right_logical3A_277, %and3A_279 : vector<16xi32>
      %add3A_281 = arith.addi %add3A_274, %and3A_280 : vector<16xi32>
      %and3A_282 = arith.constant -65536 : i32
      %and3A_283 = vector.broadcast %and3A_282 : i32 to vector<16xi32>
      %and3A_284 = arith.andi %add3A_281, %and3A_283 : vector<16xi32>
      %bitcast3A_285 = vector.bitcast %and3A_284 : vector<16xi32> to vector<16xf32>
      %mul3A_286 = arith.mulf %gather3A_21, %bitcast3A_268 : vector<16xf32>
      %add3A_287 = arith.addf %add3A_249, %mul3A_286 : vector<16xf32>
      %mul3A_288 = arith.mulf %gather3A_24, %bitcast3A_285 : vector<16xf32>
      %add3A_289 = arith.addf %add3A_287, %mul3A_288 : vector<16xf32>
      %unpack3A_290 = tpu.unpack_subelements %scan3A_133#4, 0 {pack_format = #tpu.pack_format<interleaved>} : vector<32xi16> -> vector<16xi32>
      %unpack3A_291 = tpu.unpack_subelements %scan3A_133#4, 1 {pack_format = #tpu.pack_format<interleaved>} : vector<32xi16> -> vector<16xi32>
      %convert_element_type3A_292 = arith.sitofp %unpack3A_290 : vector<16xi32> to vector<16xf32>
      %mul3A_293 = arith.mulf %convert_element_type3A_292, %gather3A_36 : vector<16xf32>
      %bitcast3A_294 = vector.bitcast %mul3A_293 : vector<16xf32> to vector<16xi32>
      %add3A_295 = arith.constant 32767 : i32
      %add3A_296 = vector.broadcast %add3A_295 : i32 to vector<16xi32>
      %add3A_297 = arith.addi %bitcast3A_294, %add3A_296 : vector<16xi32>
      %shift_right_logical3A_298 = arith.constant 16 : i32
      %shift_right_logical3A_299 = vector.broadcast %shift_right_logical3A_298 : i32 to vector<16xi32>
      %shift_right_logical3A_300 = arith.shrui %bitcast3A_294, %shift_right_logical3A_299 : vector<16xi32>
      %and3A_301 = arith.constant 1 : i32
      %and3A_302 = vector.broadcast %and3A_301 : i32 to vector<16xi32>
      %and3A_303 = arith.andi %shift_right_logical3A_300, %and3A_302 : vector<16xi32>
      %add3A_304 = arith.addi %add3A_297, %and3A_303 : vector<16xi32>
      %and3A_305 = arith.constant -65536 : i32
      %and3A_306 = vector.broadcast %and3A_305 : i32 to vector<16xi32>
      %and3A_307 = arith.andi %add3A_304, %and3A_306 : vector<16xi32>
      %bitcast3A_308 = vector.bitcast %and3A_307 : vector<16xi32> to vector<16xf32>
      %convert_element_type3A_309 = arith.sitofp %unpack3A_291 : vector<16xi32> to vector<16xf32>
      %mul3A_310 = arith.mulf %convert_element_type3A_309, %gather3A_36 : vector<16xf32>
      %bitcast3A_311 = vector.bitcast %mul3A_310 : vector<16xf32> to vector<16xi32>
      %add3A_312 = arith.constant 32767 : i32
      %add3A_313 = vector.broadcast %add3A_312 : i32 to vector<16xi32>
      %add3A_314 = arith.addi %bitcast3A_311, %add3A_313 : vector<16xi32>
      %shift_right_logical3A_315 = arith.constant 16 : i32
      %shift_right_logical3A_316 = vector.broadcast %shift_right_logical3A_315 : i32 to vector<16xi32>
      %shift_right_logical3A_317 = arith.shrui %bitcast3A_311, %shift_right_logical3A_316 : vector<16xi32>
      %and3A_318 = arith.constant 1 : i32
      %and3A_319 = vector.broadcast %and3A_318 : i32 to vector<16xi32>
      %and3A_320 = arith.andi %shift_right_logical3A_317, %and3A_319 : vector<16xi32>
      %add3A_321 = arith.addi %add3A_314, %and3A_320 : vector<16xi32>
      %and3A_322 = arith.constant -65536 : i32
      %and3A_323 = vector.broadcast %and3A_322 : i32 to vector<16xi32>
      %and3A_324 = arith.andi %add3A_321, %and3A_323 : vector<16xi32>
      %bitcast3A_325 = vector.bitcast %and3A_324 : vector<16xi32> to vector<16xf32>
      %mul3A_326 = arith.mulf %gather3A_27, %bitcast3A_308 : vector<16xf32>
      %add3A_327 = arith.addf %add3A_289, %mul3A_326 : vector<16xf32>
      %mul3A_328 = arith.mulf %gather3A_30, %bitcast3A_325 : vector<16xf32>
      %add3A_329 = arith.addf %add3A_327, %mul3A_328 : vector<16xf32>
      %mul3A_330 = arith.constant 32 : i32
      %mul3A_331 = arith.muli %scan3A_96, %mul3A_330 : i32
      %add3A_332 = arith.constant 0 : i32
      %add3A_333 = arith.addi %add3A_332, %mul3A_331 : i32
      %add3A_334 = arith.constant 0 : i32
      %add3A_335 = arith.addi %add3A_333, %add3A_334 : i32
      %swap3A = arith.index_cast %add3A_335 : i32 to index
      %swap3A_336 = tpu.vector_load %arg10[%swap3A] {strides = array<i32>} : memref<512xf32, #tpu.memory_space<vmem>>, vector<16xf32>,
      tpu.vector_store %arg10[%swap3A], %add3A_329 {strides = array<i32>} : memref<512xf32, #tpu.memory_space<vmem>>, vector<16xf32>,
      %unpack3A_337 = tpu.unpack_subelements %scan3A_133#5, 0 {pack_format = #tpu.pack_format<interleaved>} : vector<32xi16> -> vector<16xi32>
      %unpack3A_338 = tpu.unpack_subelements %scan3A_133#5, 1 {pack_format = #tpu.pack_format<interleaved>} : vector<32xi16> -> vector<16xi32>
      %convert_element_type3A_339 = arith.sitofp %unpack3A_337 : vector<16xi32> to vector<16xf32>
      %mul3A_340 = arith.mulf %convert_element_type3A_339, %gather3A_36 : vector<16xf32>
      %bitcast3A_341 = vector.bitcast %mul3A_340 : vector<16xf32> to vector<16xi32>
      %add3A_342 = arith.constant 32767 : i32
      %add3A_343 = vector.broadcast %add3A_342 : i32 to vector<16xi32>
      %add3A_344 = arith.addi %bitcast3A_341, %add3A_343 : vector<16xi32>
      %shift_right_logical3A_345 = arith.constant 16 : i32
      %shift_right_logical3A_346 = vector.broadcast %shift_right_logical3A_345 : i32 to vector<16xi32>
      %shift_right_logical3A_347 = arith.shrui %bitcast3A_341, %shift_right_logical3A_346 : vector<16xi32>
      %and3A_348 = arith.constant 1 : i32
      %and3A_349 = vector.broadcast %and3A_348 : i32 to vector<16xi32>
      %and3A_350 = arith.andi %shift_right_logical3A_347, %and3A_349 : vector<16xi32>
      %add3A_351 = arith.addi %add3A_344, %and3A_350 : vector<16xi32>
      %and3A_352 = arith.constant -65536 : i32
      %and3A_353 = vector.broadcast %and3A_352 : i32 to vector<16xi32>
      %and3A_354 = arith.andi %add3A_351, %and3A_353 : vector<16xi32>
      %bitcast3A_355 = vector.bitcast %and3A_354 : vector<16xi32> to vector<16xf32>
      %convert_element_type3A_356 = arith.sitofp %unpack3A_338 : vector<16xi32> to vector<16xf32>
      %mul3A_357 = arith.mulf %convert_element_type3A_356, %gather3A_36 : vector<16xf32>
      %bitcast3A_358 = vector.bitcast %mul3A_357 : vector<16xf32> to vector<16xi32>
      %add3A_359 = arith.constant 32767 : i32
      %add3A_360 = vector.broadcast %add3A_359 : i32 to vector<16xi32>
      %add3A_361 = arith.addi %bitcast3A_358, %add3A_360 : vector<16xi32>
      %shift_right_logical3A_362 = arith.constant 16 : i32
      %shift_right_logical3A_363 = vector.broadcast %shift_right_logical3A_362 : i32 to vector<16xi32>
      %shift_right_logical3A_364 = arith.shrui %bitcast3A_358, %shift_right_logical3A_363 : vector<16xi32>
      %and3A_365 = arith.constant 1 : i32
      %and3A_366 = vector.broadcast %and3A_365 : i32 to vector<16xi32>
      %and3A_367 = arith.andi %shift_right_logical3A_364, %and3A_366 : vector<16xi32>
      %add3A_368 = arith.addi %add3A_361, %and3A_367 : vector<16xi32>
      %and3A_369 = arith.constant -65536 : i32
      %and3A_370 = vector.broadcast %and3A_369 : i32 to vector<16xi32>
      %and3A_371 = arith.andi %add3A_368, %and3A_370 : vector<16xi32>
      %bitcast3A_372 = vector.bitcast %and3A_371 : vector<16xi32> to vector<16xf32>
      %mul3A_373 = arith.mulf %gather3A, %bitcast3A_355 : vector<16xf32>
      %add3A_374 = arith.addf %gather3A_33, %mul3A_373 : vector<16xf32>
      %mul3A_375 = arith.mulf %gather3A_6, %bitcast3A_372 : vector<16xf32>
      %add3A_376 = arith.addf %add3A_374, %mul3A_375 : vector<16xf32>
      %unpack3A_377 = tpu.unpack_subelements %scan3A_133#6, 0 {pack_format = #tpu.pack_format<interleaved>} : vector<32xi16> -> vector<16xi32>
      %unpack3A_378 = tpu.unpack_subelements %scan3A_133#6, 1 {pack_format = #tpu.pack_format<interleaved>} : vector<32xi16> -> vector<16xi32>
      %convert_element_type3A_379 = arith.sitofp %unpack3A_377 : vector<16xi32> to vector<16xf32>
      %mul3A_380 = arith.mulf %convert_element_type3A_379, %gather3A_36 : vector<16xf32>
      %bitcast3A_381 = vector.bitcast %mul3A_380 : vector<16xf32> to vector<16xi32>
      %add3A_382 = arith.constant 32767 : i32
      %add3A_383 = vector.broadcast %add3A_382 : i32 to vector<16xi32>
      %add3A_384 = arith.addi %bitcast3A_381, %add3A_383 : vector<16xi32>
      %shift_right_logical3A_385 = arith.constant 16 : i32
      %shift_right_logical3A_386 = vector.broadcast %shift_right_logical3A_385 : i32 to vector<16xi32>
      %shift_right_logical3A_387 = arith.shrui %bitcast3A_381, %shift_right_logical3A_386 : vector<16xi32>
      %and3A_388 = arith.constant 1 : i32
      %and3A_389 = vector.broadcast %and3A_388 : i32 to vector<16xi32>
      %and3A_390 = arith.andi %shift_right_logical3A_387, %and3A_389 : vector<16xi32>
      %add3A_391 = arith.addi %add3A_384, %and3A_390 : vector<16xi32>
      %and3A_392 = arith.constant -65536 : i32
      %and3A_393 = vector.broadcast %and3A_392 : i32 to vector<16xi32>
      %and3A_394 = arith.andi %add3A_391, %and3A_393 : vector<16xi32>
      %bitcast3A_395 = vector.bitcast %and3A_394 : vector<16xi32> to vector<16xf32>
      %convert_element_type3A_396 = arith.sitofp %unpack3A_378 : vector<16xi32> to vector<16xf32>
      %mul3A_397 = arith.mulf %convert_element_type3A_396, %gather3A_36 : vector<16xf32>
      %bitcast3A_398 = vector.bitcast %mul3A_397 : vector<16xf32> to vector<16xi32>
      %add3A_399 = arith.constant 32767 : i32
      %add3A_400 = vector.broadcast %add3A_399 : i32 to vector<16xi32>
      %add3A_401 = arith.addi %bitcast3A_398, %add3A_400 : vector<16xi32>
      %shift_right_logical3A_402 = arith.constant 16 : i32
      %shift_right_logical3A_403 = vector.broadcast %shift_right_logical3A_402 : i32 to vector<16xi32>
      %shift_right_logical3A_404 = arith.shrui %bitcast3A_398, %shift_right_logical3A_403 : vector<16xi32>
      %and3A_405 = arith.constant 1 : i32
      %and3A_406 = vector.broadcast %and3A_405 : i32 to vector<16xi32>
      %and3A_407 = arith.andi %shift_right_logical3A_404, %and3A_406 : vector<16xi32>
      %add3A_408 = arith.addi %add3A_401, %and3A_407 : vector<16xi32>
      %and3A_409 = arith.constant -65536 : i32
      %and3A_410 = vector.broadcast %and3A_409 : i32 to vector<16xi32>
      %and3A_411 = arith.andi %add3A_408, %and3A_410 : vector<16xi32>
      %bitcast3A_412 = vector.bitcast %and3A_411 : vector<16xi32> to vector<16xf32>
      %mul3A_413 = arith.mulf %gather3A_9, %bitcast3A_395 : vector<16xf32>
      %add3A_414 = arith.addf %add3A_376, %mul3A_413 : vector<16xf32>
      %mul3A_415 = arith.mulf %gather3A_12, %bitcast3A_412 : vector<16xf32>
      %add3A_416 = arith.addf %add3A_414, %mul3A_415 : vector<16xf32>
      %unpack3A_417 = tpu.unpack_subelements %scan3A_133#7, 0 {pack_format = #tpu.pack_format<interleaved>} : vector<32xi16> -> vector<16xi32>
      %unpack3A_418 = tpu.unpack_subelements %scan3A_133#7, 1 {pack_format = #tpu.pack_format<interleaved>} : vector<32xi16> -> vector<16xi32>
      %convert_element_type3A_419 = arith.sitofp %unpack3A_417 : vector<16xi32> to vector<16xf32>
      %mul3A_420 = arith.mulf %convert_element_type3A_419, %gather3A_36 : vector<16xf32>
      %bitcast3A_421 = vector.bitcast %mul3A_420 : vector<16xf32> to vector<16xi32>
      %add3A_422 = arith.constant 32767 : i32
      %add3A_423 = vector.broadcast %add3A_422 : i32 to vector<16xi32>
      %add3A_424 = arith.addi %bitcast3A_421, %add3A_423 : vector<16xi32>
      %shift_right_logical3A_425 = arith.constant 16 : i32
      %shift_right_logical3A_426 = vector.broadcast %shift_right_logical3A_425 : i32 to vector<16xi32>
      %shift_right_logical3A_427 = arith.shrui %bitcast3A_421, %shift_right_logical3A_426 : vector<16xi32>
      %and3A_428 = arith.constant 1 : i32
      %and3A_429 = vector.broadcast %and3A_428 : i32 to vector<16xi32>
      %and3A_430 = arith.andi %shift_right_logical3A_427, %and3A_429 : vector<16xi32>
      %add3A_431 = arith.addi %add3A_424, %and3A_430 : vector<16xi32>
      %and3A_432 = arith.constant -65536 : i32
      %and3A_433 = vector.broadcast %and3A_432 : i32 to vector<16xi32>
      %and3A_434 = arith.andi %add3A_431, %and3A_433 : vector<16xi32>
      %bitcast3A_435 = vector.bitcast %and3A_434 : vector<16xi32> to vector<16xf32>
      %convert_element_type3A_436 = arith.sitofp %unpack3A_418 : vector<16xi32> to vector<16xf32>
      %mul3A_437 = arith.mulf %convert_element_type3A_436, %gather3A_36 : vector<16xf32>
      %bitcast3A_438 = vector.bitcast %mul3A_437 : vector<16xf32> to vector<16xi32>
      %add3A_439 = arith.constant 32767 : i32
      %add3A_440 = vector.broadcast %add3A_439 : i32 to vector<16xi32>
      %add3A_441 = arith.addi %bitcast3A_438, %add3A_440 : vector<16xi32>
      %shift_right_logical3A_442 = arith.constant 16 : i32
      %shift_right_logical3A_443 = vector.broadcast %shift_right_logical3A_442 : i32 to vector<16xi32>
      %shift_right_logical3A_444 = arith.shrui %bitcast3A_438, %shift_right_logical3A_443 : vector<16xi32>
      %and3A_445 = arith.constant 1 : i32
      %and3A_446 = vector.broadcast %and3A_445 : i32 to vector<16xi32>
      %and3A_447 = arith.andi %shift_right_logical3A_444, %and3A_446 : vector<16xi32>
      %add3A_448 = arith.addi %add3A_441, %and3A_447 : vector<16xi32>
      %and3A_449 = arith.constant -65536 : i32
      %and3A_450 = vector.broadcast %and3A_449 : i32 to vector<16xi32>
      %and3A_451 = arith.andi %add3A_448, %and3A_450 : vector<16xi32>
      %bitcast3A_452 = vector.bitcast %and3A_451 : vector<16xi32> to vector<16xf32>
      %mul3A_453 = arith.mulf %gather3A_15, %bitcast3A_435 : vector<16xf32>
      %add3A_454 = arith.addf %add3A_416, %mul3A_453 : vector<16xf32>
      %mul3A_455 = arith.mulf %gather3A_18, %bitcast3A_452 : vector<16xf32>
      %add3A_456 = arith.addf %add3A_454, %mul3A_455 : vector<16xf32>
      %unpack3A_457 = tpu.unpack_subelements %scan3A_133#8, 0 {pack_format = #tpu.pack_format<interleaved>} : vector<32xi16> -> vector<16xi32>
      %unpack3A_458 = tpu.unpack_subelements %scan3A_133#8, 1 {pack_format = #tpu.pack_format<interleaved>} : vector<32xi16> -> vector<16xi32>
      %convert_element_type3A_459 = arith.sitofp %unpack3A_457 : vector<16xi32> to vector<16xf32>
      %mul3A_460 = arith.mulf %convert_element_type3A_459, %gather3A_36 : vector<16xf32>
      %bitcast3A_461 = vector.bitcast %mul3A_460 : vector<16xf32> to vector<16xi32>
      %add3A_462 = arith.constant 32767 : i32
      %add3A_463 = vector.broadcast %add3A_462 : i32 to vector<16xi32>
      %add3A_464 = arith.addi %bitcast3A_461, %add3A_463 : vector<16xi32>
      %shift_right_logical3A_465 = arith.constant 16 : i32
      %shift_right_logical3A_466 = vector.broadcast %shift_right_logical3A_465 : i32 to vector<16xi32>
      %shift_right_logical3A_467 = arith.shrui %bitcast3A_461, %shift_right_logical3A_466 : vector<16xi32>
      %and3A_468 = arith.constant 1 : i32
      %and3A_469 = vector.broadcast %and3A_468 : i32 to vector<16xi32>
      %and3A_470 = arith.andi %shift_right_logical3A_467, %and3A_469 : vector<16xi32>
      %add3A_471 = arith.addi %add3A_464, %and3A_470 : vector<16xi32>
      %and3A_472 = arith.constant -65536 : i32
      %and3A_473 = vector.broadcast %and3A_472 : i32 to vector<16xi32>
      %and3A_474 = arith.andi %add3A_471, %and3A_473 : vector<16xi32>
      %bitcast3A_475 = vector.bitcast %and3A_474 : vector<16xi32> to vector<16xf32>
      %convert_element_type3A_476 = arith.sitofp %unpack3A_458 : vector<16xi32> to vector<16xf32>
      %mul3A_477 = arith.mulf %convert_element_type3A_476, %gather3A_36 : vector<16xf32>
      %bitcast3A_478 = vector.bitcast %mul3A_477 : vector<16xf32> to vector<16xi32>
      %add3A_479 = arith.constant 32767 : i32
      %add3A_480 = vector.broadcast %add3A_479 : i32 to vector<16xi32>
      %add3A_481 = arith.addi %bitcast3A_478, %add3A_480 : vector<16xi32>
      %shift_right_logical3A_482 = arith.constant 16 : i32
      %shift_right_logical3A_483 = vector.broadcast %shift_right_logical3A_482 : i32 to vector<16xi32>
      %shift_right_logical3A_484 = arith.shrui %bitcast3A_478, %shift_right_logical3A_483 : vector<16xi32>
      %and3A_485 = arith.constant 1 : i32
      %and3A_486 = vector.broadcast %and3A_485 : i32 to vector<16xi32>
      %and3A_487 = arith.andi %shift_right_logical3A_484, %and3A_486 : vector<16xi32>
      %add3A_488 = arith.addi %add3A_481, %and3A_487 : vector<16xi32>
      %and3A_489 = arith.constant -65536 : i32
      %and3A_490 = vector.broadcast %and3A_489 : i32 to vector<16xi32>
      %and3A_491 = arith.andi %add3A_488, %and3A_490 : vector<16xi32>
      %bitcast3A_492 = vector.bitcast %and3A_491 : vector<16xi32> to vector<16xf32>
      %mul3A_493 = arith.mulf %gather3A_21, %bitcast3A_475 : vector<16xf32>
      %add3A_494 = arith.addf %add3A_456, %mul3A_493 : vector<16xf32>
      %mul3A_495 = arith.mulf %gather3A_24, %bitcast3A_492 : vector<16xf32>
      %add3A_496 = arith.addf %add3A_494, %mul3A_495 : vector<16xf32>
      %unpack3A_497 = tpu.unpack_subelements %scan3A_133#9, 0 {pack_format = #tpu.pack_format<interleaved>} : vector<32xi16> -> vector<16xi32>
      %unpack3A_498 = tpu.unpack_subelements %scan3A_133#9, 1 {pack_format = #tpu.pack_format<interleaved>} : vector<32xi16> -> vector<16xi32>
      %convert_element_type3A_499 = arith.sitofp %unpack3A_497 : vector<16xi32> to vector<16xf32>
      %mul3A_500 = arith.mulf %convert_element_type3A_499, %gather3A_36 : vector<16xf32>
      %bitcast3A_501 = vector.bitcast %mul3A_500 : vector<16xf32> to vector<16xi32>
      %add3A_502 = arith.constant 32767 : i32
      %add3A_503 = vector.broadcast %add3A_502 : i32 to vector<16xi32>
      %add3A_504 = arith.addi %bitcast3A_501, %add3A_503 : vector<16xi32>
      %shift_right_logical3A_505 = arith.constant 16 : i32
      %shift_right_logical3A_506 = vector.broadcast %shift_right_logical3A_505 : i32 to vector<16xi32>
      %shift_right_logical3A_507 = arith.shrui %bitcast3A_501, %shift_right_logical3A_506 : vector<16xi32>
      %and3A_508 = arith.constant 1 : i32
      %and3A_509 = vector.broadcast %and3A_508 : i32 to vector<16xi32>
      %and3A_510 = arith.andi %shift_right_logical3A_507, %and3A_509 : vector<16xi32>
      %add3A_511 = arith.addi %add3A_504, %and3A_510 : vector<16xi32>
      %and3A_512 = arith.constant -65536 : i32
      %and3A_513 = vector.broadcast %and3A_512 : i32 to vector<16xi32>
      %and3A_514 = arith.andi %add3A_511, %and3A_513 : vector<16xi32>
      %bitcast3A_515 = vector.bitcast %and3A_514 : vector<16xi32> to vector<16xf32>
      %convert_element_type3A_516 = arith.sitofp %unpack3A_498 : vector<16xi32> to vector<16xf32>
      %mul3A_517 = arith.mulf %convert_element_type3A_516, %gather3A_36 : vector<16xf32>
      %bitcast3A_518 = vector.bitcast %mul3A_517 : vector<16xf32> to vector<16xi32>
      %add3A_519 = arith.constant 32767 : i32
      %add3A_520 = vector.broadcast %add3A_519 : i32 to vector<16xi32>
      %add3A_521 = arith.addi %bitcast3A_518, %add3A_520 : vector<16xi32>
      %shift_right_logical3A_522 = arith.constant 16 : i32
      %shift_right_logical3A_523 = vector.broadcast %shift_right_logical3A_522 : i32 to vector<16xi32>
      %shift_right_logical3A_524 = arith.shrui %bitcast3A_518, %shift_right_logical3A_523 : vector<16xi32>
      %and3A_525 = arith.constant 1 : i32
      %and3A_526 = vector.broadcast %and3A_525 : i32 to vector<16xi32>
      %and3A_527 = arith.andi %shift_right_logical3A_524, %and3A_526 : vector<16xi32>
      %add3A_528 = arith.addi %add3A_521, %and3A_527 : vector<16xi32>
      %and3A_529 = arith.constant -65536 : i32
      %and3A_530 = vector.broadcast %and3A_529 : i32 to vector<16xi32>
      %and3A_531 = arith.andi %add3A_528, %and3A_530 : vector<16xi32>
      %bitcast3A_532 = vector.bitcast %and3A_531 : vector<16xi32> to vector<16xf32>
      %mul3A_533 = arith.mulf %gather3A_27, %bitcast3A_515 : vector<16xf32>
      %add3A_534 = arith.addf %add3A_496, %mul3A_533 : vector<16xf32>
      %mul3A_535 = arith.mulf %gather3A_30, %bitcast3A_532 : vector<16xf32>
      %add3A_536 = arith.addf %add3A_534, %mul3A_535 : vector<16xf32>
      %mul3A_537 = arith.constant 32 : i32
      %mul3A_538 = arith.muli %scan3A_96, %mul3A_537 : i32
      %add3A_539 = arith.constant 0 : i32
      %add3A_540 = arith.addi %add3A_539, %mul3A_538 : i32
      %add3A_541 = arith.constant 16 : i32
      %add3A_542 = arith.addi %add3A_540, %add3A_541 : i32
      %swap3A_543 = arith.index_cast %add3A_542 : i32 to index
      %swap3A_544 = tpu.vector_load %arg10[%swap3A_543] {strides = array<i32>} : memref<512xf32, #tpu.memory_space<vmem>>, vector<16xf32>,
      tpu.vector_store %arg10[%swap3A_543], %add3A_536 {strides = array<i32>} : memref<512xf32, #tpu.memory_space<vmem>>, vector<16xf32>,
    }
    %scan3A_53 = arith.constant 4 : i32
    %dma_wait3A_54 = arith.constant 0 : i32
    %dma_wait3A_55 = tpu.memref_slice %arg2[%add3A_44, %dma_wait3A_54] : memref<16384x200xi32, #tpu.memory_space<hbm>> -> memref<128x200xi32, #tpu.memory_space<hbm>>
    %dma_wait3A_56 = arith.constant 0 : i32
    %dma_wait3A_57 = tpu.memref_slice %arg2[%add3A_44, %dma_wait3A_56] : memref<16384x200xi32, #tpu.memory_space<hbm>> -> memref<128x200xi32, #tpu.memory_space<hbm>>
    tpu.wait_dma2 semaphore(%arg12 : memref<!tpu.dma_semaphore, #tpu.memory_space<semaphore_mem>>) src(%dma_wait3A_57 : memref<128x200xi32, #tpu.memory_space<hbm>>) dst(%arg7 : memref<128x200xi32, #tpu.memory_space<vmem>>)
    %add3A_58 = arith.constant 256 : i32
    %add3A_59 = arith.addi %mul3A_2, %add3A_58 : i32
    %dma_start3A_60 = arith.constant 0 : i32
    %dma_start3A_61 = tpu.memref_slice %arg2[%add3A_59, %dma_start3A_60] : memref<16384x200xi32, #tpu.memory_space<hbm>> -> memref<128x200xi32, #tpu.memory_space<hbm>>
    %dma_start3A_62 = arith.constant 0 : i32
    %dma_start3A_63 = tpu.memref_slice %arg2[%add3A_59, %dma_start3A_62] : memref<16384x200xi32, #tpu.memory_space<hbm>> -> memref<128x200xi32, #tpu.memory_space<hbm>>
    tpu.enqueue_dma source(%dma_start3A_63 : memref<128x200xi32, #tpu.memory_space<hbm>>) target(%arg6 : memref<128x200xi32, #tpu.memory_space<vmem>>) target_semaphore(%arg11 : memref<!tpu.dma_semaphore, #tpu.memory_space<semaphore_mem>>)
    %scan3A_64 = arith.constant 0 : i32
    %scan3A_65 = arith.constant 0 : i32
    %scan3A_66 = arith.constant 4 : i32
    %scan3A_67 = arith.addi %scan3A_65, %scan3A_66 : i32
    %scan3A_68 = arith.constant 1 : i32
    scf.for %scan3A_96 = %scan3A_65 to %scan3A_67 step %scan3A_68  : i32 {
      %mul3A_97 = arith.constant 32 : i32
      %mul3A_98 = arith.muli %scan3A_96, %mul3A_97 : i32
      %add3A_99 = arith.constant 0 : i32
      %add3A_100 = arith.addi %mul3A_98, %add3A_99 : i32
      %add3A_101 = vector.broadcast %add3A_100 : i32 to vector<16xi32>
      %add3A_102 = arith.addi %add3A_101, %iota3A : vector<16xi32>
      %mul3A_103 = arith.constant 32 : i32
      %mul3A_104 = arith.muli %scan3A_96, %mul3A_103 : i32
      %add3A_105 = arith.constant 16 : i32
      %add3A_106 = arith.addi %mul3A_104, %add3A_105 : i32
      %add3A_107 = vector.broadcast %add3A_106 : i32 to vector<16xi32>
      %add3A_108 = arith.addi %add3A_107, %iota3A : vector<16xi32>
      %broadcast_in_dim3A_109 = arith.constant -32768 : i16
      %broadcast_in_dim3A_110 = vector.broadcast %broadcast_in_dim3A_109 : i16 to vector<32xi16>
      %broadcast_in_dim3A_111 = arith.constant -32768 : i16
      %broadcast_in_dim3A_112 = vector.broadcast %broadcast_in_dim3A_111 : i16 to vector<32xi16>
      %broadcast_in_dim3A_113 = arith.constant -32768 : i16
      %broadcast_in_dim3A_114 = vector.broadcast %broadcast_in_dim3A_113 : i16 to vector<32xi16>
      %broadcast_in_dim3A_115 = arith.constant -32768 : i16
      %broadcast_in_dim3A_116 = vector.broadcast %broadcast_in_dim3A_115 : i16 to vector<32xi16>
      %broadcast_in_dim3A_117 = arith.constant -32768 : i16
      %broadcast_in_dim3A_118 = vector.broadcast %broadcast_in_dim3A_117 : i16 to vector<32xi16>
      %broadcast_in_dim3A_119 = arith.constant -32768 : i16
      %broadcast_in_dim3A_120 = vector.broadcast %broadcast_in_dim3A_119 : i16 to vector<32xi16>
      %broadcast_in_dim3A_121 = arith.constant -32768 : i16
      %broadcast_in_dim3A_122 = vector.broadcast %broadcast_in_dim3A_121 : i16 to vector<32xi16>
      %broadcast_in_dim3A_123 = arith.constant -32768 : i16
      %broadcast_in_dim3A_124 = vector.broadcast %broadcast_in_dim3A_123 : i16 to vector<32xi16>
      %broadcast_in_dim3A_125 = arith.constant -32768 : i16
      %broadcast_in_dim3A_126 = vector.broadcast %broadcast_in_dim3A_125 : i16 to vector<32xi16>
      %broadcast_in_dim3A_127 = arith.constant -32768 : i16
      %broadcast_in_dim3A_128 = vector.broadcast %broadcast_in_dim3A_127 : i16 to vector<32xi16>
      %scan3A_129 = arith.constant 0 : i32
      %scan3A_130 = arith.constant 200 : i32
      %scan3A_131 = arith.addi %scan3A_129, %scan3A_130 : i32
      %scan3A_132 = arith.constant 1 : i32
      %scan3A_133:10 = scf.for %scan3A_545 = %scan3A_129 to %scan3A_131 step %scan3A_132 iter_args(%scan3A_546 = %broadcast_in_dim3A_110, %scan3A_547 = %broadcast_in_dim3A_112, %scan3A_548 = %broadcast_in_dim3A_114, %scan3A_549 = %broadcast_in_dim3A_116, %scan3A_550 = %broadcast_in_dim3A_118, %scan3A_551 = %broadcast_in_dim3A_120, %scan3A_552 = %broadcast_in_dim3A_122, %scan3A_553 = %broadcast_in_dim3A_124, %scan3A_554 = %broadcast_in_dim3A_126, %scan3A_555 = %broadcast_in_dim3A_128) -> (vector<32xi16>, vector<32xi16>, vector<32xi16>, vector<32xi16>, vector<32xi16>, vector<32xi16>, vector<32xi16>, vector<32xi16>, vector<32xi16>, vector<32xi16>)  : i32 {
        %add3A_556 = vector.broadcast %scan3A_545 : i32 to vector<16xi32>
        %add3A_557 = arith.addi %add3A_556, %iota3A : vector<16xi32>
        %ge3A = arith.constant 200 : i32
        %ge3A_558 = vector.broadcast %ge3A : i32 to vector<16xi32>
        %ge3A_559 = arith.cmpi sge, %add3A_557, %ge3A_558 : vector<16xi32>
        %sub3A = arith.constant 200 : i32
        %sub3A_560 = vector.broadcast %sub3A : i32 to vector<16xi32>
        %sub3A_561 = arith.subi %add3A_557, %sub3A_560 : vector<16xi32>
        %select_n3A = arith.select %ge3A_559, %sub3A_561, %add3A_557 : vector<16xi1>, vector<16xi32>
        %gather3A_562 = tpu.vector_load_idx %arg7[%add3A_102, %select_n3A] : memref<128x200xi32, #tpu.memory_space<vmem>>[vector<16xi32>, vector<16xi32>], vector<16xi32>,
        %mul3A_563 = arith.constant 5 : i32
        %mul3A_564 = vector.broadcast %mul3A_563 : i32 to vector<16xi32>
        %mul3A_565 = arith.muli %gather3A_562, %mul3A_564 : vector<16xi32>
        %add3A_566 = arith.constant 0 : i32
        %add3A_567 = vector.broadcast %add3A_566 : i32 to vector<16xi32>
        %add3A_568 = arith.addi %mul3A_565, %add3A_567 : vector<16xi32>
        %gather3A_569 = tpu.vector_load_idx %arg8[%add3A_568] : memref<5000xi32, #tpu.memory_space<vmem>>[vector<16xi32>], vector<16xi32>,
        %bitcast3A_570 = vector.bitcast %gather3A_569 : vector<16xi32> to vector<32xi16>
        %max3A = arith.maxsi %scan3A_546, %bitcast3A_570 : vector<32xi16>
        %add3A_571 = arith.constant 1 : i32
        %add3A_572 = vector.broadcast %add3A_571 : i32 to vector<16xi32>
        %add3A_573 = arith.addi %mul3A_565, %add3A_572 : vector<16xi32>
        %gather3A_574 = tpu.vector_load_idx %arg8[%add3A_573] : memref<5000xi32, #tpu.memory_space<vmem>>[vector<16xi32>], vector<16xi32>,
        %bitcast3A_575 = vector.bitcast %gather3A_574 : vector<16xi32> to vector<32xi16>
        %max3A_576 = arith.maxsi %scan3A_547, %bitcast3A_575 : vector<32xi16>
        %add3A_577 = arith.constant 2 : i32
        %add3A_578 = vector.broadcast %add3A_577 : i32 to vector<16xi32>
        %add3A_579 = arith.addi %mul3A_565, %add3A_578 : vector<16xi32>
        %gather3A_580 = tpu.vector_load_idx %arg8[%add3A_579] : memref<5000xi32, #tpu.memory_space<vmem>>[vector<16xi32>], vector<16xi32>,
        %bitcast3A_581 = vector.bitcast %gather3A_580 : vector<16xi32> to vector<32xi16>
        %max3A_582 = arith.maxsi %scan3A_548, %bitcast3A_581 : vector<32xi16>
        %add3A_583 = arith.constant 3 : i32
        %add3A_584 = vector.broadcast %add3A_583 : i32 to vector<16xi32>
        %add3A_585 = arith.addi %mul3A_565, %add3A_584 : vector<16xi32>
        %gather3A_586 = tpu.vector_load_idx %arg8[%add3A_585] : memref<5000xi32, #tpu.memory_space<vmem>>[vector<16xi32>], vector<16xi32>,
        %bitcast3A_587 = vector.bitcast %gather3A_586 : vector<16xi32> to vector<32xi16>
        %max3A_588 = arith.maxsi %scan3A_549, %bitcast3A_587 : vector<32xi16>
        %add3A_589 = arith.constant 4 : i32
        %add3A_590 = vector.broadcast %add3A_589 : i32 to vector<16xi32>
        %add3A_591 = arith.addi %mul3A_565, %add3A_590 : vector<16xi32>
        %gather3A_592 = tpu.vector_load_idx %arg8[%add3A_591] : memref<5000xi32, #tpu.memory_space<vmem>>[vector<16xi32>], vector<16xi32>,
        %bitcast3A_593 = vector.bitcast %gather3A_592 : vector<16xi32> to vector<32xi16>
        %max3A_594 = arith.maxsi %scan3A_550, %bitcast3A_593 : vector<32xi16>
        %gather3A_595 = tpu.vector_load_idx %arg7[%add3A_108, %select_n3A] : memref<128x200xi32, #tpu.memory_space<vmem>>[vector<16xi32>, vector<16xi32>], vector<16xi32>,
        %mul3A_596 = arith.constant 5 : i32
        %mul3A_597 = vector.broadcast %mul3A_596 : i32 to vector<16xi32>
        %mul3A_598 = arith.muli %gather3A_595, %mul3A_597 : vector<16xi32>
        %add3A_599 = arith.constant 0 : i32
        %add3A_600 = vector.broadcast %add3A_599 : i32 to vector<16xi32>
        %add3A_601 = arith.addi %mul3A_598, %add3A_600 : vector<16xi32>
        %gather3A_602 = tpu.vector_load_idx %arg8[%add3A_601] : memref<5000xi32, #tpu.memory_space<vmem>>[vector<16xi32>], vector<16xi32>,
        %bitcast3A_603 = vector.bitcast %gather3A_602 : vector<16xi32> to vector<32xi16>
        %max3A_604 = arith.maxsi %scan3A_551, %bitcast3A_603 : vector<32xi16>
        %add3A_605 = arith.constant 1 : i32
        %add3A_606 = vector.broadcast %add3A_605 : i32 to vector<16xi32>
        %add3A_607 = arith.addi %mul3A_598, %add3A_606 : vector<16xi32>
        %gather3A_608 = tpu.vector_load_idx %arg8[%add3A_607] : memref<5000xi32, #tpu.memory_space<vmem>>[vector<16xi32>], vector<16xi32>,
        %bitcast3A_609 = vector.bitcast %gather3A_608 : vector<16xi32> to vector<32xi16>
        %max3A_610 = arith.maxsi %scan3A_552, %bitcast3A_609 : vector<32xi16>
        %add3A_611 = arith.constant 2 : i32
        %add3A_612 = vector.broadcast %add3A_611 : i32 to vector<16xi32>
        %add3A_613 = arith.addi %mul3A_598, %add3A_612 : vector<16xi32>
        %gather3A_614 = tpu.vector_load_idx %arg8[%add3A_613] : memref<5000xi32, #tpu.memory_space<vmem>>[vector<16xi32>], vector<16xi32>,
        %bitcast3A_615 = vector.bitcast %gather3A_614 : vector<16xi32> to vector<32xi16>
        %max3A_616 = arith.maxsi %scan3A_553, %bitcast3A_615 : vector<32xi16>
        %add3A_617 = arith.constant 3 : i32
        %add3A_618 = vector.broadcast %add3A_617 : i32 to vector<16xi32>
        %add3A_619 = arith.addi %mul3A_598, %add3A_618 : vector<16xi32>
        %gather3A_620 = tpu.vector_load_idx %arg8[%add3A_619] : memref<5000xi32, #tpu.memory_space<vmem>>[vector<16xi32>], vector<16xi32>,
        %bitcast3A_621 = vector.bitcast %gather3A_620 : vector<16xi32> to vector<32xi16>
        %max3A_622 = arith.maxsi %scan3A_554, %bitcast3A_621 : vector<32xi16>
        %add3A_623 = arith.constant 4 : i32
        %add3A_624 = vector.broadcast %add3A_623 : i32 to vector<16xi32>
        %add3A_625 = arith.addi %mul3A_598, %add3A_624 : vector<16xi32>
        %gather3A_626 = tpu.vector_load_idx %arg8[%add3A_625] : memref<5000xi32, #tpu.memory_space<vmem>>[vector<16xi32>], vector<16xi32>,
        %bitcast3A_627 = vector.bitcast %gather3A_626 : vector<16xi32> to vector<32xi16>
        %max3A_628 = arith.maxsi %scan3A_555, %bitcast3A_627 : vector<32xi16>
        scf.yield %max3A, %max3A_576, %max3A_582, %max3A_588, %max3A_594, %max3A_604, %max3A_610, %max3A_616, %max3A_622, %max3A_628 : vector<32xi16>, vector<32xi16>, vector<32xi16>, vector<32xi16>, vector<32xi16>, vector<32xi16>, vector<32xi16>, vector<32xi16>, vector<32xi16>, vector<32xi16>
      }
      %scan3A_134 = arith.constant 200 : i32
      %unpack3A = tpu.unpack_subelements %scan3A_133#0, 0 {pack_format = #tpu.pack_format<interleaved>} : vector<32xi16> -> vector<16xi32>
      %unpack3A_135 = tpu.unpack_subelements %scan3A_133#0, 1 {pack_format = #tpu.pack_format<interleaved>} : vector<32xi16> -> vector<16xi32>
      %convert_element_type3A = arith.sitofp %unpack3A : vector<16xi32> to vector<16xf32>
      %mul3A_136 = arith.mulf %convert_element_type3A, %gather3A_36 : vector<16xf32>
      %bitcast3A = vector.bitcast %mul3A_136 : vector<16xf32> to vector<16xi32>
      %add3A_137 = arith.constant 32767 : i32
      %add3A_138 = vector.broadcast %add3A_137 : i32 to vector<16xi32>
      %add3A_139 = arith.addi %bitcast3A, %add3A_138 : vector<16xi32>
      %shift_right_logical3A = arith.constant 16 : i32
      %shift_right_logical3A_140 = vector.broadcast %shift_right_logical3A : i32 to vector<16xi32>
      %shift_right_logical3A_141 = arith.shrui %bitcast3A, %shift_right_logical3A_140 : vector<16xi32>
      %and3A = arith.constant 1 : i32
      %and3A_142 = vector.broadcast %and3A : i32 to vector<16xi32>
      %and3A_143 = arith.andi %shift_right_logical3A_141, %and3A_142 : vector<16xi32>
      %add3A_144 = arith.addi %add3A_139, %and3A_143 : vector<16xi32>
      %and3A_145 = arith.constant -65536 : i32
      %and3A_146 = vector.broadcast %and3A_145 : i32 to vector<16xi32>
      %and3A_147 = arith.andi %add3A_144, %and3A_146 : vector<16xi32>
      %bitcast3A_148 = vector.bitcast %and3A_147 : vector<16xi32> to vector<16xf32>
      %convert_element_type3A_149 = arith.sitofp %unpack3A_135 : vector<16xi32> to vector<16xf32>
      %mul3A_150 = arith.mulf %convert_element_type3A_149, %gather3A_36 : vector<16xf32>
      %bitcast3A_151 = vector.bitcast %mul3A_150 : vector<16xf32> to vector<16xi32>
      %add3A_152 = arith.constant 32767 : i32
      %add3A_153 = vector.broadcast %add3A_152 : i32 to vector<16xi32>
      %add3A_154 = arith.addi %bitcast3A_151, %add3A_153 : vector<16xi32>
      %shift_right_logical3A_155 = arith.constant 16 : i32
      %shift_right_logical3A_156 = vector.broadcast %shift_right_logical3A_155 : i32 to vector<16xi32>
      %shift_right_logical3A_157 = arith.shrui %bitcast3A_151, %shift_right_logical3A_156 : vector<16xi32>
      %and3A_158 = arith.constant 1 : i32
      %and3A_159 = vector.broadcast %and3A_158 : i32 to vector<16xi32>
      %and3A_160 = arith.andi %shift_right_logical3A_157, %and3A_159 : vector<16xi32>
      %add3A_161 = arith.addi %add3A_154, %and3A_160 : vector<16xi32>
      %and3A_162 = arith.constant -65536 : i32
      %and3A_163 = vector.broadcast %and3A_162 : i32 to vector<16xi32>
      %and3A_164 = arith.andi %add3A_161, %and3A_163 : vector<16xi32>
      %bitcast3A_165 = vector.bitcast %and3A_164 : vector<16xi32> to vector<16xf32>
      %mul3A_166 = arith.mulf %gather3A, %bitcast3A_148 : vector<16xf32>
      %add3A_167 = arith.addf %gather3A_33, %mul3A_166 : vector<16xf32>
      %mul3A_168 = arith.mulf %gather3A_6, %bitcast3A_165 : vector<16xf32>
      %add3A_169 = arith.addf %add3A_167, %mul3A_168 : vector<16xf32>
      %unpack3A_170 = tpu.unpack_subelements %scan3A_133#1, 0 {pack_format = #tpu.pack_format<interleaved>} : vector<32xi16> -> vector<16xi32>
      %unpack3A_171 = tpu.unpack_subelements %scan3A_133#1, 1 {pack_format = #tpu.pack_format<interleaved>} : vector<32xi16> -> vector<16xi32>
      %convert_element_type3A_172 = arith.sitofp %unpack3A_170 : vector<16xi32> to vector<16xf32>
      %mul3A_173 = arith.mulf %convert_element_type3A_172, %gather3A_36 : vector<16xf32>
      %bitcast3A_174 = vector.bitcast %mul3A_173 : vector<16xf32> to vector<16xi32>
      %add3A_175 = arith.constant 32767 : i32
      %add3A_176 = vector.broadcast %add3A_175 : i32 to vector<16xi32>
      %add3A_177 = arith.addi %bitcast3A_174, %add3A_176 : vector<16xi32>
      %shift_right_logical3A_178 = arith.constant 16 : i32
      %shift_right_logical3A_179 = vector.broadcast %shift_right_logical3A_178 : i32 to vector<16xi32>
      %shift_right_logical3A_180 = arith.shrui %bitcast3A_174, %shift_right_logical3A_179 : vector<16xi32>
      %and3A_181 = arith.constant 1 : i32
      %and3A_182 = vector.broadcast %and3A_181 : i32 to vector<16xi32>
      %and3A_183 = arith.andi %shift_right_logical3A_180, %and3A_182 : vector<16xi32>
      %add3A_184 = arith.addi %add3A_177, %and3A_183 : vector<16xi32>
      %and3A_185 = arith.constant -65536 : i32
      %and3A_186 = vector.broadcast %and3A_185 : i32 to vector<16xi32>
      %and3A_187 = arith.andi %add3A_184, %and3A_186 : vector<16xi32>
      %bitcast3A_188 = vector.bitcast %and3A_187 : vector<16xi32> to vector<16xf32>
      %convert_element_type3A_189 = arith.sitofp %unpack3A_171 : vector<16xi32> to vector<16xf32>
      %mul3A_190 = arith.mulf %convert_element_type3A_189, %gather3A_36 : vector<16xf32>
      %bitcast3A_191 = vector.bitcast %mul3A_190 : vector<16xf32> to vector<16xi32>
      %add3A_192 = arith.constant 32767 : i32
      %add3A_193 = vector.broadcast %add3A_192 : i32 to vector<16xi32>
      %add3A_194 = arith.addi %bitcast3A_191, %add3A_193 : vector<16xi32>
      %shift_right_logical3A_195 = arith.constant 16 : i32
      %shift_right_logical3A_196 = vector.broadcast %shift_right_logical3A_195 : i32 to vector<16xi32>
      %shift_right_logical3A_197 = arith.shrui %bitcast3A_191, %shift_right_logical3A_196 : vector<16xi32>
      %and3A_198 = arith.constant 1 : i32
      %and3A_199 = vector.broadcast %and3A_198 : i32 to vector<16xi32>
      %and3A_200 = arith.andi %shift_right_logical3A_197, %and3A_199 : vector<16xi32>
      %add3A_201 = arith.addi %add3A_194, %and3A_200 : vector<16xi32>
      %and3A_202 = arith.constant -65536 : i32
      %and3A_203 = vector.broadcast %and3A_202 : i32 to vector<16xi32>
      %and3A_204 = arith.andi %add3A_201, %and3A_203 : vector<16xi32>
      %bitcast3A_205 = vector.bitcast %and3A_204 : vector<16xi32> to vector<16xf32>
      %mul3A_206 = arith.mulf %gather3A_9, %bitcast3A_188 : vector<16xf32>
      %add3A_207 = arith.addf %add3A_169, %mul3A_206 : vector<16xf32>
      %mul3A_208 = arith.mulf %gather3A_12, %bitcast3A_205 : vector<16xf32>
      %add3A_209 = arith.addf %add3A_207, %mul3A_208 : vector<16xf32>
      %unpack3A_210 = tpu.unpack_subelements %scan3A_133#2, 0 {pack_format = #tpu.pack_format<interleaved>} : vector<32xi16> -> vector<16xi32>
      %unpack3A_211 = tpu.unpack_subelements %scan3A_133#2, 1 {pack_format = #tpu.pack_format<interleaved>} : vector<32xi16> -> vector<16xi32>
      %convert_element_type3A_212 = arith.sitofp %unpack3A_210 : vector<16xi32> to vector<16xf32>
      %mul3A_213 = arith.mulf %convert_element_type3A_212, %gather3A_36 : vector<16xf32>
      %bitcast3A_214 = vector.bitcast %mul3A_213 : vector<16xf32> to vector<16xi32>
      %add3A_215 = arith.constant 32767 : i32
      %add3A_216 = vector.broadcast %add3A_215 : i32 to vector<16xi32>
      %add3A_217 = arith.addi %bitcast3A_214, %add3A_216 : vector<16xi32>
      %shift_right_logical3A_218 = arith.constant 16 : i32
      %shift_right_logical3A_219 = vector.broadcast %shift_right_logical3A_218 : i32 to vector<16xi32>
      %shift_right_logical3A_220 = arith.shrui %bitcast3A_214, %shift_right_logical3A_219 : vector<16xi32>
      %and3A_221 = arith.constant 1 : i32
      %and3A_222 = vector.broadcast %and3A_221 : i32 to vector<16xi32>
      %and3A_223 = arith.andi %shift_right_logical3A_220, %and3A_222 : vector<16xi32>
      %add3A_224 = arith.addi %add3A_217, %and3A_223 : vector<16xi32>
      %and3A_225 = arith.constant -65536 : i32
      %and3A_226 = vector.broadcast %and3A_225 : i32 to vector<16xi32>
      %and3A_227 = arith.andi %add3A_224, %and3A_226 : vector<16xi32>
      %bitcast3A_228 = vector.bitcast %and3A_227 : vector<16xi32> to vector<16xf32>
      %convert_element_type3A_229 = arith.sitofp %unpack3A_211 : vector<16xi32> to vector<16xf32>
      %mul3A_230 = arith.mulf %convert_element_type3A_229, %gather3A_36 : vector<16xf32>
      %bitcast3A_231 = vector.bitcast %mul3A_230 : vector<16xf32> to vector<16xi32>
      %add3A_232 = arith.constant 32767 : i32
      %add3A_233 = vector.broadcast %add3A_232 : i32 to vector<16xi32>
      %add3A_234 = arith.addi %bitcast3A_231, %add3A_233 : vector<16xi32>
      %shift_right_logical3A_235 = arith.constant 16 : i32
      %shift_right_logical3A_236 = vector.broadcast %shift_right_logical3A_235 : i32 to vector<16xi32>
      %shift_right_logical3A_237 = arith.shrui %bitcast3A_231, %shift_right_logical3A_236 : vector<16xi32>
      %and3A_238 = arith.constant 1 : i32
      %and3A_239 = vector.broadcast %and3A_238 : i32 to vector<16xi32>
      %and3A_240 = arith.andi %shift_right_logical3A_237, %and3A_239 : vector<16xi32>
      %add3A_241 = arith.addi %add3A_234, %and3A_240 : vector<16xi32>
      %and3A_242 = arith.constant -65536 : i32
      %and3A_243 = vector.broadcast %and3A_242 : i32 to vector<16xi32>
      %and3A_244 = arith.andi %add3A_241, %and3A_243 : vector<16xi32>
      %bitcast3A_245 = vector.bitcast %and3A_244 : vector<16xi32> to vector<16xf32>
      %mul3A_246 = arith.mulf %gather3A_15, %bitcast3A_228 : vector<16xf32>
      %add3A_247 = arith.addf %add3A_209, %mul3A_246 : vector<16xf32>
      %mul3A_248 = arith.mulf %gather3A_18, %bitcast3A_245 : vector<16xf32>
      %add3A_249 = arith.addf %add3A_247, %mul3A_248 : vector<16xf32>
      %unpack3A_250 = tpu.unpack_subelements %scan3A_133#3, 0 {pack_format = #tpu.pack_format<interleaved>} : vector<32xi16> -> vector<16xi32>
      %unpack3A_251 = tpu.unpack_subelements %scan3A_133#3, 1 {pack_format = #tpu.pack_format<interleaved>} : vector<32xi16> -> vector<16xi32>
      %convert_element_type3A_252 = arith.sitofp %unpack3A_250 : vector<16xi32> to vector<16xf32>
      %mul3A_253 = arith.mulf %convert_element_type3A_252, %gather3A_36 : vector<16xf32>
      %bitcast3A_254 = vector.bitcast %mul3A_253 : vector<16xf32> to vector<16xi32>
      %add3A_255 = arith.constant 32767 : i32
      %add3A_256 = vector.broadcast %add3A_255 : i32 to vector<16xi32>
      %add3A_257 = arith.addi %bitcast3A_254, %add3A_256 : vector<16xi32>
      %shift_right_logical3A_258 = arith.constant 16 : i32
      %shift_right_logical3A_259 = vector.broadcast %shift_right_logical3A_258 : i32 to vector<16xi32>
      %shift_right_logical3A_260 = arith.shrui %bitcast3A_254, %shift_right_logical3A_259 : vector<16xi32>
      %and3A_261 = arith.constant 1 : i32
      %and3A_262 = vector.broadcast %and3A_261 : i32 to vector<16xi32>
      %and3A_263 = arith.andi %shift_right_logical3A_260, %and3A_262 : vector<16xi32>
      %add3A_264 = arith.addi %add3A_257, %and3A_263 : vector<16xi32>
      %and3A_265 = arith.constant -65536 : i32
      %and3A_266 = vector.broadcast %and3A_265 : i32 to vector<16xi32>
      %and3A_267 = arith.andi %add3A_264, %and3A_266 : vector<16xi32>
      %bitcast3A_268 = vector.bitcast %and3A_267 : vector<16xi32> to vector<16xf32>
      %convert_element_type3A_269 = arith.sitofp %unpack3A_251 : vector<16xi32> to vector<16xf32>
      %mul3A_270 = arith.mulf %convert_element_type3A_269, %gather3A_36 : vector<16xf32>
      %bitcast3A_271 = vector.bitcast %mul3A_270 : vector<16xf32> to vector<16xi32>
      %add3A_272 = arith.constant 32767 : i32
      %add3A_273 = vector.broadcast %add3A_272 : i32 to vector<16xi32>
      %add3A_274 = arith.addi %bitcast3A_271, %add3A_273 : vector<16xi32>
      %shift_right_logical3A_275 = arith.constant 16 : i32
      %shift_right_logical3A_276 = vector.broadcast %shift_right_logical3A_275 : i32 to vector<16xi32>
      %shift_right_logical3A_277 = arith.shrui %bitcast3A_271, %shift_right_logical3A_276 : vector<16xi32>
      %and3A_278 = arith.constant 1 : i32
      %and3A_279 = vector.broadcast %and3A_278 : i32 to vector<16xi32>
      %and3A_280 = arith.andi %shift_right_logical3A_277, %and3A_279 : vector<16xi32>
      %add3A_281 = arith.addi %add3A_274, %and3A_280 : vector<16xi32>
      %and3A_282 = arith.constant -65536 : i32
      %and3A_283 = vector.broadcast %and3A_282 : i32 to vector<16xi32>
      %and3A_284 = arith.andi %add3A_281, %and3A_283 : vector<16xi32>
      %bitcast3A_285 = vector.bitcast %and3A_284 : vector<16xi32> to vector<16xf32>
      %mul3A_286 = arith.mulf %gather3A_21, %bitcast3A_268 : vector<16xf32>
      %add3A_287 = arith.addf %add3A_249, %mul3A_286 : vector<16xf32>
      %mul3A_288 = arith.mulf %gather3A_24, %bitcast3A_285 : vector<16xf32>
      %add3A_289 = arith.addf %add3A_287, %mul3A_288 : vector<16xf32>
      %unpack3A_290 = tpu.unpack_subelements %scan3A_133#4, 0 {pack_format = #tpu.pack_format<interleaved>} : vector<32xi16> -> vector<16xi32>
      %unpack3A_291 = tpu.unpack_subelements %scan3A_133#4, 1 {pack_format = #tpu.pack_format<interleaved>} : vector<32xi16> -> vector<16xi32>
      %convert_element_type3A_292 = arith.sitofp %unpack3A_290 : vector<16xi32> to vector<16xf32>
      %mul3A_293 = arith.mulf %convert_element_type3A_292, %gather3A_36 : vector<16xf32>
      %bitcast3A_294 = vector.bitcast %mul3A_293 : vector<16xf32> to vector<16xi32>
      %add3A_295 = arith.constant 32767 : i32
      %add3A_296 = vector.broadcast %add3A_295 : i32 to vector<16xi32>
      %add3A_297 = arith.addi %bitcast3A_294, %add3A_296 : vector<16xi32>
      %shift_right_logical3A_298 = arith.constant 16 : i32
      %shift_right_logical3A_299 = vector.broadcast %shift_right_logical3A_298 : i32 to vector<16xi32>
      %shift_right_logical3A_300 = arith.shrui %bitcast3A_294, %shift_right_logical3A_299 : vector<16xi32>
      %and3A_301 = arith.constant 1 : i32
      %and3A_302 = vector.broadcast %and3A_301 : i32 to vector<16xi32>
      %and3A_303 = arith.andi %shift_right_logical3A_300, %and3A_302 : vector<16xi32>
      %add3A_304 = arith.addi %add3A_297, %and3A_303 : vector<16xi32>
      %and3A_305 = arith.constant -65536 : i32
      %and3A_306 = vector.broadcast %and3A_305 : i32 to vector<16xi32>
      %and3A_307 = arith.andi %add3A_304, %and3A_306 : vector<16xi32>
      %bitcast3A_308 = vector.bitcast %and3A_307 : vector<16xi32> to vector<16xf32>
      %convert_element_type3A_309 = arith.sitofp %unpack3A_291 : vector<16xi32> to vector<16xf32>
      %mul3A_310 = arith.mulf %convert_element_type3A_309, %gather3A_36 : vector<16xf32>
      %bitcast3A_311 = vector.bitcast %mul3A_310 : vector<16xf32> to vector<16xi32>
      %add3A_312 = arith.constant 32767 : i32
      %add3A_313 = vector.broadcast %add3A_312 : i32 to vector<16xi32>
      %add3A_314 = arith.addi %bitcast3A_311, %add3A_313 : vector<16xi32>
      %shift_right_logical3A_315 = arith.constant 16 : i32
      %shift_right_logical3A_316 = vector.broadcast %shift_right_logical3A_315 : i32 to vector<16xi32>
      %shift_right_logical3A_317 = arith.shrui %bitcast3A_311, %shift_right_logical3A_316 : vector<16xi32>
      %and3A_318 = arith.constant 1 : i32
      %and3A_319 = vector.broadcast %and3A_318 : i32 to vector<16xi32>
      %and3A_320 = arith.andi %shift_right_logical3A_317, %and3A_319 : vector<16xi32>
      %add3A_321 = arith.addi %add3A_314, %and3A_320 : vector<16xi32>
      %and3A_322 = arith.constant -65536 : i32
      %and3A_323 = vector.broadcast %and3A_322 : i32 to vector<16xi32>
      %and3A_324 = arith.andi %add3A_321, %and3A_323 : vector<16xi32>
      %bitcast3A_325 = vector.bitcast %and3A_324 : vector<16xi32> to vector<16xf32>
      %mul3A_326 = arith.mulf %gather3A_27, %bitcast3A_308 : vector<16xf32>
      %add3A_327 = arith.addf %add3A_289, %mul3A_326 : vector<16xf32>
      %mul3A_328 = arith.mulf %gather3A_30, %bitcast3A_325 : vector<16xf32>
      %add3A_329 = arith.addf %add3A_327, %mul3A_328 : vector<16xf32>
      %mul3A_330 = arith.constant 32 : i32
      %mul3A_331 = arith.muli %scan3A_96, %mul3A_330 : i32
      %add3A_332 = arith.constant 128 : i32
      %add3A_333 = arith.addi %add3A_332, %mul3A_331 : i32
      %add3A_334 = arith.constant 0 : i32
      %add3A_335 = arith.addi %add3A_333, %add3A_334 : i32
      %swap3A = arith.index_cast %add3A_335 : i32 to index
      %swap3A_336 = tpu.vector_load %arg10[%swap3A] {strides = array<i32>} : memref<512xf32, #tpu.memory_space<vmem>>, vector<16xf32>,
      tpu.vector_store %arg10[%swap3A], %add3A_329 {strides = array<i32>} : memref<512xf32, #tpu.memory_space<vmem>>, vector<16xf32>,
      %unpack3A_337 = tpu.unpack_subelements %scan3A_133#5, 0 {pack_format = #tpu.pack_format<interleaved>} : vector<32xi16> -> vector<16xi32>
      %unpack3A_338 = tpu.unpack_subelements %scan3A_133#5, 1 {pack_format = #tpu.pack_format<interleaved>} : vector<32xi16> -> vector<16xi32>
      %convert_element_type3A_339 = arith.sitofp %unpack3A_337 : vector<16xi32> to vector<16xf32>
      %mul3A_340 = arith.mulf %convert_element_type3A_339, %gather3A_36 : vector<16xf32>
      %bitcast3A_341 = vector.bitcast %mul3A_340 : vector<16xf32> to vector<16xi32>
      %add3A_342 = arith.constant 32767 : i32
      %add3A_343 = vector.broadcast %add3A_342 : i32 to vector<16xi32>
      %add3A_344 = arith.addi %bitcast3A_341, %add3A_343 : vector<16xi32>
      %shift_right_logical3A_345 = arith.constant 16 : i32
      %shift_right_logical3A_346 = vector.broadcast %shift_right_logical3A_345 : i32 to vector<16xi32>
      %shift_right_logical3A_347 = arith.shrui %bitcast3A_341, %shift_right_logical3A_346 : vector<16xi32>
      %and3A_348 = arith.constant 1 : i32
      %and3A_349 = vector.broadcast %and3A_348 : i32 to vector<16xi32>
      %and3A_350 = arith.andi %shift_right_logical3A_347, %and3A_349 : vector<16xi32>
      %add3A_351 = arith.addi %add3A_344, %and3A_350 : vector<16xi32>
      %and3A_352 = arith.constant -65536 : i32
      %and3A_353 = vector.broadcast %and3A_352 : i32 to vector<16xi32>
      %and3A_354 = arith.andi %add3A_351, %and3A_353 : vector<16xi32>
      %bitcast3A_355 = vector.bitcast %and3A_354 : vector<16xi32> to vector<16xf32>
      %convert_element_type3A_356 = arith.sitofp %unpack3A_338 : vector<16xi32> to vector<16xf32>
      %mul3A_357 = arith.mulf %convert_element_type3A_356, %gather3A_36 : vector<16xf32>
      %bitcast3A_358 = vector.bitcast %mul3A_357 : vector<16xf32> to vector<16xi32>
      %add3A_359 = arith.constant 32767 : i32
      %add3A_360 = vector.broadcast %add3A_359 : i32 to vector<16xi32>
      %add3A_361 = arith.addi %bitcast3A_358, %add3A_360 : vector<16xi32>
      %shift_right_logical3A_362 = arith.constant 16 : i32
      %shift_right_logical3A_363 = vector.broadcast %shift_right_logical3A_362 : i32 to vector<16xi32>
      %shift_right_logical3A_364 = arith.shrui %bitcast3A_358, %shift_right_logical3A_363 : vector<16xi32>
      %and3A_365 = arith.constant 1 : i32
      %and3A_366 = vector.broadcast %and3A_365 : i32 to vector<16xi32>
      %and3A_367 = arith.andi %shift_right_logical3A_364, %and3A_366 : vector<16xi32>
      %add3A_368 = arith.addi %add3A_361, %and3A_367 : vector<16xi32>
      %and3A_369 = arith.constant -65536 : i32
      %and3A_370 = vector.broadcast %and3A_369 : i32 to vector<16xi32>
      %and3A_371 = arith.andi %add3A_368, %and3A_370 : vector<16xi32>
      %bitcast3A_372 = vector.bitcast %and3A_371 : vector<16xi32> to vector<16xf32>
      %mul3A_373 = arith.mulf %gather3A, %bitcast3A_355 : vector<16xf32>
      %add3A_374 = arith.addf %gather3A_33, %mul3A_373 : vector<16xf32>
      %mul3A_375 = arith.mulf %gather3A_6, %bitcast3A_372 : vector<16xf32>
      %add3A_376 = arith.addf %add3A_374, %mul3A_375 : vector<16xf32>
      %unpack3A_377 = tpu.unpack_subelements %scan3A_133#6, 0 {pack_format = #tpu.pack_format<interleaved>} : vector<32xi16> -> vector<16xi32>
      %unpack3A_378 = tpu.unpack_subelements %scan3A_133#6, 1 {pack_format = #tpu.pack_format<interleaved>} : vector<32xi16> -> vector<16xi32>
      %convert_element_type3A_379 = arith.sitofp %unpack3A_377 : vector<16xi32> to vector<16xf32>
      %mul3A_380 = arith.mulf %convert_element_type3A_379, %gather3A_36 : vector<16xf32>
      %bitcast3A_381 = vector.bitcast %mul3A_380 : vector<16xf32> to vector<16xi32>
      %add3A_382 = arith.constant 32767 : i32
      %add3A_383 = vector.broadcast %add3A_382 : i32 to vector<16xi32>
      %add3A_384 = arith.addi %bitcast3A_381, %add3A_383 : vector<16xi32>
      %shift_right_logical3A_385 = arith.constant 16 : i32
      %shift_right_logical3A_386 = vector.broadcast %shift_right_logical3A_385 : i32 to vector<16xi32>
      %shift_right_logical3A_387 = arith.shrui %bitcast3A_381, %shift_right_logical3A_386 : vector<16xi32>
      %and3A_388 = arith.constant 1 : i32
      %and3A_389 = vector.broadcast %and3A_388 : i32 to vector<16xi32>
      %and3A_390 = arith.andi %shift_right_logical3A_387, %and3A_389 : vector<16xi32>
      %add3A_391 = arith.addi %add3A_384, %and3A_390 : vector<16xi32>
      %and3A_392 = arith.constant -65536 : i32
      %and3A_393 = vector.broadcast %and3A_392 : i32 to vector<16xi32>
      %and3A_394 = arith.andi %add3A_391, %and3A_393 : vector<16xi32>
      %bitcast3A_395 = vector.bitcast %and3A_394 : vector<16xi32> to vector<16xf32>
      %convert_element_type3A_396 = arith.sitofp %unpack3A_378 : vector<16xi32> to vector<16xf32>
      %mul3A_397 = arith.mulf %convert_element_type3A_396, %gather3A_36 : vector<16xf32>
      %bitcast3A_398 = vector.bitcast %mul3A_397 : vector<16xf32> to vector<16xi32>
      %add3A_399 = arith.constant 32767 : i32
      %add3A_400 = vector.broadcast %add3A_399 : i32 to vector<16xi32>
      %add3A_401 = arith.addi %bitcast3A_398, %add3A_400 : vector<16xi32>
      %shift_right_logical3A_402 = arith.constant 16 : i32
      %shift_right_logical3A_403 = vector.broadcast %shift_right_logical3A_402 : i32 to vector<16xi32>
      %shift_right_logical3A_404 = arith.shrui %bitcast3A_398, %shift_right_logical3A_403 : vector<16xi32>
      %and3A_405 = arith.constant 1 : i32
      %and3A_406 = vector.broadcast %and3A_405 : i32 to vector<16xi32>
      %and3A_407 = arith.andi %shift_right_logical3A_404, %and3A_406 : vector<16xi32>
      %add3A_408 = arith.addi %add3A_401, %and3A_407 : vector<16xi32>
      %and3A_409 = arith.constant -65536 : i32
      %and3A_410 = vector.broadcast %and3A_409 : i32 to vector<16xi32>
      %and3A_411 = arith.andi %add3A_408, %and3A_410 : vector<16xi32>
      %bitcast3A_412 = vector.bitcast %and3A_411 : vector<16xi32> to vector<16xf32>
      %mul3A_413 = arith.mulf %gather3A_9, %bitcast3A_395 : vector<16xf32>
      %add3A_414 = arith.addf %add3A_376, %mul3A_413 : vector<16xf32>
      %mul3A_415 = arith.mulf %gather3A_12, %bitcast3A_412 : vector<16xf32>
      %add3A_416 = arith.addf %add3A_414, %mul3A_415 : vector<16xf32>
      %unpack3A_417 = tpu.unpack_subelements %scan3A_133#7, 0 {pack_format = #tpu.pack_format<interleaved>} : vector<32xi16> -> vector<16xi32>
      %unpack3A_418 = tpu.unpack_subelements %scan3A_133#7, 1 {pack_format = #tpu.pack_format<interleaved>} : vector<32xi16> -> vector<16xi32>
      %convert_element_type3A_419 = arith.sitofp %unpack3A_417 : vector<16xi32> to vector<16xf32>
      %mul3A_420 = arith.mulf %convert_element_type3A_419, %gather3A_36 : vector<16xf32>
      %bitcast3A_421 = vector.bitcast %mul3A_420 : vector<16xf32> to vector<16xi32>
      %add3A_422 = arith.constant 32767 : i32
      %add3A_423 = vector.broadcast %add3A_422 : i32 to vector<16xi32>
      %add3A_424 = arith.addi %bitcast3A_421, %add3A_423 : vector<16xi32>
      %shift_right_logical3A_425 = arith.constant 16 : i32
      %shift_right_logical3A_426 = vector.broadcast %shift_right_logical3A_425 : i32 to vector<16xi32>
      %shift_right_logical3A_427 = arith.shrui %bitcast3A_421, %shift_right_logical3A_426 : vector<16xi32>
      %and3A_428 = arith.constant 1 : i32
      %and3A_429 = vector.broadcast %and3A_428 : i32 to vector<16xi32>
      %and3A_430 = arith.andi %shift_right_logical3A_427, %and3A_429 : vector<16xi32>
      %add3A_431 = arith.addi %add3A_424, %and3A_430 : vector<16xi32>
      %and3A_432 = arith.constant -65536 : i32
      %and3A_433 = vector.broadcast %and3A_432 : i32 to vector<16xi32>
      %and3A_434 = arith.andi %add3A_431, %and3A_433 : vector<16xi32>
      %bitcast3A_435 = vector.bitcast %and3A_434 : vector<16xi32> to vector<16xf32>
      %convert_element_type3A_436 = arith.sitofp %unpack3A_418 : vector<16xi32> to vector<16xf32>
      %mul3A_437 = arith.mulf %convert_element_type3A_436, %gather3A_36 : vector<16xf32>
      %bitcast3A_438 = vector.bitcast %mul3A_437 : vector<16xf32> to vector<16xi32>
      %add3A_439 = arith.constant 32767 : i32
      %add3A_440 = vector.broadcast %add3A_439 : i32 to vector<16xi32>
      %add3A_441 = arith.addi %bitcast3A_438, %add3A_440 : vector<16xi32>
      %shift_right_logical3A_442 = arith.constant 16 : i32
      %shift_right_logical3A_443 = vector.broadcast %shift_right_logical3A_442 : i32 to vector<16xi32>
      %shift_right_logical3A_444 = arith.shrui %bitcast3A_438, %shift_right_logical3A_443 : vector<16xi32>
      %and3A_445 = arith.constant 1 : i32
      %and3A_446 = vector.broadcast %and3A_445 : i32 to vector<16xi32>
      %and3A_447 = arith.andi %shift_right_logical3A_444, %and3A_446 : vector<16xi32>
      %add3A_448 = arith.addi %add3A_441, %and3A_447 : vector<16xi32>
      %and3A_449 = arith.constant -65536 : i32
      %and3A_450 = vector.broadcast %and3A_449 : i32 to vector<16xi32>
      %and3A_451 = arith.andi %add3A_448, %and3A_450 : vector<16xi32>
      %bitcast3A_452 = vector.bitcast %and3A_451 : vector<16xi32> to vector<16xf32>
      %mul3A_453 = arith.mulf %gather3A_15, %bitcast3A_435 : vector<16xf32>
      %add3A_454 = arith.addf %add3A_416, %mul3A_453 : vector<16xf32>
      %mul3A_455 = arith.mulf %gather3A_18, %bitcast3A_452 : vector<16xf32>
      %add3A_456 = arith.addf %add3A_454, %mul3A_455 : vector<16xf32>
      %unpack3A_457 = tpu.unpack_subelements %scan3A_133#8, 0 {pack_format = #tpu.pack_format<interleaved>} : vector<32xi16> -> vector<16xi32>
      %unpack3A_458 = tpu.unpack_subelements %scan3A_133#8, 1 {pack_format = #tpu.pack_format<interleaved>} : vector<32xi16> -> vector<16xi32>
      %convert_element_type3A_459 = arith.sitofp %unpack3A_457 : vector<16xi32> to vector<16xf32>
      %mul3A_460 = arith.mulf %convert_element_type3A_459, %gather3A_36 : vector<16xf32>
      %bitcast3A_461 = vector.bitcast %mul3A_460 : vector<16xf32> to vector<16xi32>
      %add3A_462 = arith.constant 32767 : i32
      %add3A_463 = vector.broadcast %add3A_462 : i32 to vector<16xi32>
      %add3A_464 = arith.addi %bitcast3A_461, %add3A_463 : vector<16xi32>
      %shift_right_logical3A_465 = arith.constant 16 : i32
      %shift_right_logical3A_466 = vector.broadcast %shift_right_logical3A_465 : i32 to vector<16xi32>
      %shift_right_logical3A_467 = arith.shrui %bitcast3A_461, %shift_right_logical3A_466 : vector<16xi32>
      %and3A_468 = arith.constant 1 : i32
      %and3A_469 = vector.broadcast %and3A_468 : i32 to vector<16xi32>
      %and3A_470 = arith.andi %shift_right_logical3A_467, %and3A_469 : vector<16xi32>
      %add3A_471 = arith.addi %add3A_464, %and3A_470 : vector<16xi32>
      %and3A_472 = arith.constant -65536 : i32
      %and3A_473 = vector.broadcast %and3A_472 : i32 to vector<16xi32>
      %and3A_474 = arith.andi %add3A_471, %and3A_473 : vector<16xi32>
      %bitcast3A_475 = vector.bitcast %and3A_474 : vector<16xi32> to vector<16xf32>
      %convert_element_type3A_476 = arith.sitofp %unpack3A_458 : vector<16xi32> to vector<16xf32>
      %mul3A_477 = arith.mulf %convert_element_type3A_476, %gather3A_36 : vector<16xf32>
      %bitcast3A_478 = vector.bitcast %mul3A_477 : vector<16xf32> to vector<16xi32>
      %add3A_479 = arith.constant 32767 : i32
      %add3A_480 = vector.broadcast %add3A_479 : i32 to vector<16xi32>
      %add3A_481 = arith.addi %bitcast3A_478, %add3A_480 : vector<16xi32>
      %shift_right_logical3A_482 = arith.constant 16 : i32
      %shift_right_logical3A_483 = vector.broadcast %shift_right_logical3A_482 : i32 to vector<16xi32>
      %shift_right_logical3A_484 = arith.shrui %bitcast3A_478, %shift_right_logical3A_483 : vector<16xi32>
      %and3A_485 = arith.constant 1 : i32
      %and3A_486 = vector.broadcast %and3A_485 : i32 to vector<16xi32>
      %and3A_487 = arith.andi %shift_right_logical3A_484, %and3A_486 : vector<16xi32>
      %add3A_488 = arith.addi %add3A_481, %and3A_487 : vector<16xi32>
      %and3A_489 = arith.constant -65536 : i32
      %and3A_490 = vector.broadcast %and3A_489 : i32 to vector<16xi32>
      %and3A_491 = arith.andi %add3A_488, %and3A_490 : vector<16xi32>
      %bitcast3A_492 = vector.bitcast %and3A_491 : vector<16xi32> to vector<16xf32>
      %mul3A_493 = arith.mulf %gather3A_21, %bitcast3A_475 : vector<16xf32>
      %add3A_494 = arith.addf %add3A_456, %mul3A_493 : vector<16xf32>
      %mul3A_495 = arith.mulf %gather3A_24, %bitcast3A_492 : vector<16xf32>
      %add3A_496 = arith.addf %add3A_494, %mul3A_495 : vector<16xf32>
      %unpack3A_497 = tpu.unpack_subelements %scan3A_133#9, 0 {pack_format = #tpu.pack_format<interleaved>} : vector<32xi16> -> vector<16xi32>
      %unpack3A_498 = tpu.unpack_subelements %scan3A_133#9, 1 {pack_format = #tpu.pack_format<interleaved>} : vector<32xi16> -> vector<16xi32>
      %convert_element_type3A_499 = arith.sitofp %unpack3A_497 : vector<16xi32> to vector<16xf32>
      %mul3A_500 = arith.mulf %convert_element_type3A_499, %gather3A_36 : vector<16xf32>
      %bitcast3A_501 = vector.bitcast %mul3A_500 : vector<16xf32> to vector<16xi32>
      %add3A_502 = arith.constant 32767 : i32
      %add3A_503 = vector.broadcast %add3A_502 : i32 to vector<16xi32>
      %add3A_504 = arith.addi %bitcast3A_501, %add3A_503 : vector<16xi32>
      %shift_right_logical3A_505 = arith.constant 16 : i32
      %shift_right_logical3A_506 = vector.broadcast %shift_right_logical3A_505 : i32 to vector<16xi32>
      %shift_right_logical3A_507 = arith.shrui %bitcast3A_501, %shift_right_logical3A_506 : vector<16xi32>
      %and3A_508 = arith.constant 1 : i32
      %and3A_509 = vector.broadcast %and3A_508 : i32 to vector<16xi32>
      %and3A_510 = arith.andi %shift_right_logical3A_507, %and3A_509 : vector<16xi32>
      %add3A_511 = arith.addi %add3A_504, %and3A_510 : vector<16xi32>
      %and3A_512 = arith.constant -65536 : i32
      %and3A_513 = vector.broadcast %and3A_512 : i32 to vector<16xi32>
      %and3A_514 = arith.andi %add3A_511, %and3A_513 : vector<16xi32>
      %bitcast3A_515 = vector.bitcast %and3A_514 : vector<16xi32> to vector<16xf32>
      %convert_element_type3A_516 = arith.sitofp %unpack3A_498 : vector<16xi32> to vector<16xf32>
      %mul3A_517 = arith.mulf %convert_element_type3A_516, %gather3A_36 : vector<16xf32>
      %bitcast3A_518 = vector.bitcast %mul3A_517 : vector<16xf32> to vector<16xi32>
      %add3A_519 = arith.constant 32767 : i32
      %add3A_520 = vector.broadcast %add3A_519 : i32 to vector<16xi32>
      %add3A_521 = arith.addi %bitcast3A_518, %add3A_520 : vector<16xi32>
      %shift_right_logical3A_522 = arith.constant 16 : i32
      %shift_right_logical3A_523 = vector.broadcast %shift_right_logical3A_522 : i32 to vector<16xi32>
      %shift_right_logical3A_524 = arith.shrui %bitcast3A_518, %shift_right_logical3A_523 : vector<16xi32>
      %and3A_525 = arith.constant 1 : i32
      %and3A_526 = vector.broadcast %and3A_525 : i32 to vector<16xi32>
      %and3A_527 = arith.andi %shift_right_logical3A_524, %and3A_526 : vector<16xi32>
      %add3A_528 = arith.addi %add3A_521, %and3A_527 : vector<16xi32>
      %and3A_529 = arith.constant -65536 : i32
      %and3A_530 = vector.broadcast %and3A_529 : i32 to vector<16xi32>
      %and3A_531 = arith.andi %add3A_528, %and3A_530 : vector<16xi32>
      %bitcast3A_532 = vector.bitcast %and3A_531 : vector<16xi32> to vector<16xf32>
      %mul3A_533 = arith.mulf %gather3A_27, %bitcast3A_515 : vector<16xf32>
      %add3A_534 = arith.addf %add3A_496, %mul3A_533 : vector<16xf32>
      %mul3A_535 = arith.mulf %gather3A_30, %bitcast3A_532 : vector<16xf32>
      %add3A_536 = arith.addf %add3A_534, %mul3A_535 : vector<16xf32>
      %mul3A_537 = arith.constant 32 : i32
      %mul3A_538 = arith.muli %scan3A_96, %mul3A_537 : i32
      %add3A_539 = arith.constant 128 : i32
      %add3A_540 = arith.addi %add3A_539, %mul3A_538 : i32
      %add3A_541 = arith.constant 16 : i32
      %add3A_542 = arith.addi %add3A_540, %add3A_541 : i32
      %swap3A_543 = arith.index_cast %add3A_542 : i32 to index
      %swap3A_544 = tpu.vector_load %arg10[%swap3A_543] {strides = array<i32>} : memref<512xf32, #tpu.memory_space<vmem>>, vector<16xf32>,
      tpu.vector_store %arg10[%swap3A_543], %add3A_536 {strides = array<i32>} : memref<512xf32, #tpu.memory_space<vmem>>, vector<16xf32>,
    }
    %scan3A_69 = arith.constant 4 : i32
    %dma_wait3A_70 = arith.constant 0 : i32
    %dma_wait3A_71 = tpu.memref_slice %arg2[%add3A_59, %dma_wait3A_70] : memref<16384x200xi32, #tpu.memory_space<hbm>> -> memref<128x200xi32, #tpu.memory_space<hbm>>
    %dma_wait3A_72 = arith.constant 0 : i32
    %dma_wait3A_73 = tpu.memref_slice %arg2[%add3A_59, %dma_wait3A_72] : memref<16384x200xi32, #tpu.memory_space<hbm>> -> memref<128x200xi32, #tpu.memory_space<hbm>>
    tpu.wait_dma2 semaphore(%arg11 : memref<!tpu.dma_semaphore, #tpu.memory_space<semaphore_mem>>) src(%dma_wait3A_73 : memref<128x200xi32, #tpu.memory_space<hbm>>) dst(%arg6 : memref<128x200xi32, #tpu.memory_space<vmem>>)
    %add3A_74 = arith.constant 384 : i32
    %add3A_75 = arith.addi %mul3A_2, %add3A_74 : i32
    %dma_start3A_76 = arith.constant 0 : i32
    %dma_start3A_77 = tpu.memref_slice %arg2[%add3A_75, %dma_start3A_76] : memref<16384x200xi32, #tpu.memory_space<hbm>> -> memref<128x200xi32, #tpu.memory_space<hbm>>
    %dma_start3A_78 = arith.constant 0 : i32
    %dma_start3A_79 = tpu.memref_slice %arg2[%add3A_75, %dma_start3A_78] : memref<16384x200xi32, #tpu.memory_space<hbm>> -> memref<128x200xi32, #tpu.memory_space<hbm>>
    tpu.enqueue_dma source(%dma_start3A_79 : memref<128x200xi32, #tpu.memory_space<hbm>>) target(%arg7 : memref<128x200xi32, #tpu.memory_space<vmem>>) target_semaphore(%arg12 : memref<!tpu.dma_semaphore, #tpu.memory_space<semaphore_mem>>)
    %scan3A_80 = arith.constant 0 : i32
    %scan3A_81 = arith.constant 0 : i32
    %scan3A_82 = arith.constant 4 : i32
    %scan3A_83 = arith.addi %scan3A_81, %scan3A_82 : i32
    %scan3A_84 = arith.constant 1 : i32
    scf.for %scan3A_96 = %scan3A_81 to %scan3A_83 step %scan3A_84  : i32 {
      %mul3A_97 = arith.constant 32 : i32
      %mul3A_98 = arith.muli %scan3A_96, %mul3A_97 : i32
      %add3A_99 = arith.constant 0 : i32
      %add3A_100 = arith.addi %mul3A_98, %add3A_99 : i32
      %add3A_101 = vector.broadcast %add3A_100 : i32 to vector<16xi32>
      %add3A_102 = arith.addi %add3A_101, %iota3A : vector<16xi32>
      %mul3A_103 = arith.constant 32 : i32
      %mul3A_104 = arith.muli %scan3A_96, %mul3A_103 : i32
      %add3A_105 = arith.constant 16 : i32
      %add3A_106 = arith.addi %mul3A_104, %add3A_105 : i32
      %add3A_107 = vector.broadcast %add3A_106 : i32 to vector<16xi32>
      %add3A_108 = arith.addi %add3A_107, %iota3A : vector<16xi32>
      %broadcast_in_dim3A_109 = arith.constant -32768 : i16
      %broadcast_in_dim3A_110 = vector.broadcast %broadcast_in_dim3A_109 : i16 to vector<32xi16>
      %broadcast_in_dim3A_111 = arith.constant -32768 : i16
      %broadcast_in_dim3A_112 = vector.broadcast %broadcast_in_dim3A_111 : i16 to vector<32xi16>
      %broadcast_in_dim3A_113 = arith.constant -32768 : i16
      %broadcast_in_dim3A_114 = vector.broadcast %broadcast_in_dim3A_113 : i16 to vector<32xi16>
      %broadcast_in_dim3A_115 = arith.constant -32768 : i16
      %broadcast_in_dim3A_116 = vector.broadcast %broadcast_in_dim3A_115 : i16 to vector<32xi16>
      %broadcast_in_dim3A_117 = arith.constant -32768 : i16
      %broadcast_in_dim3A_118 = vector.broadcast %broadcast_in_dim3A_117 : i16 to vector<32xi16>
      %broadcast_in_dim3A_119 = arith.constant -32768 : i16
      %broadcast_in_dim3A_120 = vector.broadcast %broadcast_in_dim3A_119 : i16 to vector<32xi16>
      %broadcast_in_dim3A_121 = arith.constant -32768 : i16
      %broadcast_in_dim3A_122 = vector.broadcast %broadcast_in_dim3A_121 : i16 to vector<32xi16>
      %broadcast_in_dim3A_123 = arith.constant -32768 : i16
      %broadcast_in_dim3A_124 = vector.broadcast %broadcast_in_dim3A_123 : i16 to vector<32xi16>
      %broadcast_in_dim3A_125 = arith.constant -32768 : i16
      %broadcast_in_dim3A_126 = vector.broadcast %broadcast_in_dim3A_125 : i16 to vector<32xi16>
      %broadcast_in_dim3A_127 = arith.constant -32768 : i16
      %broadcast_in_dim3A_128 = vector.broadcast %broadcast_in_dim3A_127 : i16 to vector<32xi16>
      %scan3A_129 = arith.constant 0 : i32
      %scan3A_130 = arith.constant 200 : i32
      %scan3A_131 = arith.addi %scan3A_129, %scan3A_130 : i32
      %scan3A_132 = arith.constant 1 : i32
      %scan3A_133:10 = scf.for %scan3A_545 = %scan3A_129 to %scan3A_131 step %scan3A_132 iter_args(%scan3A_546 = %broadcast_in_dim3A_110, %scan3A_547 = %broadcast_in_dim3A_112, %scan3A_548 = %broadcast_in_dim3A_114, %scan3A_549 = %broadcast_in_dim3A_116, %scan3A_550 = %broadcast_in_dim3A_118, %scan3A_551 = %broadcast_in_dim3A_120, %scan3A_552 = %broadcast_in_dim3A_122, %scan3A_553 = %broadcast_in_dim3A_124, %scan3A_554 = %broadcast_in_dim3A_126, %scan3A_555 = %broadcast_in_dim3A_128) -> (vector<32xi16>, vector<32xi16>, vector<32xi16>, vector<32xi16>, vector<32xi16>, vector<32xi16>, vector<32xi16>, vector<32xi16>, vector<32xi16>, vector<32xi16>)  : i32 {
        %add3A_556 = vector.broadcast %scan3A_545 : i32 to vector<16xi32>
        %add3A_557 = arith.addi %add3A_556, %iota3A : vector<16xi32>
        %ge3A = arith.constant 200 : i32
        %ge3A_558 = vector.broadcast %ge3A : i32 to vector<16xi32>
        %ge3A_559 = arith.cmpi sge, %add3A_557, %ge3A_558 : vector<16xi32>
        %sub3A = arith.constant 200 : i32
        %sub3A_560 = vector.broadcast %sub3A : i32 to vector<16xi32>
        %sub3A_561 = arith.subi %add3A_557, %sub3A_560 : vector<16xi32>
        %select_n3A = arith.select %ge3A_559, %sub3A_561, %add3A_557 : vector<16xi1>, vector<16xi32>
        %gather3A_562 = tpu.vector_load_idx %arg6[%add3A_102, %select_n3A] : memref<128x200xi32, #tpu.memory_space<vmem>>[vector<16xi32>, vector<16xi32>], vector<16xi32>,
        %mul3A_563 = arith.constant 5 : i32
        %mul3A_564 = vector.broadcast %mul3A_563 : i32 to vector<16xi32>
        %mul3A_565 = arith.muli %gather3A_562, %mul3A_564 : vector<16xi32>
        %add3A_566 = arith.constant 0 : i32
        %add3A_567 = vector.broadcast %add3A_566 : i32 to vector<16xi32>
        %add3A_568 = arith.addi %mul3A_565, %add3A_567 : vector<16xi32>
        %gather3A_569 = tpu.vector_load_idx %arg8[%add3A_568] : memref<5000xi32, #tpu.memory_space<vmem>>[vector<16xi32>], vector<16xi32>,
        %bitcast3A_570 = vector.bitcast %gather3A_569 : vector<16xi32> to vector<32xi16>
        %max3A = arith.maxsi %scan3A_546, %bitcast3A_570 : vector<32xi16>
        %add3A_571 = arith.constant 1 : i32
        %add3A_572 = vector.broadcast %add3A_571 : i32 to vector<16xi32>
        %add3A_573 = arith.addi %mul3A_565, %add3A_572 : vector<16xi32>
        %gather3A_574 = tpu.vector_load_idx %arg8[%add3A_573] : memref<5000xi32, #tpu.memory_space<vmem>>[vector<16xi32>], vector<16xi32>,
        %bitcast3A_575 = vector.bitcast %gather3A_574 : vector<16xi32> to vector<32xi16>
        %max3A_576 = arith.maxsi %scan3A_547, %bitcast3A_575 : vector<32xi16>
        %add3A_577 = arith.constant 2 : i32
        %add3A_578 = vector.broadcast %add3A_577 : i32 to vector<16xi32>
        %add3A_579 = arith.addi %mul3A_565, %add3A_578 : vector<16xi32>
        %gather3A_580 = tpu.vector_load_idx %arg8[%add3A_579] : memref<5000xi32, #tpu.memory_space<vmem>>[vector<16xi32>], vector<16xi32>,
        %bitcast3A_581 = vector.bitcast %gather3A_580 : vector<16xi32> to vector<32xi16>
        %max3A_582 = arith.maxsi %scan3A_548, %bitcast3A_581 : vector<32xi16>
        %add3A_583 = arith.constant 3 : i32
        %add3A_584 = vector.broadcast %add3A_583 : i32 to vector<16xi32>
        %add3A_585 = arith.addi %mul3A_565, %add3A_584 : vector<16xi32>
        %gather3A_586 = tpu.vector_load_idx %arg8[%add3A_585] : memref<5000xi32, #tpu.memory_space<vmem>>[vector<16xi32>], vector<16xi32>,
        %bitcast3A_587 = vector.bitcast %gather3A_586 : vector<16xi32> to vector<32xi16>
        %max3A_588 = arith.maxsi %scan3A_549, %bitcast3A_587 : vector<32xi16>
        %add3A_589 = arith.constant 4 : i32
        %add3A_590 = vector.broadcast %add3A_589 : i32 to vector<16xi32>
        %add3A_591 = arith.addi %mul3A_565, %add3A_590 : vector<16xi32>
        %gather3A_592 = tpu.vector_load_idx %arg8[%add3A_591] : memref<5000xi32, #tpu.memory_space<vmem>>[vector<16xi32>], vector<16xi32>,
        %bitcast3A_593 = vector.bitcast %gather3A_592 : vector<16xi32> to vector<32xi16>
        %max3A_594 = arith.maxsi %scan3A_550, %bitcast3A_593 : vector<32xi16>
        %gather3A_595 = tpu.vector_load_idx %arg6[%add3A_108, %select_n3A] : memref<128x200xi32, #tpu.memory_space<vmem>>[vector<16xi32>, vector<16xi32>], vector<16xi32>,
        %mul3A_596 = arith.constant 5 : i32
        %mul3A_597 = vector.broadcast %mul3A_596 : i32 to vector<16xi32>
        %mul3A_598 = arith.muli %gather3A_595, %mul3A_597 : vector<16xi32>
        %add3A_599 = arith.constant 0 : i32
        %add3A_600 = vector.broadcast %add3A_599 : i32 to vector<16xi32>
        %add3A_601 = arith.addi %mul3A_598, %add3A_600 : vector<16xi32>
        %gather3A_602 = tpu.vector_load_idx %arg8[%add3A_601] : memref<5000xi32, #tpu.memory_space<vmem>>[vector<16xi32>], vector<16xi32>,
        %bitcast3A_603 = vector.bitcast %gather3A_602 : vector<16xi32> to vector<32xi16>
        %max3A_604 = arith.maxsi %scan3A_551, %bitcast3A_603 : vector<32xi16>
        %add3A_605 = arith.constant 1 : i32
        %add3A_606 = vector.broadcast %add3A_605 : i32 to vector<16xi32>
        %add3A_607 = arith.addi %mul3A_598, %add3A_606 : vector<16xi32>
        %gather3A_608 = tpu.vector_load_idx %arg8[%add3A_607] : memref<5000xi32, #tpu.memory_space<vmem>>[vector<16xi32>], vector<16xi32>,
        %bitcast3A_609 = vector.bitcast %gather3A_608 : vector<16xi32> to vector<32xi16>
        %max3A_610 = arith.maxsi %scan3A_552, %bitcast3A_609 : vector<32xi16>
        %add3A_611 = arith.constant 2 : i32
        %add3A_612 = vector.broadcast %add3A_611 : i32 to vector<16xi32>
        %add3A_613 = arith.addi %mul3A_598, %add3A_612 : vector<16xi32>
        %gather3A_614 = tpu.vector_load_idx %arg8[%add3A_613] : memref<5000xi32, #tpu.memory_space<vmem>>[vector<16xi32>], vector<16xi32>,
        %bitcast3A_615 = vector.bitcast %gather3A_614 : vector<16xi32> to vector<32xi16>
        %max3A_616 = arith.maxsi %scan3A_553, %bitcast3A_615 : vector<32xi16>
        %add3A_617 = arith.constant 3 : i32
        %add3A_618 = vector.broadcast %add3A_617 : i32 to vector<16xi32>
        %add3A_619 = arith.addi %mul3A_598, %add3A_618 : vector<16xi32>
        %gather3A_620 = tpu.vector_load_idx %arg8[%add3A_619] : memref<5000xi32, #tpu.memory_space<vmem>>[vector<16xi32>], vector<16xi32>,
        %bitcast3A_621 = vector.bitcast %gather3A_620 : vector<16xi32> to vector<32xi16>
        %max3A_622 = arith.maxsi %scan3A_554, %bitcast3A_621 : vector<32xi16>
        %add3A_623 = arith.constant 4 : i32
        %add3A_624 = vector.broadcast %add3A_623 : i32 to vector<16xi32>
        %add3A_625 = arith.addi %mul3A_598, %add3A_624 : vector<16xi32>
        %gather3A_626 = tpu.vector_load_idx %arg8[%add3A_625] : memref<5000xi32, #tpu.memory_space<vmem>>[vector<16xi32>], vector<16xi32>,
        %bitcast3A_627 = vector.bitcast %gather3A_626 : vector<16xi32> to vector<32xi16>
        %max3A_628 = arith.maxsi %scan3A_555, %bitcast3A_627 : vector<32xi16>
        scf.yield %max3A, %max3A_576, %max3A_582, %max3A_588, %max3A_594, %max3A_604, %max3A_610, %max3A_616, %max3A_622, %max3A_628 : vector<32xi16>, vector<32xi16>, vector<32xi16>, vector<32xi16>, vector<32xi16>, vector<32xi16>, vector<32xi16>, vector<32xi16>, vector<32xi16>, vector<32xi16>
      }
      %scan3A_134 = arith.constant 200 : i32
      %unpack3A = tpu.unpack_subelements %scan3A_133#0, 0 {pack_format = #tpu.pack_format<interleaved>} : vector<32xi16> -> vector<16xi32>
      %unpack3A_135 = tpu.unpack_subelements %scan3A_133#0, 1 {pack_format = #tpu.pack_format<interleaved>} : vector<32xi16> -> vector<16xi32>
      %convert_element_type3A = arith.sitofp %unpack3A : vector<16xi32> to vector<16xf32>
      %mul3A_136 = arith.mulf %convert_element_type3A, %gather3A_36 : vector<16xf32>
      %bitcast3A = vector.bitcast %mul3A_136 : vector<16xf32> to vector<16xi32>
      %add3A_137 = arith.constant 32767 : i32
      %add3A_138 = vector.broadcast %add3A_137 : i32 to vector<16xi32>
      %add3A_139 = arith.addi %bitcast3A, %add3A_138 : vector<16xi32>
      %shift_right_logical3A = arith.constant 16 : i32
      %shift_right_logical3A_140 = vector.broadcast %shift_right_logical3A : i32 to vector<16xi32>
      %shift_right_logical3A_141 = arith.shrui %bitcast3A, %shift_right_logical3A_140 : vector<16xi32>
      %and3A = arith.constant 1 : i32
      %and3A_142 = vector.broadcast %and3A : i32 to vector<16xi32>
      %and3A_143 = arith.andi %shift_right_logical3A_141, %and3A_142 : vector<16xi32>
      %add3A_144 = arith.addi %add3A_139, %and3A_143 : vector<16xi32>
      %and3A_145 = arith.constant -65536 : i32
      %and3A_146 = vector.broadcast %and3A_145 : i32 to vector<16xi32>
      %and3A_147 = arith.andi %add3A_144, %and3A_146 : vector<16xi32>
      %bitcast3A_148 = vector.bitcast %and3A_147 : vector<16xi32> to vector<16xf32>
      %convert_element_type3A_149 = arith.sitofp %unpack3A_135 : vector<16xi32> to vector<16xf32>
      %mul3A_150 = arith.mulf %convert_element_type3A_149, %gather3A_36 : vector<16xf32>
      %bitcast3A_151 = vector.bitcast %mul3A_150 : vector<16xf32> to vector<16xi32>
      %add3A_152 = arith.constant 32767 : i32
      %add3A_153 = vector.broadcast %add3A_152 : i32 to vector<16xi32>
      %add3A_154 = arith.addi %bitcast3A_151, %add3A_153 : vector<16xi32>
      %shift_right_logical3A_155 = arith.constant 16 : i32
      %shift_right_logical3A_156 = vector.broadcast %shift_right_logical3A_155 : i32 to vector<16xi32>
      %shift_right_logical3A_157 = arith.shrui %bitcast3A_151, %shift_right_logical3A_156 : vector<16xi32>
      %and3A_158 = arith.constant 1 : i32
      %and3A_159 = vector.broadcast %and3A_158 : i32 to vector<16xi32>
      %and3A_160 = arith.andi %shift_right_logical3A_157, %and3A_159 : vector<16xi32>
      %add3A_161 = arith.addi %add3A_154, %and3A_160 : vector<16xi32>
      %and3A_162 = arith.constant -65536 : i32
      %and3A_163 = vector.broadcast %and3A_162 : i32 to vector<16xi32>
      %and3A_164 = arith.andi %add3A_161, %and3A_163 : vector<16xi32>
      %bitcast3A_165 = vector.bitcast %and3A_164 : vector<16xi32> to vector<16xf32>
      %mul3A_166 = arith.mulf %gather3A, %bitcast3A_148 : vector<16xf32>
      %add3A_167 = arith.addf %gather3A_33, %mul3A_166 : vector<16xf32>
      %mul3A_168 = arith.mulf %gather3A_6, %bitcast3A_165 : vector<16xf32>
      %add3A_169 = arith.addf %add3A_167, %mul3A_168 : vector<16xf32>
      %unpack3A_170 = tpu.unpack_subelements %scan3A_133#1, 0 {pack_format = #tpu.pack_format<interleaved>} : vector<32xi16> -> vector<16xi32>
      %unpack3A_171 = tpu.unpack_subelements %scan3A_133#1, 1 {pack_format = #tpu.pack_format<interleaved>} : vector<32xi16> -> vector<16xi32>
      %convert_element_type3A_172 = arith.sitofp %unpack3A_170 : vector<16xi32> to vector<16xf32>
      %mul3A_173 = arith.mulf %convert_element_type3A_172, %gather3A_36 : vector<16xf32>
      %bitcast3A_174 = vector.bitcast %mul3A_173 : vector<16xf32> to vector<16xi32>
      %add3A_175 = arith.constant 32767 : i32
      %add3A_176 = vector.broadcast %add3A_175 : i32 to vector<16xi32>
      %add3A_177 = arith.addi %bitcast3A_174, %add3A_176 : vector<16xi32>
      %shift_right_logical3A_178 = arith.constant 16 : i32
      %shift_right_logical3A_179 = vector.broadcast %shift_right_logical3A_178 : i32 to vector<16xi32>
      %shift_right_logical3A_180 = arith.shrui %bitcast3A_174, %shift_right_logical3A_179 : vector<16xi32>
      %and3A_181 = arith.constant 1 : i32
      %and3A_182 = vector.broadcast %and3A_181 : i32 to vector<16xi32>
      %and3A_183 = arith.andi %shift_right_logical3A_180, %and3A_182 : vector<16xi32>
      %add3A_184 = arith.addi %add3A_177, %and3A_183 : vector<16xi32>
      %and3A_185 = arith.constant -65536 : i32
      %and3A_186 = vector.broadcast %and3A_185 : i32 to vector<16xi32>
      %and3A_187 = arith.andi %add3A_184, %and3A_186 : vector<16xi32>
      %bitcast3A_188 = vector.bitcast %and3A_187 : vector<16xi32> to vector<16xf32>
      %convert_element_type3A_189 = arith.sitofp %unpack3A_171 : vector<16xi32> to vector<16xf32>
      %mul3A_190 = arith.mulf %convert_element_type3A_189, %gather3A_36 : vector<16xf32>
      %bitcast3A_191 = vector.bitcast %mul3A_190 : vector<16xf32> to vector<16xi32>
      %add3A_192 = arith.constant 32767 : i32
      %add3A_193 = vector.broadcast %add3A_192 : i32 to vector<16xi32>
      %add3A_194 = arith.addi %bitcast3A_191, %add3A_193 : vector<16xi32>
      %shift_right_logical3A_195 = arith.constant 16 : i32
      %shift_right_logical3A_196 = vector.broadcast %shift_right_logical3A_195 : i32 to vector<16xi32>
      %shift_right_logical3A_197 = arith.shrui %bitcast3A_191, %shift_right_logical3A_196 : vector<16xi32>
      %and3A_198 = arith.constant 1 : i32
      %and3A_199 = vector.broadcast %and3A_198 : i32 to vector<16xi32>
      %and3A_200 = arith.andi %shift_right_logical3A_197, %and3A_199 : vector<16xi32>
      %add3A_201 = arith.addi %add3A_194, %and3A_200 : vector<16xi32>
      %and3A_202 = arith.constant -65536 : i32
      %and3A_203 = vector.broadcast %and3A_202 : i32 to vector<16xi32>
      %and3A_204 = arith.andi %add3A_201, %and3A_203 : vector<16xi32>
      %bitcast3A_205 = vector.bitcast %and3A_204 : vector<16xi32> to vector<16xf32>
      %mul3A_206 = arith.mulf %gather3A_9, %bitcast3A_188 : vector<16xf32>
      %add3A_207 = arith.addf %add3A_169, %mul3A_206 : vector<16xf32>
      %mul3A_208 = arith.mulf %gather3A_12, %bitcast3A_205 : vector<16xf32>
      %add3A_209 = arith.addf %add3A_207, %mul3A_208 : vector<16xf32>
      %unpack3A_210 = tpu.unpack_subelements %scan3A_133#2, 0 {pack_format = #tpu.pack_format<interleaved>} : vector<32xi16> -> vector<16xi32>
      %unpack3A_211 = tpu.unpack_subelements %scan3A_133#2, 1 {pack_format = #tpu.pack_format<interleaved>} : vector<32xi16> -> vector<16xi32>
      %convert_element_type3A_212 = arith.sitofp %unpack3A_210 : vector<16xi32> to vector<16xf32>
      %mul3A_213 = arith.mulf %convert_element_type3A_212, %gather3A_36 : vector<16xf32>
      %bitcast3A_214 = vector.bitcast %mul3A_213 : vector<16xf32> to vector<16xi32>
      %add3A_215 = arith.constant 32767 : i32
      %add3A_216 = vector.broadcast %add3A_215 : i32 to vector<16xi32>
      %add3A_217 = arith.addi %bitcast3A_214, %add3A_216 : vector<16xi32>
      %shift_right_logical3A_218 = arith.constant 16 : i32
      %shift_right_logical3A_219 = vector.broadcast %shift_right_logical3A_218 : i32 to vector<16xi32>
      %shift_right_logical3A_220 = arith.shrui %bitcast3A_214, %shift_right_logical3A_219 : vector<16xi32>
      %and3A_221 = arith.constant 1 : i32
      %and3A_222 = vector.broadcast %and3A_221 : i32 to vector<16xi32>
      %and3A_223 = arith.andi %shift_right_logical3A_220, %and3A_222 : vector<16xi32>
      %add3A_224 = arith.addi %add3A_217, %and3A_223 : vector<16xi32>
      %and3A_225 = arith.constant -65536 : i32
      %and3A_226 = vector.broadcast %and3A_225 : i32 to vector<16xi32>
      %and3A_227 = arith.andi %add3A_224, %and3A_226 : vector<16xi32>
      %bitcast3A_228 = vector.bitcast %and3A_227 : vector<16xi32> to vector<16xf32>
      %convert_element_type3A_229 = arith.sitofp %unpack3A_211 : vector<16xi32> to vector<16xf32>
      %mul3A_230 = arith.mulf %convert_element_type3A_229, %gather3A_36 : vector<16xf32>
      %bitcast3A_231 = vector.bitcast %mul3A_230 : vector<16xf32> to vector<16xi32>
      %add3A_232 = arith.constant 32767 : i32
      %add3A_233 = vector.broadcast %add3A_232 : i32 to vector<16xi32>
      %add3A_234 = arith.addi %bitcast3A_231, %add3A_233 : vector<16xi32>
      %shift_right_logical3A_235 = arith.constant 16 : i32
      %shift_right_logical3A_236 = vector.broadcast %shift_right_logical3A_235 : i32 to vector<16xi32>
      %shift_right_logical3A_237 = arith.shrui %bitcast3A_231, %shift_right_logical3A_236 : vector<16xi32>
      %and3A_238 = arith.constant 1 : i32
      %and3A_239 = vector.broadcast %and3A_238 : i32 to vector<16xi32>
      %and3A_240 = arith.andi %shift_right_logical3A_237, %and3A_239 : vector<16xi32>
      %add3A_241 = arith.addi %add3A_234, %and3A_240 : vector<16xi32>
      %and3A_242 = arith.constant -65536 : i32
      %and3A_243 = vector.broadcast %and3A_242 : i32 to vector<16xi32>
      %and3A_244 = arith.andi %add3A_241, %and3A_243 : vector<16xi32>
      %bitcast3A_245 = vector.bitcast %and3A_244 : vector<16xi32> to vector<16xf32>
      %mul3A_246 = arith.mulf %gather3A_15, %bitcast3A_228 : vector<16xf32>
      %add3A_247 = arith.addf %add3A_209, %mul3A_246 : vector<16xf32>
      %mul3A_248 = arith.mulf %gather3A_18, %bitcast3A_245 : vector<16xf32>
      %add3A_249 = arith.addf %add3A_247, %mul3A_248 : vector<16xf32>
      %unpack3A_250 = tpu.unpack_subelements %scan3A_133#3, 0 {pack_format = #tpu.pack_format<interleaved>} : vector<32xi16> -> vector<16xi32>
      %unpack3A_251 = tpu.unpack_subelements %scan3A_133#3, 1 {pack_format = #tpu.pack_format<interleaved>} : vector<32xi16> -> vector<16xi32>
      %convert_element_type3A_252 = arith.sitofp %unpack3A_250 : vector<16xi32> to vector<16xf32>
      %mul3A_253 = arith.mulf %convert_element_type3A_252, %gather3A_36 : vector<16xf32>
      %bitcast3A_254 = vector.bitcast %mul3A_253 : vector<16xf32> to vector<16xi32>
      %add3A_255 = arith.constant 32767 : i32
      %add3A_256 = vector.broadcast %add3A_255 : i32 to vector<16xi32>
      %add3A_257 = arith.addi %bitcast3A_254, %add3A_256 : vector<16xi32>
      %shift_right_logical3A_258 = arith.constant 16 : i32
      %shift_right_logical3A_259 = vector.broadcast %shift_right_logical3A_258 : i32 to vector<16xi32>
      %shift_right_logical3A_260 = arith.shrui %bitcast3A_254, %shift_right_logical3A_259 : vector<16xi32>
      %and3A_261 = arith.constant 1 : i32
      %and3A_262 = vector.broadcast %and3A_261 : i32 to vector<16xi32>
      %and3A_263 = arith.andi %shift_right_logical3A_260, %and3A_262 : vector<16xi32>
      %add3A_264 = arith.addi %add3A_257, %and3A_263 : vector<16xi32>
      %and3A_265 = arith.constant -65536 : i32
      %and3A_266 = vector.broadcast %and3A_265 : i32 to vector<16xi32>
      %and3A_267 = arith.andi %add3A_264, %and3A_266 : vector<16xi32>
      %bitcast3A_268 = vector.bitcast %and3A_267 : vector<16xi32> to vector<16xf32>
      %convert_element_type3A_269 = arith.sitofp %unpack3A_251 : vector<16xi32> to vector<16xf32>
      %mul3A_270 = arith.mulf %convert_element_type3A_269, %gather3A_36 : vector<16xf32>
      %bitcast3A_271 = vector.bitcast %mul3A_270 : vector<16xf32> to vector<16xi32>
      %add3A_272 = arith.constant 32767 : i32
      %add3A_273 = vector.broadcast %add3A_272 : i32 to vector<16xi32>
      %add3A_274 = arith.addi %bitcast3A_271, %add3A_273 : vector<16xi32>
      %shift_right_logical3A_275 = arith.constant 16 : i32
      %shift_right_logical3A_276 = vector.broadcast %shift_right_logical3A_275 : i32 to vector<16xi32>
      %shift_right_logical3A_277 = arith.shrui %bitcast3A_271, %shift_right_logical3A_276 : vector<16xi32>
      %and3A_278 = arith.constant 1 : i32
      %and3A_279 = vector.broadcast %and3A_278 : i32 to vector<16xi32>
      %and3A_280 = arith.andi %shift_right_logical3A_277, %and3A_279 : vector<16xi32>
      %add3A_281 = arith.addi %add3A_274, %and3A_280 : vector<16xi32>
      %and3A_282 = arith.constant -65536 : i32
      %and3A_283 = vector.broadcast %and3A_282 : i32 to vector<16xi32>
      %and3A_284 = arith.andi %add3A_281, %and3A_283 : vector<16xi32>
      %bitcast3A_285 = vector.bitcast %and3A_284 : vector<16xi32> to vector<16xf32>
      %mul3A_286 = arith.mulf %gather3A_21, %bitcast3A_268 : vector<16xf32>
      %add3A_287 = arith.addf %add3A_249, %mul3A_286 : vector<16xf32>
      %mul3A_288 = arith.mulf %gather3A_24, %bitcast3A_285 : vector<16xf32>
      %add3A_289 = arith.addf %add3A_287, %mul3A_288 : vector<16xf32>
      %unpack3A_290 = tpu.unpack_subelements %scan3A_133#4, 0 {pack_format = #tpu.pack_format<interleaved>} : vector<32xi16> -> vector<16xi32>
      %unpack3A_291 = tpu.unpack_subelements %scan3A_133#4, 1 {pack_format = #tpu.pack_format<interleaved>} : vector<32xi16> -> vector<16xi32>
      %convert_element_type3A_292 = arith.sitofp %unpack3A_290 : vector<16xi32> to vector<16xf32>
      %mul3A_293 = arith.mulf %convert_element_type3A_292, %gather3A_36 : vector<16xf32>
      %bitcast3A_294 = vector.bitcast %mul3A_293 : vector<16xf32> to vector<16xi32>
      %add3A_295 = arith.constant 32767 : i32
      %add3A_296 = vector.broadcast %add3A_295 : i32 to vector<16xi32>
      %add3A_297 = arith.addi %bitcast3A_294, %add3A_296 : vector<16xi32>
      %shift_right_logical3A_298 = arith.constant 16 : i32
      %shift_right_logical3A_299 = vector.broadcast %shift_right_logical3A_298 : i32 to vector<16xi32>
      %shift_right_logical3A_300 = arith.shrui %bitcast3A_294, %shift_right_logical3A_299 : vector<16xi32>
      %and3A_301 = arith.constant 1 : i32
      %and3A_302 = vector.broadcast %and3A_301 : i32 to vector<16xi32>
      %and3A_303 = arith.andi %shift_right_logical3A_300, %and3A_302 : vector<16xi32>
      %add3A_304 = arith.addi %add3A_297, %and3A_303 : vector<16xi32>
      %and3A_305 = arith.constant -65536 : i32
      %and3A_306 = vector.broadcast %and3A_305 : i32 to vector<16xi32>
      %and3A_307 = arith.andi %add3A_304, %and3A_306 : vector<16xi32>
      %bitcast3A_308 = vector.bitcast %and3A_307 : vector<16xi32> to vector<16xf32>
      %convert_element_type3A_309 = arith.sitofp %unpack3A_291 : vector<16xi32> to vector<16xf32>
      %mul3A_310 = arith.mulf %convert_element_type3A_309, %gather3A_36 : vector<16xf32>
      %bitcast3A_311 = vector.bitcast %mul3A_310 : vector<16xf32> to vector<16xi32>
      %add3A_312 = arith.constant 32767 : i32
      %add3A_313 = vector.broadcast %add3A_312 : i32 to vector<16xi32>
      %add3A_314 = arith.addi %bitcast3A_311, %add3A_313 : vector<16xi32>
      %shift_right_logical3A_315 = arith.constant 16 : i32
      %shift_right_logical3A_316 = vector.broadcast %shift_right_logical3A_315 : i32 to vector<16xi32>
      %shift_right_logical3A_317 = arith.shrui %bitcast3A_311, %shift_right_logical3A_316 : vector<16xi32>
      %and3A_318 = arith.constant 1 : i32
      %and3A_319 = vector.broadcast %and3A_318 : i32 to vector<16xi32>
      %and3A_320 = arith.andi %shift_right_logical3A_317, %and3A_319 : vector<16xi32>
      %add3A_321 = arith.addi %add3A_314, %and3A_320 : vector<16xi32>
      %and3A_322 = arith.constant -65536 : i32
      %and3A_323 = vector.broadcast %and3A_322 : i32 to vector<16xi32>
      %and3A_324 = arith.andi %add3A_321, %and3A_323 : vector<16xi32>
      %bitcast3A_325 = vector.bitcast %and3A_324 : vector<16xi32> to vector<16xf32>
      %mul3A_326 = arith.mulf %gather3A_27, %bitcast3A_308 : vector<16xf32>
      %add3A_327 = arith.addf %add3A_289, %mul3A_326 : vector<16xf32>
      %mul3A_328 = arith.mulf %gather3A_30, %bitcast3A_325 : vector<16xf32>
      %add3A_329 = arith.addf %add3A_327, %mul3A_328 : vector<16xf32>
      %mul3A_330 = arith.constant 32 : i32
      %mul3A_331 = arith.muli %scan3A_96, %mul3A_330 : i32
      %add3A_332 = arith.constant 256 : i32
      %add3A_333 = arith.addi %add3A_332, %mul3A_331 : i32
      %add3A_334 = arith.constant 0 : i32
      %add3A_335 = arith.addi %add3A_333, %add3A_334 : i32
      %swap3A = arith.index_cast %add3A_335 : i32 to index
      %swap3A_336 = tpu.vector_load %arg10[%swap3A] {strides = array<i32>} : memref<512xf32, #tpu.memory_space<vmem>>, vector<16xf32>,
      tpu.vector_store %arg10[%swap3A], %add3A_329 {strides = array<i32>} : memref<512xf32, #tpu.memory_space<vmem>>, vector<16xf32>,
      %unpack3A_337 = tpu.unpack_subelements %scan3A_133#5, 0 {pack_format = #tpu.pack_format<interleaved>} : vector<32xi16> -> vector<16xi32>
      %unpack3A_338 = tpu.unpack_subelements %scan3A_133#5, 1 {pack_format = #tpu.pack_format<interleaved>} : vector<32xi16> -> vector<16xi32>
      %convert_element_type3A_339 = arith.sitofp %unpack3A_337 : vector<16xi32> to vector<16xf32>
      %mul3A_340 = arith.mulf %convert_element_type3A_339, %gather3A_36 : vector<16xf32>
      %bitcast3A_341 = vector.bitcast %mul3A_340 : vector<16xf32> to vector<16xi32>
      %add3A_342 = arith.constant 32767 : i32
      %add3A_343 = vector.broadcast %add3A_342 : i32 to vector<16xi32>
      %add3A_344 = arith.addi %bitcast3A_341, %add3A_343 : vector<16xi32>
      %shift_right_logical3A_345 = arith.constant 16 : i32
      %shift_right_logical3A_346 = vector.broadcast %shift_right_logical3A_345 : i32 to vector<16xi32>
      %shift_right_logical3A_347 = arith.shrui %bitcast3A_341, %shift_right_logical3A_346 : vector<16xi32>
      %and3A_348 = arith.constant 1 : i32
      %and3A_349 = vector.broadcast %and3A_348 : i32 to vector<16xi32>
      %and3A_350 = arith.andi %shift_right_logical3A_347, %and3A_349 : vector<16xi32>
      %add3A_351 = arith.addi %add3A_344, %and3A_350 : vector<16xi32>
      %and3A_352 = arith.constant -65536 : i32
      %and3A_353 = vector.broadcast %and3A_352 : i32 to vector<16xi32>
      %and3A_354 = arith.andi %add3A_351, %and3A_353 : vector<16xi32>
      %bitcast3A_355 = vector.bitcast %and3A_354 : vector<16xi32> to vector<16xf32>
      %convert_element_type3A_356 = arith.sitofp %unpack3A_338 : vector<16xi32> to vector<16xf32>
      %mul3A_357 = arith.mulf %convert_element_type3A_356, %gather3A_36 : vector<16xf32>
      %bitcast3A_358 = vector.bitcast %mul3A_357 : vector<16xf32> to vector<16xi32>
      %add3A_359 = arith.constant 32767 : i32
      %add3A_360 = vector.broadcast %add3A_359 : i32 to vector<16xi32>
      %add3A_361 = arith.addi %bitcast3A_358, %add3A_360 : vector<16xi32>
      %shift_right_logical3A_362 = arith.constant 16 : i32
      %shift_right_logical3A_363 = vector.broadcast %shift_right_logical3A_362 : i32 to vector<16xi32>
      %shift_right_logical3A_364 = arith.shrui %bitcast3A_358, %shift_right_logical3A_363 : vector<16xi32>
      %and3A_365 = arith.constant 1 : i32
      %and3A_366 = vector.broadcast %and3A_365 : i32 to vector<16xi32>
      %and3A_367 = arith.andi %shift_right_logical3A_364, %and3A_366 : vector<16xi32>
      %add3A_368 = arith.addi %add3A_361, %and3A_367 : vector<16xi32>
      %and3A_369 = arith.constant -65536 : i32
      %and3A_370 = vector.broadcast %and3A_369 : i32 to vector<16xi32>
      %and3A_371 = arith.andi %add3A_368, %and3A_370 : vector<16xi32>
      %bitcast3A_372 = vector.bitcast %and3A_371 : vector<16xi32> to vector<16xf32>
      %mul3A_373 = arith.mulf %gather3A, %bitcast3A_355 : vector<16xf32>
      %add3A_374 = arith.addf %gather3A_33, %mul3A_373 : vector<16xf32>
      %mul3A_375 = arith.mulf %gather3A_6, %bitcast3A_372 : vector<16xf32>
      %add3A_376 = arith.addf %add3A_374, %mul3A_375 : vector<16xf32>
      %unpack3A_377 = tpu.unpack_subelements %scan3A_133#6, 0 {pack_format = #tpu.pack_format<interleaved>} : vector<32xi16> -> vector<16xi32>
      %unpack3A_378 = tpu.unpack_subelements %scan3A_133#6, 1 {pack_format = #tpu.pack_format<interleaved>} : vector<32xi16> -> vector<16xi32>
      %convert_element_type3A_379 = arith.sitofp %unpack3A_377 : vector<16xi32> to vector<16xf32>
      %mul3A_380 = arith.mulf %convert_element_type3A_379, %gather3A_36 : vector<16xf32>
      %bitcast3A_381 = vector.bitcast %mul3A_380 : vector<16xf32> to vector<16xi32>
      %add3A_382 = arith.constant 32767 : i32
      %add3A_383 = vector.broadcast %add3A_382 : i32 to vector<16xi32>
      %add3A_384 = arith.addi %bitcast3A_381, %add3A_383 : vector<16xi32>
      %shift_right_logical3A_385 = arith.constant 16 : i32
      %shift_right_logical3A_386 = vector.broadcast %shift_right_logical3A_385 : i32 to vector<16xi32>
      %shift_right_logical3A_387 = arith.shrui %bitcast3A_381, %shift_right_logical3A_386 : vector<16xi32>
      %and3A_388 = arith.constant 1 : i32
      %and3A_389 = vector.broadcast %and3A_388 : i32 to vector<16xi32>
      %and3A_390 = arith.andi %shift_right_logical3A_387, %and3A_389 : vector<16xi32>
      %add3A_391 = arith.addi %add3A_384, %and3A_390 : vector<16xi32>
      %and3A_392 = arith.constant -65536 : i32
      %and3A_393 = vector.broadcast %and3A_392 : i32 to vector<16xi32>
      %and3A_394 = arith.andi %add3A_391, %and3A_393 : vector<16xi32>
      %bitcast3A_395 = vector.bitcast %and3A_394 : vector<16xi32> to vector<16xf32>
      %convert_element_type3A_396 = arith.sitofp %unpack3A_378 : vector<16xi32> to vector<16xf32>
      %mul3A_397 = arith.mulf %convert_element_type3A_396, %gather3A_36 : vector<16xf32>
      %bitcast3A_398 = vector.bitcast %mul3A_397 : vector<16xf32> to vector<16xi32>
      %add3A_399 = arith.constant 32767 : i32
      %add3A_400 = vector.broadcast %add3A_399 : i32 to vector<16xi32>
      %add3A_401 = arith.addi %bitcast3A_398, %add3A_400 : vector<16xi32>
      %shift_right_logical3A_402 = arith.constant 16 : i32
      %shift_right_logical3A_403 = vector.broadcast %shift_right_logical3A_402 : i32 to vector<16xi32>
      %shift_right_logical3A_404 = arith.shrui %bitcast3A_398, %shift_right_logical3A_403 : vector<16xi32>
      %and3A_405 = arith.constant 1 : i32
      %and3A_406 = vector.broadcast %and3A_405 : i32 to vector<16xi32>
      %and3A_407 = arith.andi %shift_right_logical3A_404, %and3A_406 : vector<16xi32>
      %add3A_408 = arith.addi %add3A_401, %and3A_407 : vector<16xi32>
      %and3A_409 = arith.constant -65536 : i32
      %and3A_410 = vector.broadcast %and3A_409 : i32 to vector<16xi32>
      %and3A_411 = arith.andi %add3A_408, %and3A_410 : vector<16xi32>
      %bitcast3A_412 = vector.bitcast %and3A_411 : vector<16xi32> to vector<16xf32>
      %mul3A_413 = arith.mulf %gather3A_9, %bitcast3A_395 : vector<16xf32>
      %add3A_414 = arith.addf %add3A_376, %mul3A_413 : vector<16xf32>
      %mul3A_415 = arith.mulf %gather3A_12, %bitcast3A_412 : vector<16xf32>
      %add3A_416 = arith.addf %add3A_414, %mul3A_415 : vector<16xf32>
      %unpack3A_417 = tpu.unpack_subelements %scan3A_133#7, 0 {pack_format = #tpu.pack_format<interleaved>} : vector<32xi16> -> vector<16xi32>
      %unpack3A_418 = tpu.unpack_subelements %scan3A_133#7, 1 {pack_format = #tpu.pack_format<interleaved>} : vector<32xi16> -> vector<16xi32>
      %convert_element_type3A_419 = arith.sitofp %unpack3A_417 : vector<16xi32> to vector<16xf32>
      %mul3A_420 = arith.mulf %convert_element_type3A_419, %gather3A_36 : vector<16xf32>
      %bitcast3A_421 = vector.bitcast %mul3A_420 : vector<16xf32> to vector<16xi32>
      %add3A_422 = arith.constant 32767 : i32
      %add3A_423 = vector.broadcast %add3A_422 : i32 to vector<16xi32>
      %add3A_424 = arith.addi %bitcast3A_421, %add3A_423 : vector<16xi32>
      %shift_right_logical3A_425 = arith.constant 16 : i32
      %shift_right_logical3A_426 = vector.broadcast %shift_right_logical3A_425 : i32 to vector<16xi32>
      %shift_right_logical3A_427 = arith.shrui %bitcast3A_421, %shift_right_logical3A_426 : vector<16xi32>
      %and3A_428 = arith.constant 1 : i32
      %and3A_429 = vector.broadcast %and3A_428 : i32 to vector<16xi32>
      %and3A_430 = arith.andi %shift_right_logical3A_427, %and3A_429 : vector<16xi32>
      %add3A_431 = arith.addi %add3A_424, %and3A_430 : vector<16xi32>
      %and3A_432 = arith.constant -65536 : i32
      %and3A_433 = vector.broadcast %and3A_432 : i32 to vector<16xi32>
      %and3A_434 = arith.andi %add3A_431, %and3A_433 : vector<16xi32>
      %bitcast3A_435 = vector.bitcast %and3A_434 : vector<16xi32> to vector<16xf32>
      %convert_element_type3A_436 = arith.sitofp %unpack3A_418 : vector<16xi32> to vector<16xf32>
      %mul3A_437 = arith.mulf %convert_element_type3A_436, %gather3A_36 : vector<16xf32>
      %bitcast3A_438 = vector.bitcast %mul3A_437 : vector<16xf32> to vector<16xi32>
      %add3A_439 = arith.constant 32767 : i32
      %add3A_440 = vector.broadcast %add3A_439 : i32 to vector<16xi32>
      %add3A_441 = arith.addi %bitcast3A_438, %add3A_440 : vector<16xi32>
      %shift_right_logical3A_442 = arith.constant 16 : i32
      %shift_right_logical3A_443 = vector.broadcast %shift_right_logical3A_442 : i32 to vector<16xi32>
      %shift_right_logical3A_444 = arith.shrui %bitcast3A_438, %shift_right_logical3A_443 : vector<16xi32>
      %and3A_445 = arith.constant 1 : i32
      %and3A_446 = vector.broadcast %and3A_445 : i32 to vector<16xi32>
      %and3A_447 = arith.andi %shift_right_logical3A_444, %and3A_446 : vector<16xi32>
      %add3A_448 = arith.addi %add3A_441, %and3A_447 : vector<16xi32>
      %and3A_449 = arith.constant -65536 : i32
      %and3A_450 = vector.broadcast %and3A_449 : i32 to vector<16xi32>
      %and3A_451 = arith.andi %add3A_448, %and3A_450 : vector<16xi32>
      %bitcast3A_452 = vector.bitcast %and3A_451 : vector<16xi32> to vector<16xf32>
      %mul3A_453 = arith.mulf %gather3A_15, %bitcast3A_435 : vector<16xf32>
      %add3A_454 = arith.addf %add3A_416, %mul3A_453 : vector<16xf32>
      %mul3A_455 = arith.mulf %gather3A_18, %bitcast3A_452 : vector<16xf32>
      %add3A_456 = arith.addf %add3A_454, %mul3A_455 : vector<16xf32>
      %unpack3A_457 = tpu.unpack_subelements %scan3A_133#8, 0 {pack_format = #tpu.pack_format<interleaved>} : vector<32xi16> -> vector<16xi32>
      %unpack3A_458 = tpu.unpack_subelements %scan3A_133#8, 1 {pack_format = #tpu.pack_format<interleaved>} : vector<32xi16> -> vector<16xi32>
      %convert_element_type3A_459 = arith.sitofp %unpack3A_457 : vector<16xi32> to vector<16xf32>
      %mul3A_460 = arith.mulf %convert_element_type3A_459, %gather3A_36 : vector<16xf32>
      %bitcast3A_461 = vector.bitcast %mul3A_460 : vector<16xf32> to vector<16xi32>
      %add3A_462 = arith.constant 32767 : i32
      %add3A_463 = vector.broadcast %add3A_462 : i32 to vector<16xi32>
      %add3A_464 = arith.addi %bitcast3A_461, %add3A_463 : vector<16xi32>
      %shift_right_logical3A_465 = arith.constant 16 : i32
      %shift_right_logical3A_466 = vector.broadcast %shift_right_logical3A_465 : i32 to vector<16xi32>
      %shift_right_logical3A_467 = arith.shrui %bitcast3A_461, %shift_right_logical3A_466 : vector<16xi32>
      %and3A_468 = arith.constant 1 : i32
      %and3A_469 = vector.broadcast %and3A_468 : i32 to vector<16xi32>
      %and3A_470 = arith.andi %shift_right_logical3A_467, %and3A_469 : vector<16xi32>
      %add3A_471 = arith.addi %add3A_464, %and3A_470 : vector<16xi32>
      %and3A_472 = arith.constant -65536 : i32
      %and3A_473 = vector.broadcast %and3A_472 : i32 to vector<16xi32>
      %and3A_474 = arith.andi %add3A_471, %and3A_473 : vector<16xi32>
      %bitcast3A_475 = vector.bitcast %and3A_474 : vector<16xi32> to vector<16xf32>
      %convert_element_type3A_476 = arith.sitofp %unpack3A_458 : vector<16xi32> to vector<16xf32>
      %mul3A_477 = arith.mulf %convert_element_type3A_476, %gather3A_36 : vector<16xf32>
      %bitcast3A_478 = vector.bitcast %mul3A_477 : vector<16xf32> to vector<16xi32>
      %add3A_479 = arith.constant 32767 : i32
      %add3A_480 = vector.broadcast %add3A_479 : i32 to vector<16xi32>
      %add3A_481 = arith.addi %bitcast3A_478, %add3A_480 : vector<16xi32>
      %shift_right_logical3A_482 = arith.constant 16 : i32
      %shift_right_logical3A_483 = vector.broadcast %shift_right_logical3A_482 : i32 to vector<16xi32>
      %shift_right_logical3A_484 = arith.shrui %bitcast3A_478, %shift_right_logical3A_483 : vector<16xi32>
      %and3A_485 = arith.constant 1 : i32
      %and3A_486 = vector.broadcast %and3A_485 : i32 to vector<16xi32>
      %and3A_487 = arith.andi %shift_right_logical3A_484, %and3A_486 : vector<16xi32>
      %add3A_488 = arith.addi %add3A_481, %and3A_487 : vector<16xi32>
      %and3A_489 = arith.constant -65536 : i32
      %and3A_490 = vector.broadcast %and3A_489 : i32 to vector<16xi32>
      %and3A_491 = arith.andi %add3A_488, %and3A_490 : vector<16xi32>
      %bitcast3A_492 = vector.bitcast %and3A_491 : vector<16xi32> to vector<16xf32>
      %mul3A_493 = arith.mulf %gather3A_21, %bitcast3A_475 : vector<16xf32>
      %add3A_494 = arith.addf %add3A_456, %mul3A_493 : vector<16xf32>
      %mul3A_495 = arith.mulf %gather3A_24, %bitcast3A_492 : vector<16xf32>
      %add3A_496 = arith.addf %add3A_494, %mul3A_495 : vector<16xf32>
      %unpack3A_497 = tpu.unpack_subelements %scan3A_133#9, 0 {pack_format = #tpu.pack_format<interleaved>} : vector<32xi16> -> vector<16xi32>
      %unpack3A_498 = tpu.unpack_subelements %scan3A_133#9, 1 {pack_format = #tpu.pack_format<interleaved>} : vector<32xi16> -> vector<16xi32>
      %convert_element_type3A_499 = arith.sitofp %unpack3A_497 : vector<16xi32> to vector<16xf32>
      %mul3A_500 = arith.mulf %convert_element_type3A_499, %gather3A_36 : vector<16xf32>
      %bitcast3A_501 = vector.bitcast %mul3A_500 : vector<16xf32> to vector<16xi32>
      %add3A_502 = arith.constant 32767 : i32
      %add3A_503 = vector.broadcast %add3A_502 : i32 to vector<16xi32>
      %add3A_504 = arith.addi %bitcast3A_501, %add3A_503 : vector<16xi32>
      %shift_right_logical3A_505 = arith.constant 16 : i32
      %shift_right_logical3A_506 = vector.broadcast %shift_right_logical3A_505 : i32 to vector<16xi32>
      %shift_right_logical3A_507 = arith.shrui %bitcast3A_501, %shift_right_logical3A_506 : vector<16xi32>
      %and3A_508 = arith.constant 1 : i32
      %and3A_509 = vector.broadcast %and3A_508 : i32 to vector<16xi32>
      %and3A_510 = arith.andi %shift_right_logical3A_507, %and3A_509 : vector<16xi32>
      %add3A_511 = arith.addi %add3A_504, %and3A_510 : vector<16xi32>
      %and3A_512 = arith.constant -65536 : i32
      %and3A_513 = vector.broadcast %and3A_512 : i32 to vector<16xi32>
      %and3A_514 = arith.andi %add3A_511, %and3A_513 : vector<16xi32>
      %bitcast3A_515 = vector.bitcast %and3A_514 : vector<16xi32> to vector<16xf32>
      %convert_element_type3A_516 = arith.sitofp %unpack3A_498 : vector<16xi32> to vector<16xf32>
      %mul3A_517 = arith.mulf %convert_element_type3A_516, %gather3A_36 : vector<16xf32>
      %bitcast3A_518 = vector.bitcast %mul3A_517 : vector<16xf32> to vector<16xi32>
      %add3A_519 = arith.constant 32767 : i32
      %add3A_520 = vector.broadcast %add3A_519 : i32 to vector<16xi32>
      %add3A_521 = arith.addi %bitcast3A_518, %add3A_520 : vector<16xi32>
      %shift_right_logical3A_522 = arith.constant 16 : i32
      %shift_right_logical3A_523 = vector.broadcast %shift_right_logical3A_522 : i32 to vector<16xi32>
      %shift_right_logical3A_524 = arith.shrui %bitcast3A_518, %shift_right_logical3A_523 : vector<16xi32>
      %and3A_525 = arith.constant 1 : i32
      %and3A_526 = vector.broadcast %and3A_525 : i32 to vector<16xi32>
      %and3A_527 = arith.andi %shift_right_logical3A_524, %and3A_526 : vector<16xi32>
      %add3A_528 = arith.addi %add3A_521, %and3A_527 : vector<16xi32>
      %and3A_529 = arith.constant -65536 : i32
      %and3A_530 = vector.broadcast %and3A_529 : i32 to vector<16xi32>
      %and3A_531 = arith.andi %add3A_528, %and3A_530 : vector<16xi32>
      %bitcast3A_532 = vector.bitcast %and3A_531 : vector<16xi32> to vector<16xf32>
      %mul3A_533 = arith.mulf %gather3A_27, %bitcast3A_515 : vector<16xf32>
      %add3A_534 = arith.addf %add3A_496, %mul3A_533 : vector<16xf32>
      %mul3A_535 = arith.mulf %gather3A_30, %bitcast3A_532 : vector<16xf32>
      %add3A_536 = arith.addf %add3A_534, %mul3A_535 : vector<16xf32>
      %mul3A_537 = arith.constant 32 : i32
      %mul3A_538 = arith.muli %scan3A_96, %mul3A_537 : i32
      %add3A_539 = arith.constant 256 : i32
      %add3A_540 = arith.addi %add3A_539, %mul3A_538 : i32
      %add3A_541 = arith.constant 16 : i32
      %add3A_542 = arith.addi %add3A_540, %add3A_541 : i32
      %swap3A_543 = arith.index_cast %add3A_542 : i32 to index
      %swap3A_544 = tpu.vector_load %arg10[%swap3A_543] {strides = array<i32>} : memref<512xf32, #tpu.memory_space<vmem>>, vector<16xf32>,
      tpu.vector_store %arg10[%swap3A_543], %add3A_536 {strides = array<i32>} : memref<512xf32, #tpu.memory_space<vmem>>, vector<16xf32>,
    }
    %scan3A_85 = arith.constant 4 : i32
    %dma_wait3A_86 = arith.constant 0 : i32
    %dma_wait3A_87 = tpu.memref_slice %arg2[%add3A_75, %dma_wait3A_86] : memref<16384x200xi32, #tpu.memory_space<hbm>> -> memref<128x200xi32, #tpu.memory_space<hbm>>
    %dma_wait3A_88 = arith.constant 0 : i32
    %dma_wait3A_89 = tpu.memref_slice %arg2[%add3A_75, %dma_wait3A_88] : memref<16384x200xi32, #tpu.memory_space<hbm>> -> memref<128x200xi32, #tpu.memory_space<hbm>>
    tpu.wait_dma2 semaphore(%arg12 : memref<!tpu.dma_semaphore, #tpu.memory_space<semaphore_mem>>) src(%dma_wait3A_89 : memref<128x200xi32, #tpu.memory_space<hbm>>) dst(%arg7 : memref<128x200xi32, #tpu.memory_space<vmem>>)
    %scan3A_90 = arith.constant 0 : i32
    %scan3A_91 = arith.constant 0 : i32
    %scan3A_92 = arith.constant 4 : i32
    %scan3A_93 = arith.addi %scan3A_91, %scan3A_92 : i32
    %scan3A_94 = arith.constant 1 : i32
    scf.for %scan3A_96 = %scan3A_91 to %scan3A_93 step %scan3A_94  : i32 {
      %mul3A_97 = arith.constant 32 : i32
      %mul3A_98 = arith.muli %scan3A_96, %mul3A_97 : i32
      %add3A_99 = arith.constant 0 : i32
      %add3A_100 = arith.addi %mul3A_98, %add3A_99 : i32
      %add3A_101 = vector.broadcast %add3A_100 : i32 to vector<16xi32>
      %add3A_102 = arith.addi %add3A_101, %iota3A : vector<16xi32>
      %mul3A_103 = arith.constant 32 : i32
      %mul3A_104 = arith.muli %scan3A_96, %mul3A_103 : i32
      %add3A_105 = arith.constant 16 : i32
      %add3A_106 = arith.addi %mul3A_104, %add3A_105 : i32
      %add3A_107 = vector.broadcast %add3A_106 : i32 to vector<16xi32>
      %add3A_108 = arith.addi %add3A_107, %iota3A : vector<16xi32>
      %broadcast_in_dim3A_109 = arith.constant -32768 : i16
      %broadcast_in_dim3A_110 = vector.broadcast %broadcast_in_dim3A_109 : i16 to vector<32xi16>
      %broadcast_in_dim3A_111 = arith.constant -32768 : i16
      %broadcast_in_dim3A_112 = vector.broadcast %broadcast_in_dim3A_111 : i16 to vector<32xi16>
      %broadcast_in_dim3A_113 = arith.constant -32768 : i16
      %broadcast_in_dim3A_114 = vector.broadcast %broadcast_in_dim3A_113 : i16 to vector<32xi16>
      %broadcast_in_dim3A_115 = arith.constant -32768 : i16
      %broadcast_in_dim3A_116 = vector.broadcast %broadcast_in_dim3A_115 : i16 to vector<32xi16>
      %broadcast_in_dim3A_117 = arith.constant -32768 : i16
      %broadcast_in_dim3A_118 = vector.broadcast %broadcast_in_dim3A_117 : i16 to vector<32xi16>
      %broadcast_in_dim3A_119 = arith.constant -32768 : i16
      %broadcast_in_dim3A_120 = vector.broadcast %broadcast_in_dim3A_119 : i16 to vector<32xi16>
      %broadcast_in_dim3A_121 = arith.constant -32768 : i16
      %broadcast_in_dim3A_122 = vector.broadcast %broadcast_in_dim3A_121 : i16 to vector<32xi16>
      %broadcast_in_dim3A_123 = arith.constant -32768 : i16
      %broadcast_in_dim3A_124 = vector.broadcast %broadcast_in_dim3A_123 : i16 to vector<32xi16>
      %broadcast_in_dim3A_125 = arith.constant -32768 : i16
      %broadcast_in_dim3A_126 = vector.broadcast %broadcast_in_dim3A_125 : i16 to vector<32xi16>
      %broadcast_in_dim3A_127 = arith.constant -32768 : i16
      %broadcast_in_dim3A_128 = vector.broadcast %broadcast_in_dim3A_127 : i16 to vector<32xi16>
      %scan3A_129 = arith.constant 0 : i32
      %scan3A_130 = arith.constant 200 : i32
      %scan3A_131 = arith.addi %scan3A_129, %scan3A_130 : i32
      %scan3A_132 = arith.constant 1 : i32
      %scan3A_133:10 = scf.for %scan3A_545 = %scan3A_129 to %scan3A_131 step %scan3A_132 iter_args(%scan3A_546 = %broadcast_in_dim3A_110, %scan3A_547 = %broadcast_in_dim3A_112, %scan3A_548 = %broadcast_in_dim3A_114, %scan3A_549 = %broadcast_in_dim3A_116, %scan3A_550 = %broadcast_in_dim3A_118, %scan3A_551 = %broadcast_in_dim3A_120, %scan3A_552 = %broadcast_in_dim3A_122, %scan3A_553 = %broadcast_in_dim3A_124, %scan3A_554 = %broadcast_in_dim3A_126, %scan3A_555 = %broadcast_in_dim3A_128) -> (vector<32xi16>, vector<32xi16>, vector<32xi16>, vector<32xi16>, vector<32xi16>, vector<32xi16>, vector<32xi16>, vector<32xi16>, vector<32xi16>, vector<32xi16>)  : i32 {
        %add3A_556 = vector.broadcast %scan3A_545 : i32 to vector<16xi32>
        %add3A_557 = arith.addi %add3A_556, %iota3A : vector<16xi32>
        %ge3A = arith.constant 200 : i32
        %ge3A_558 = vector.broadcast %ge3A : i32 to vector<16xi32>
        %ge3A_559 = arith.cmpi sge, %add3A_557, %ge3A_558 : vector<16xi32>
        %sub3A = arith.constant 200 : i32
        %sub3A_560 = vector.broadcast %sub3A : i32 to vector<16xi32>
        %sub3A_561 = arith.subi %add3A_557, %sub3A_560 : vector<16xi32>
        %select_n3A = arith.select %ge3A_559, %sub3A_561, %add3A_557 : vector<16xi1>, vector<16xi32>
        %gather3A_562 = tpu.vector_load_idx %arg7[%add3A_102, %select_n3A] : memref<128x200xi32, #tpu.memory_space<vmem>>[vector<16xi32>, vector<16xi32>], vector<16xi32>,
        %mul3A_563 = arith.constant 5 : i32
        %mul3A_564 = vector.broadcast %mul3A_563 : i32 to vector<16xi32>
        %mul3A_565 = arith.muli %gather3A_562, %mul3A_564 : vector<16xi32>
        %add3A_566 = arith.constant 0 : i32
        %add3A_567 = vector.broadcast %add3A_566 : i32 to vector<16xi32>
        %add3A_568 = arith.addi %mul3A_565, %add3A_567 : vector<16xi32>
        %gather3A_569 = tpu.vector_load_idx %arg8[%add3A_568] : memref<5000xi32, #tpu.memory_space<vmem>>[vector<16xi32>], vector<16xi32>,
        %bitcast3A_570 = vector.bitcast %gather3A_569 : vector<16xi32> to vector<32xi16>
        %max3A = arith.maxsi %scan3A_546, %bitcast3A_570 : vector<32xi16>
        %add3A_571 = arith.constant 1 : i32
        %add3A_572 = vector.broadcast %add3A_571 : i32 to vector<16xi32>
        %add3A_573 = arith.addi %mul3A_565, %add3A_572 : vector<16xi32>
        %gather3A_574 = tpu.vector_load_idx %arg8[%add3A_573] : memref<5000xi32, #tpu.memory_space<vmem>>[vector<16xi32>], vector<16xi32>,
        %bitcast3A_575 = vector.bitcast %gather3A_574 : vector<16xi32> to vector<32xi16>
        %max3A_576 = arith.maxsi %scan3A_547, %bitcast3A_575 : vector<32xi16>
        %add3A_577 = arith.constant 2 : i32
        %add3A_578 = vector.broadcast %add3A_577 : i32 to vector<16xi32>
        %add3A_579 = arith.addi %mul3A_565, %add3A_578 : vector<16xi32>
        %gather3A_580 = tpu.vector_load_idx %arg8[%add3A_579] : memref<5000xi32, #tpu.memory_space<vmem>>[vector<16xi32>], vector<16xi32>,
        %bitcast3A_581 = vector.bitcast %gather3A_580 : vector<16xi32> to vector<32xi16>
        %max3A_582 = arith.maxsi %scan3A_548, %bitcast3A_581 : vector<32xi16>
        %add3A_583 = arith.constant 3 : i32
        %add3A_584 = vector.broadcast %add3A_583 : i32 to vector<16xi32>
        %add3A_585 = arith.addi %mul3A_565, %add3A_584 : vector<16xi32>
        %gather3A_586 = tpu.vector_load_idx %arg8[%add3A_585] : memref<5000xi32, #tpu.memory_space<vmem>>[vector<16xi32>], vector<16xi32>,
        %bitcast3A_587 = vector.bitcast %gather3A_586 : vector<16xi32> to vector<32xi16>
        %max3A_588 = arith.maxsi %scan3A_549, %bitcast3A_587 : vector<32xi16>
        %add3A_589 = arith.constant 4 : i32
        %add3A_590 = vector.broadcast %add3A_589 : i32 to vector<16xi32>
        %add3A_591 = arith.addi %mul3A_565, %add3A_590 : vector<16xi32>
        %gather3A_592 = tpu.vector_load_idx %arg8[%add3A_591] : memref<5000xi32, #tpu.memory_space<vmem>>[vector<16xi32>], vector<16xi32>,
        %bitcast3A_593 = vector.bitcast %gather3A_592 : vector<16xi32> to vector<32xi16>
        %max3A_594 = arith.maxsi %scan3A_550, %bitcast3A_593 : vector<32xi16>
        %gather3A_595 = tpu.vector_load_idx %arg7[%add3A_108, %select_n3A] : memref<128x200xi32, #tpu.memory_space<vmem>>[vector<16xi32>, vector<16xi32>], vector<16xi32>,
        %mul3A_596 = arith.constant 5 : i32
        %mul3A_597 = vector.broadcast %mul3A_596 : i32 to vector<16xi32>
        %mul3A_598 = arith.muli %gather3A_595, %mul3A_597 : vector<16xi32>
        %add3A_599 = arith.constant 0 : i32
        %add3A_600 = vector.broadcast %add3A_599 : i32 to vector<16xi32>
        %add3A_601 = arith.addi %mul3A_598, %add3A_600 : vector<16xi32>
        %gather3A_602 = tpu.vector_load_idx %arg8[%add3A_601] : memref<5000xi32, #tpu.memory_space<vmem>>[vector<16xi32>], vector<16xi32>,
        %bitcast3A_603 = vector.bitcast %gather3A_602 : vector<16xi32> to vector<32xi16>
        %max3A_604 = arith.maxsi %scan3A_551, %bitcast3A_603 : vector<32xi16>
        %add3A_605 = arith.constant 1 : i32
        %add3A_606 = vector.broadcast %add3A_605 : i32 to vector<16xi32>
        %add3A_607 = arith.addi %mul3A_598, %add3A_606 : vector<16xi32>
        %gather3A_608 = tpu.vector_load_idx %arg8[%add3A_607] : memref<5000xi32, #tpu.memory_space<vmem>>[vector<16xi32>], vector<16xi32>,
        %bitcast3A_609 = vector.bitcast %gather3A_608 : vector<16xi32> to vector<32xi16>
        %max3A_610 = arith.maxsi %scan3A_552, %bitcast3A_609 : vector<32xi16>
        %add3A_611 = arith.constant 2 : i32
        %add3A_612 = vector.broadcast %add3A_611 : i32 to vector<16xi32>
        %add3A_613 = arith.addi %mul3A_598, %add3A_612 : vector<16xi32>
        %gather3A_614 = tpu.vector_load_idx %arg8[%add3A_613] : memref<5000xi32, #tpu.memory_space<vmem>>[vector<16xi32>], vector<16xi32>,
        %bitcast3A_615 = vector.bitcast %gather3A_614 : vector<16xi32> to vector<32xi16>
        %max3A_616 = arith.maxsi %scan3A_553, %bitcast3A_615 : vector<32xi16>
        %add3A_617 = arith.constant 3 : i32
        %add3A_618 = vector.broadcast %add3A_617 : i32 to vector<16xi32>
        %add3A_619 = arith.addi %mul3A_598, %add3A_618 : vector<16xi32>
        %gather3A_620 = tpu.vector_load_idx %arg8[%add3A_619] : memref<5000xi32, #tpu.memory_space<vmem>>[vector<16xi32>], vector<16xi32>,
        %bitcast3A_621 = vector.bitcast %gather3A_620 : vector<16xi32> to vector<32xi16>
        %max3A_622 = arith.maxsi %scan3A_554, %bitcast3A_621 : vector<32xi16>
        %add3A_623 = arith.constant 4 : i32
        %add3A_624 = vector.broadcast %add3A_623 : i32 to vector<16xi32>
        %add3A_625 = arith.addi %mul3A_598, %add3A_624 : vector<16xi32>
        %gather3A_626 = tpu.vector_load_idx %arg8[%add3A_625] : memref<5000xi32, #tpu.memory_space<vmem>>[vector<16xi32>], vector<16xi32>,
        %bitcast3A_627 = vector.bitcast %gather3A_626 : vector<16xi32> to vector<32xi16>
        %max3A_628 = arith.maxsi %scan3A_555, %bitcast3A_627 : vector<32xi16>
        scf.yield %max3A, %max3A_576, %max3A_582, %max3A_588, %max3A_594, %max3A_604, %max3A_610, %max3A_616, %max3A_622, %max3A_628 : vector<32xi16>, vector<32xi16>, vector<32xi16>, vector<32xi16>, vector<32xi16>, vector<32xi16>, vector<32xi16>, vector<32xi16>, vector<32xi16>, vector<32xi16>
      }
      %scan3A_134 = arith.constant 200 : i32
      %unpack3A = tpu.unpack_subelements %scan3A_133#0, 0 {pack_format = #tpu.pack_format<interleaved>} : vector<32xi16> -> vector<16xi32>
      %unpack3A_135 = tpu.unpack_subelements %scan3A_133#0, 1 {pack_format = #tpu.pack_format<interleaved>} : vector<32xi16> -> vector<16xi32>
      %convert_element_type3A = arith.sitofp %unpack3A : vector<16xi32> to vector<16xf32>
      %mul3A_136 = arith.mulf %convert_element_type3A, %gather3A_36 : vector<16xf32>
      %bitcast3A = vector.bitcast %mul3A_136 : vector<16xf32> to vector<16xi32>
      %add3A_137 = arith.constant 32767 : i32
      %add3A_138 = vector.broadcast %add3A_137 : i32 to vector<16xi32>
      %add3A_139 = arith.addi %bitcast3A, %add3A_138 : vector<16xi32>
      %shift_right_logical3A = arith.constant 16 : i32
      %shift_right_logical3A_140 = vector.broadcast %shift_right_logical3A : i32 to vector<16xi32>
      %shift_right_logical3A_141 = arith.shrui %bitcast3A, %shift_right_logical3A_140 : vector<16xi32>
      %and3A = arith.constant 1 : i32
      %and3A_142 = vector.broadcast %and3A : i32 to vector<16xi32>
      %and3A_143 = arith.andi %shift_right_logical3A_141, %and3A_142 : vector<16xi32>
      %add3A_144 = arith.addi %add3A_139, %and3A_143 : vector<16xi32>
      %and3A_145 = arith.constant -65536 : i32
      %and3A_146 = vector.broadcast %and3A_145 : i32 to vector<16xi32>
      %and3A_147 = arith.andi %add3A_144, %and3A_146 : vector<16xi32>
      %bitcast3A_148 = vector.bitcast %and3A_147 : vector<16xi32> to vector<16xf32>
      %convert_element_type3A_149 = arith.sitofp %unpack3A_135 : vector<16xi32> to vector<16xf32>
      %mul3A_150 = arith.mulf %convert_element_type3A_149, %gather3A_36 : vector<16xf32>
      %bitcast3A_151 = vector.bitcast %mul3A_150 : vector<16xf32> to vector<16xi32>
      %add3A_152 = arith.constant 32767 : i32
      %add3A_153 = vector.broadcast %add3A_152 : i32 to vector<16xi32>
      %add3A_154 = arith.addi %bitcast3A_151, %add3A_153 : vector<16xi32>
      %shift_right_logical3A_155 = arith.constant 16 : i32
      %shift_right_logical3A_156 = vector.broadcast %shift_right_logical3A_155 : i32 to vector<16xi32>
      %shift_right_logical3A_157 = arith.shrui %bitcast3A_151, %shift_right_logical3A_156 : vector<16xi32>
      %and3A_158 = arith.constant 1 : i32
      %and3A_159 = vector.broadcast %and3A_158 : i32 to vector<16xi32>
      %and3A_160 = arith.andi %shift_right_logical3A_157, %and3A_159 : vector<16xi32>
      %add3A_161 = arith.addi %add3A_154, %and3A_160 : vector<16xi32>
      %and3A_162 = arith.constant -65536 : i32
      %and3A_163 = vector.broadcast %and3A_162 : i32 to vector<16xi32>
      %and3A_164 = arith.andi %add3A_161, %and3A_163 : vector<16xi32>
      %bitcast3A_165 = vector.bitcast %and3A_164 : vector<16xi32> to vector<16xf32>
      %mul3A_166 = arith.mulf %gather3A, %bitcast3A_148 : vector<16xf32>
      %add3A_167 = arith.addf %gather3A_33, %mul3A_166 : vector<16xf32>
      %mul3A_168 = arith.mulf %gather3A_6, %bitcast3A_165 : vector<16xf32>
      %add3A_169 = arith.addf %add3A_167, %mul3A_168 : vector<16xf32>
      %unpack3A_170 = tpu.unpack_subelements %scan3A_133#1, 0 {pack_format = #tpu.pack_format<interleaved>} : vector<32xi16> -> vector<16xi32>
      %unpack3A_171 = tpu.unpack_subelements %scan3A_133#1, 1 {pack_format = #tpu.pack_format<interleaved>} : vector<32xi16> -> vector<16xi32>
      %convert_element_type3A_172 = arith.sitofp %unpack3A_170 : vector<16xi32> to vector<16xf32>
      %mul3A_173 = arith.mulf %convert_element_type3A_172, %gather3A_36 : vector<16xf32>
      %bitcast3A_174 = vector.bitcast %mul3A_173 : vector<16xf32> to vector<16xi32>
      %add3A_175 = arith.constant 32767 : i32
      %add3A_176 = vector.broadcast %add3A_175 : i32 to vector<16xi32>
      %add3A_177 = arith.addi %bitcast3A_174, %add3A_176 : vector<16xi32>
      %shift_right_logical3A_178 = arith.constant 16 : i32
      %shift_right_logical3A_179 = vector.broadcast %shift_right_logical3A_178 : i32 to vector<16xi32>
      %shift_right_logical3A_180 = arith.shrui %bitcast3A_174, %shift_right_logical3A_179 : vector<16xi32>
      %and3A_181 = arith.constant 1 : i32
      %and3A_182 = vector.broadcast %and3A_181 : i32 to vector<16xi32>
      %and3A_183 = arith.andi %shift_right_logical3A_180, %and3A_182 : vector<16xi32>
      %add3A_184 = arith.addi %add3A_177, %and3A_183 : vector<16xi32>
      %and3A_185 = arith.constant -65536 : i32
      %and3A_186 = vector.broadcast %and3A_185 : i32 to vector<16xi32>
      %and3A_187 = arith.andi %add3A_184, %and3A_186 : vector<16xi32>
      %bitcast3A_188 = vector.bitcast %and3A_187 : vector<16xi32> to vector<16xf32>
      %convert_element_type3A_189 = arith.sitofp %unpack3A_171 : vector<16xi32> to vector<16xf32>
      %mul3A_190 = arith.mulf %convert_element_type3A_189, %gather3A_36 : vector<16xf32>
      %bitcast3A_191 = vector.bitcast %mul3A_190 : vector<16xf32> to vector<16xi32>
      %add3A_192 = arith.constant 32767 : i32
      %add3A_193 = vector.broadcast %add3A_192 : i32 to vector<16xi32>
      %add3A_194 = arith.addi %bitcast3A_191, %add3A_193 : vector<16xi32>
      %shift_right_logical3A_195 = arith.constant 16 : i32
      %shift_right_logical3A_196 = vector.broadcast %shift_right_logical3A_195 : i32 to vector<16xi32>
      %shift_right_logical3A_197 = arith.shrui %bitcast3A_191, %shift_right_logical3A_196 : vector<16xi32>
      %and3A_198 = arith.constant 1 : i32
      %and3A_199 = vector.broadcast %and3A_198 : i32 to vector<16xi32>
      %and3A_200 = arith.andi %shift_right_logical3A_197, %and3A_199 : vector<16xi32>
      %add3A_201 = arith.addi %add3A_194, %and3A_200 : vector<16xi32>
      %and3A_202 = arith.constant -65536 : i32
      %and3A_203 = vector.broadcast %and3A_202 : i32 to vector<16xi32>
      %and3A_204 = arith.andi %add3A_201, %and3A_203 : vector<16xi32>
      %bitcast3A_205 = vector.bitcast %and3A_204 : vector<16xi32> to vector<16xf32>
      %mul3A_206 = arith.mulf %gather3A_9, %bitcast3A_188 : vector<16xf32>
      %add3A_207 = arith.addf %add3A_169, %mul3A_206 : vector<16xf32>
      %mul3A_208 = arith.mulf %gather3A_12, %bitcast3A_205 : vector<16xf32>
      %add3A_209 = arith.addf %add3A_207, %mul3A_208 : vector<16xf32>
      %unpack3A_210 = tpu.unpack_subelements %scan3A_133#2, 0 {pack_format = #tpu.pack_format<interleaved>} : vector<32xi16> -> vector<16xi32>
      %unpack3A_211 = tpu.unpack_subelements %scan3A_133#2, 1 {pack_format = #tpu.pack_format<interleaved>} : vector<32xi16> -> vector<16xi32>
      %convert_element_type3A_212 = arith.sitofp %unpack3A_210 : vector<16xi32> to vector<16xf32>
      %mul3A_213 = arith.mulf %convert_element_type3A_212, %gather3A_36 : vector<16xf32>
      %bitcast3A_214 = vector.bitcast %mul3A_213 : vector<16xf32> to vector<16xi32>
      %add3A_215 = arith.constant 32767 : i32
      %add3A_216 = vector.broadcast %add3A_215 : i32 to vector<16xi32>
      %add3A_217 = arith.addi %bitcast3A_214, %add3A_216 : vector<16xi32>
      %shift_right_logical3A_218 = arith.constant 16 : i32
      %shift_right_logical3A_219 = vector.broadcast %shift_right_logical3A_218 : i32 to vector<16xi32>
      %shift_right_logical3A_220 = arith.shrui %bitcast3A_214, %shift_right_logical3A_219 : vector<16xi32>
      %and3A_221 = arith.constant 1 : i32
      %and3A_222 = vector.broadcast %and3A_221 : i32 to vector<16xi32>
      %and3A_223 = arith.andi %shift_right_logical3A_220, %and3A_222 : vector<16xi32>
      %add3A_224 = arith.addi %add3A_217, %and3A_223 : vector<16xi32>
      %and3A_225 = arith.constant -65536 : i32
      %and3A_226 = vector.broadcast %and3A_225 : i32 to vector<16xi32>
      %and3A_227 = arith.andi %add3A_224, %and3A_226 : vector<16xi32>
      %bitcast3A_228 = vector.bitcast %and3A_227 : vector<16xi32> to vector<16xf32>
      %convert_element_type3A_229 = arith.sitofp %unpack3A_211 : vector<16xi32> to vector<16xf32>
      %mul3A_230 = arith.mulf %convert_element_type3A_229, %gather3A_36 : vector<16xf32>
      %bitcast3A_231 = vector.bitcast %mul3A_230 : vector<16xf32> to vector<16xi32>
      %add3A_232 = arith.constant 32767 : i32
      %add3A_233 = vector.broadcast %add3A_232 : i32 to vector<16xi32>
      %add3A_234 = arith.addi %bitcast3A_231, %add3A_233 : vector<16xi32>
      %shift_right_logical3A_235 = arith.constant 16 : i32
      %shift_right_logical3A_236 = vector.broadcast %shift_right_logical3A_235 : i32 to vector<16xi32>
      %shift_right_logical3A_237 = arith.shrui %bitcast3A_231, %shift_right_logical3A_236 : vector<16xi32>
      %and3A_238 = arith.constant 1 : i32
      %and3A_239 = vector.broadcast %and3A_238 : i32 to vector<16xi32>
      %and3A_240 = arith.andi %shift_right_logical3A_237, %and3A_239 : vector<16xi32>
      %add3A_241 = arith.addi %add3A_234, %and3A_240 : vector<16xi32>
      %and3A_242 = arith.constant -65536 : i32
      %and3A_243 = vector.broadcast %and3A_242 : i32 to vector<16xi32>
      %and3A_244 = arith.andi %add3A_241, %and3A_243 : vector<16xi32>
      %bitcast3A_245 = vector.bitcast %and3A_244 : vector<16xi32> to vector<16xf32>
      %mul3A_246 = arith.mulf %gather3A_15, %bitcast3A_228 : vector<16xf32>
      %add3A_247 = arith.addf %add3A_209, %mul3A_246 : vector<16xf32>
      %mul3A_248 = arith.mulf %gather3A_18, %bitcast3A_245 : vector<16xf32>
      %add3A_249 = arith.addf %add3A_247, %mul3A_248 : vector<16xf32>
      %unpack3A_250 = tpu.unpack_subelements %scan3A_133#3, 0 {pack_format = #tpu.pack_format<interleaved>} : vector<32xi16> -> vector<16xi32>
      %unpack3A_251 = tpu.unpack_subelements %scan3A_133#3, 1 {pack_format = #tpu.pack_format<interleaved>} : vector<32xi16> -> vector<16xi32>
      %convert_element_type3A_252 = arith.sitofp %unpack3A_250 : vector<16xi32> to vector<16xf32>
      %mul3A_253 = arith.mulf %convert_element_type3A_252, %gather3A_36 : vector<16xf32>
      %bitcast3A_254 = vector.bitcast %mul3A_253 : vector<16xf32> to vector<16xi32>
      %add3A_255 = arith.constant 32767 : i32
      %add3A_256 = vector.broadcast %add3A_255 : i32 to vector<16xi32>
      %add3A_257 = arith.addi %bitcast3A_254, %add3A_256 : vector<16xi32>
      %shift_right_logical3A_258 = arith.constant 16 : i32
      %shift_right_logical3A_259 = vector.broadcast %shift_right_logical3A_258 : i32 to vector<16xi32>
      %shift_right_logical3A_260 = arith.shrui %bitcast3A_254, %shift_right_logical3A_259 : vector<16xi32>
      %and3A_261 = arith.constant 1 : i32
      %and3A_262 = vector.broadcast %and3A_261 : i32 to vector<16xi32>
      %and3A_263 = arith.andi %shift_right_logical3A_260, %and3A_262 : vector<16xi32>
      %add3A_264 = arith.addi %add3A_257, %and3A_263 : vector<16xi32>
      %and3A_265 = arith.constant -65536 : i32
      %and3A_266 = vector.broadcast %and3A_265 : i32 to vector<16xi32>
      %and3A_267 = arith.andi %add3A_264, %and3A_266 : vector<16xi32>
      %bitcast3A_268 = vector.bitcast %and3A_267 : vector<16xi32> to vector<16xf32>
      %convert_element_type3A_269 = arith.sitofp %unpack3A_251 : vector<16xi32> to vector<16xf32>
      %mul3A_270 = arith.mulf %convert_element_type3A_269, %gather3A_36 : vector<16xf32>
      %bitcast3A_271 = vector.bitcast %mul3A_270 : vector<16xf32> to vector<16xi32>
      %add3A_272 = arith.constant 32767 : i32
      %add3A_273 = vector.broadcast %add3A_272 : i32 to vector<16xi32>
      %add3A_274 = arith.addi %bitcast3A_271, %add3A_273 : vector<16xi32>
      %shift_right_logical3A_275 = arith.constant 16 : i32
      %shift_right_logical3A_276 = vector.broadcast %shift_right_logical3A_275 : i32 to vector<16xi32>
      %shift_right_logical3A_277 = arith.shrui %bitcast3A_271, %shift_right_logical3A_276 : vector<16xi32>
      %and3A_278 = arith.constant 1 : i32
      %and3A_279 = vector.broadcast %and3A_278 : i32 to vector<16xi32>
      %and3A_280 = arith.andi %shift_right_logical3A_277, %and3A_279 : vector<16xi32>
      %add3A_281 = arith.addi %add3A_274, %and3A_280 : vector<16xi32>
      %and3A_282 = arith.constant -65536 : i32
      %and3A_283 = vector.broadcast %and3A_282 : i32 to vector<16xi32>
      %and3A_284 = arith.andi %add3A_281, %and3A_283 : vector<16xi32>
      %bitcast3A_285 = vector.bitcast %and3A_284 : vector<16xi32> to vector<16xf32>
      %mul3A_286 = arith.mulf %gather3A_21, %bitcast3A_268 : vector<16xf32>
      %add3A_287 = arith.addf %add3A_249, %mul3A_286 : vector<16xf32>
      %mul3A_288 = arith.mulf %gather3A_24, %bitcast3A_285 : vector<16xf32>
      %add3A_289 = arith.addf %add3A_287, %mul3A_288 : vector<16xf32>
      %unpack3A_290 = tpu.unpack_subelements %scan3A_133#4, 0 {pack_format = #tpu.pack_format<interleaved>} : vector<32xi16> -> vector<16xi32>
      %unpack3A_291 = tpu.unpack_subelements %scan3A_133#4, 1 {pack_format = #tpu.pack_format<interleaved>} : vector<32xi16> -> vector<16xi32>
      %convert_element_type3A_292 = arith.sitofp %unpack3A_290 : vector<16xi32> to vector<16xf32>
      %mul3A_293 = arith.mulf %convert_element_type3A_292, %gather3A_36 : vector<16xf32>
      %bitcast3A_294 = vector.bitcast %mul3A_293 : vector<16xf32> to vector<16xi32>
      %add3A_295 = arith.constant 32767 : i32
      %add3A_296 = vector.broadcast %add3A_295 : i32 to vector<16xi32>
      %add3A_297 = arith.addi %bitcast3A_294, %add3A_296 : vector<16xi32>
      %shift_right_logical3A_298 = arith.constant 16 : i32
      %shift_right_logical3A_299 = vector.broadcast %shift_right_logical3A_298 : i32 to vector<16xi32>
      %shift_right_logical3A_300 = arith.shrui %bitcast3A_294, %shift_right_logical3A_299 : vector<16xi32>
      %and3A_301 = arith.constant 1 : i32
      %and3A_302 = vector.broadcast %and3A_301 : i32 to vector<16xi32>
      %and3A_303 = arith.andi %shift_right_logical3A_300, %and3A_302 : vector<16xi32>
      %add3A_304 = arith.addi %add3A_297, %and3A_303 : vector<16xi32>
      %and3A_305 = arith.constant -65536 : i32
      %and3A_306 = vector.broadcast %and3A_305 : i32 to vector<16xi32>
      %and3A_307 = arith.andi %add3A_304, %and3A_306 : vector<16xi32>
      %bitcast3A_308 = vector.bitcast %and3A_307 : vector<16xi32> to vector<16xf32>
      %convert_element_type3A_309 = arith.sitofp %unpack3A_291 : vector<16xi32> to vector<16xf32>
      %mul3A_310 = arith.mulf %convert_element_type3A_309, %gather3A_36 : vector<16xf32>
      %bitcast3A_311 = vector.bitcast %mul3A_310 : vector<16xf32> to vector<16xi32>
      %add3A_312 = arith.constant 32767 : i32
      %add3A_313 = vector.broadcast %add3A_312 : i32 to vector<16xi32>
      %add3A_314 = arith.addi %bitcast3A_311, %add3A_313 : vector<16xi32>
      %shift_right_logical3A_315 = arith.constant 16 : i32
      %shift_right_logical3A_316 = vector.broadcast %shift_right_logical3A_315 : i32 to vector<16xi32>
      %shift_right_logical3A_317 = arith.shrui %bitcast3A_311, %shift_right_logical3A_316 : vector<16xi32>
      %and3A_318 = arith.constant 1 : i32
      %and3A_319 = vector.broadcast %and3A_318 : i32 to vector<16xi32>
      %and3A_320 = arith.andi %shift_right_logical3A_317, %and3A_319 : vector<16xi32>
      %add3A_321 = arith.addi %add3A_314, %and3A_320 : vector<16xi32>
      %and3A_322 = arith.constant -65536 : i32
      %and3A_323 = vector.broadcast %and3A_322 : i32 to vector<16xi32>
      %and3A_324 = arith.andi %add3A_321, %and3A_323 : vector<16xi32>
      %bitcast3A_325 = vector.bitcast %and3A_324 : vector<16xi32> to vector<16xf32>
      %mul3A_326 = arith.mulf %gather3A_27, %bitcast3A_308 : vector<16xf32>
      %add3A_327 = arith.addf %add3A_289, %mul3A_326 : vector<16xf32>
      %mul3A_328 = arith.mulf %gather3A_30, %bitcast3A_325 : vector<16xf32>
      %add3A_329 = arith.addf %add3A_327, %mul3A_328 : vector<16xf32>
      %mul3A_330 = arith.constant 32 : i32
      %mul3A_331 = arith.muli %scan3A_96, %mul3A_330 : i32
      %add3A_332 = arith.constant 384 : i32
      %add3A_333 = arith.addi %add3A_332, %mul3A_331 : i32
      %add3A_334 = arith.constant 0 : i32
      %add3A_335 = arith.addi %add3A_333, %add3A_334 : i32
      %swap3A = arith.index_cast %add3A_335 : i32 to index
      %swap3A_336 = tpu.vector_load %arg10[%swap3A] {strides = array<i32>} : memref<512xf32, #tpu.memory_space<vmem>>, vector<16xf32>,
      tpu.vector_store %arg10[%swap3A], %add3A_329 {strides = array<i32>} : memref<512xf32, #tpu.memory_space<vmem>>, vector<16xf32>,
      %unpack3A_337 = tpu.unpack_subelements %scan3A_133#5, 0 {pack_format = #tpu.pack_format<interleaved>} : vector<32xi16> -> vector<16xi32>
      %unpack3A_338 = tpu.unpack_subelements %scan3A_133#5, 1 {pack_format = #tpu.pack_format<interleaved>} : vector<32xi16> -> vector<16xi32>
      %convert_element_type3A_339 = arith.sitofp %unpack3A_337 : vector<16xi32> to vector<16xf32>
      %mul3A_340 = arith.mulf %convert_element_type3A_339, %gather3A_36 : vector<16xf32>
      %bitcast3A_341 = vector.bitcast %mul3A_340 : vector<16xf32> to vector<16xi32>
      %add3A_342 = arith.constant 32767 : i32
      %add3A_343 = vector.broadcast %add3A_342 : i32 to vector<16xi32>
      %add3A_344 = arith.addi %bitcast3A_341, %add3A_343 : vector<16xi32>
      %shift_right_logical3A_345 = arith.constant 16 : i32
      %shift_right_logical3A_346 = vector.broadcast %shift_right_logical3A_345 : i32 to vector<16xi32>
      %shift_right_logical3A_347 = arith.shrui %bitcast3A_341, %shift_right_logical3A_346 : vector<16xi32>
      %and3A_348 = arith.constant 1 : i32
      %and3A_349 = vector.broadcast %and3A_348 : i32 to vector<16xi32>
      %and3A_350 = arith.andi %shift_right_logical3A_347, %and3A_349 : vector<16xi32>
      %add3A_351 = arith.addi %add3A_344, %and3A_350 : vector<16xi32>
      %and3A_352 = arith.constant -65536 : i32
      %and3A_353 = vector.broadcast %and3A_352 : i32 to vector<16xi32>
      %and3A_354 = arith.andi %add3A_351, %and3A_353 : vector<16xi32>
      %bitcast3A_355 = vector.bitcast %and3A_354 : vector<16xi32> to vector<16xf32>
      %convert_element_type3A_356 = arith.sitofp %unpack3A_338 : vector<16xi32> to vector<16xf32>
      %mul3A_357 = arith.mulf %convert_element_type3A_356, %gather3A_36 : vector<16xf32>
      %bitcast3A_358 = vector.bitcast %mul3A_357 : vector<16xf32> to vector<16xi32>
      %add3A_359 = arith.constant 32767 : i32
      %add3A_360 = vector.broadcast %add3A_359 : i32 to vector<16xi32>
      %add3A_361 = arith.addi %bitcast3A_358, %add3A_360 : vector<16xi32>
      %shift_right_logical3A_362 = arith.constant 16 : i32
      %shift_right_logical3A_363 = vector.broadcast %shift_right_logical3A_362 : i32 to vector<16xi32>
      %shift_right_logical3A_364 = arith.shrui %bitcast3A_358, %shift_right_logical3A_363 : vector<16xi32>
      %and3A_365 = arith.constant 1 : i32
      %and3A_366 = vector.broadcast %and3A_365 : i32 to vector<16xi32>
      %and3A_367 = arith.andi %shift_right_logical3A_364, %and3A_366 : vector<16xi32>
      %add3A_368 = arith.addi %add3A_361, %and3A_367 : vector<16xi32>
      %and3A_369 = arith.constant -65536 : i32
      %and3A_370 = vector.broadcast %and3A_369 : i32 to vector<16xi32>
      %and3A_371 = arith.andi %add3A_368, %and3A_370 : vector<16xi32>
      %bitcast3A_372 = vector.bitcast %and3A_371 : vector<16xi32> to vector<16xf32>
      %mul3A_373 = arith.mulf %gather3A, %bitcast3A_355 : vector<16xf32>
      %add3A_374 = arith.addf %gather3A_33, %mul3A_373 : vector<16xf32>
      %mul3A_375 = arith.mulf %gather3A_6, %bitcast3A_372 : vector<16xf32>
      %add3A_376 = arith.addf %add3A_374, %mul3A_375 : vector<16xf32>
      %unpack3A_377 = tpu.unpack_subelements %scan3A_133#6, 0 {pack_format = #tpu.pack_format<interleaved>} : vector<32xi16> -> vector<16xi32>
      %unpack3A_378 = tpu.unpack_subelements %scan3A_133#6, 1 {pack_format = #tpu.pack_format<interleaved>} : vector<32xi16> -> vector<16xi32>
      %convert_element_type3A_379 = arith.sitofp %unpack3A_377 : vector<16xi32> to vector<16xf32>
      %mul3A_380 = arith.mulf %convert_element_type3A_379, %gather3A_36 : vector<16xf32>
      %bitcast3A_381 = vector.bitcast %mul3A_380 : vector<16xf32> to vector<16xi32>
      %add3A_382 = arith.constant 32767 : i32
      %add3A_383 = vector.broadcast %add3A_382 : i32 to vector<16xi32>
      %add3A_384 = arith.addi %bitcast3A_381, %add3A_383 : vector<16xi32>
      %shift_right_logical3A_385 = arith.constant 16 : i32
      %shift_right_logical3A_386 = vector.broadcast %shift_right_logical3A_385 : i32 to vector<16xi32>
      %shift_right_logical3A_387 = arith.shrui %bitcast3A_381, %shift_right_logical3A_386 : vector<16xi32>
      %and3A_388 = arith.constant 1 : i32
      %and3A_389 = vector.broadcast %and3A_388 : i32 to vector<16xi32>
      %and3A_390 = arith.andi %shift_right_logical3A_387, %and3A_389 : vector<16xi32>
      %add3A_391 = arith.addi %add3A_384, %and3A_390 : vector<16xi32>
      %and3A_392 = arith.constant -65536 : i32
      %and3A_393 = vector.broadcast %and3A_392 : i32 to vector<16xi32>
      %and3A_394 = arith.andi %add3A_391, %and3A_393 : vector<16xi32>
      %bitcast3A_395 = vector.bitcast %and3A_394 : vector<16xi32> to vector<16xf32>
      %convert_element_type3A_396 = arith.sitofp %unpack3A_378 : vector<16xi32> to vector<16xf32>
      %mul3A_397 = arith.mulf %convert_element_type3A_396, %gather3A_36 : vector<16xf32>
      %bitcast3A_398 = vector.bitcast %mul3A_397 : vector<16xf32> to vector<16xi32>
      %add3A_399 = arith.constant 32767 : i32
      %add3A_400 = vector.broadcast %add3A_399 : i32 to vector<16xi32>
      %add3A_401 = arith.addi %bitcast3A_398, %add3A_400 : vector<16xi32>
      %shift_right_logical3A_402 = arith.constant 16 : i32
      %shift_right_logical3A_403 = vector.broadcast %shift_right_logical3A_402 : i32 to vector<16xi32>
      %shift_right_logical3A_404 = arith.shrui %bitcast3A_398, %shift_right_logical3A_403 : vector<16xi32>
      %and3A_405 = arith.constant 1 : i32
      %and3A_406 = vector.broadcast %and3A_405 : i32 to vector<16xi32>
      %and3A_407 = arith.andi %shift_right_logical3A_404, %and3A_406 : vector<16xi32>
      %add3A_408 = arith.addi %add3A_401, %and3A_407 : vector<16xi32>
      %and3A_409 = arith.constant -65536 : i32
      %and3A_410 = vector.broadcast %and3A_409 : i32 to vector<16xi32>
      %and3A_411 = arith.andi %add3A_408, %and3A_410 : vector<16xi32>
      %bitcast3A_412 = vector.bitcast %and3A_411 : vector<16xi32> to vector<16xf32>
      %mul3A_413 = arith.mulf %gather3A_9, %bitcast3A_395 : vector<16xf32>
      %add3A_414 = arith.addf %add3A_376, %mul3A_413 : vector<16xf32>
      %mul3A_415 = arith.mulf %gather3A_12, %bitcast3A_412 : vector<16xf32>
      %add3A_416 = arith.addf %add3A_414, %mul3A_415 : vector<16xf32>
      %unpack3A_417 = tpu.unpack_subelements %scan3A_133#7, 0 {pack_format = #tpu.pack_format<interleaved>} : vector<32xi16> -> vector<16xi32>
      %unpack3A_418 = tpu.unpack_subelements %scan3A_133#7, 1 {pack_format = #tpu.pack_format<interleaved>} : vector<32xi16> -> vector<16xi32>
      %convert_element_type3A_419 = arith.sitofp %unpack3A_417 : vector<16xi32> to vector<16xf32>
      %mul3A_420 = arith.mulf %convert_element_type3A_419, %gather3A_36 : vector<16xf32>
      %bitcast3A_421 = vector.bitcast %mul3A_420 : vector<16xf32> to vector<16xi32>
      %add3A_422 = arith.constant 32767 : i32
      %add3A_423 = vector.broadcast %add3A_422 : i32 to vector<16xi32>
      %add3A_424 = arith.addi %bitcast3A_421, %add3A_423 : vector<16xi32>
      %shift_right_logical3A_425 = arith.constant 16 : i32
      %shift_right_logical3A_426 = vector.broadcast %shift_right_logical3A_425 : i32 to vector<16xi32>
      %shift_right_logical3A_427 = arith.shrui %bitcast3A_421, %shift_right_logical3A_426 : vector<16xi32>
      %and3A_428 = arith.constant 1 : i32
      %and3A_429 = vector.broadcast %and3A_428 : i32 to vector<16xi32>
      %and3A_430 = arith.andi %shift_right_logical3A_427, %and3A_429 : vector<16xi32>
      %add3A_431 = arith.addi %add3A_424, %and3A_430 : vector<16xi32>
      %and3A_432 = arith.constant -65536 : i32
      %and3A_433 = vector.broadcast %and3A_432 : i32 to vector<16xi32>
      %and3A_434 = arith.andi %add3A_431, %and3A_433 : vector<16xi32>
      %bitcast3A_435 = vector.bitcast %and3A_434 : vector<16xi32> to vector<16xf32>
      %convert_element_type3A_436 = arith.sitofp %unpack3A_418 : vector<16xi32> to vector<16xf32>
      %mul3A_437 = arith.mulf %convert_element_type3A_436, %gather3A_36 : vector<16xf32>
      %bitcast3A_438 = vector.bitcast %mul3A_437 : vector<16xf32> to vector<16xi32>
      %add3A_439 = arith.constant 32767 : i32
      %add3A_440 = vector.broadcast %add3A_439 : i32 to vector<16xi32>
      %add3A_441 = arith.addi %bitcast3A_438, %add3A_440 : vector<16xi32>
      %shift_right_logical3A_442 = arith.constant 16 : i32
      %shift_right_logical3A_443 = vector.broadcast %shift_right_logical3A_442 : i32 to vector<16xi32>
      %shift_right_logical3A_444 = arith.shrui %bitcast3A_438, %shift_right_logical3A_443 : vector<16xi32>
      %and3A_445 = arith.constant 1 : i32
      %and3A_446 = vector.broadcast %and3A_445 : i32 to vector<16xi32>
      %and3A_447 = arith.andi %shift_right_logical3A_444, %and3A_446 : vector<16xi32>
      %add3A_448 = arith.addi %add3A_441, %and3A_447 : vector<16xi32>
      %and3A_449 = arith.constant -65536 : i32
      %and3A_450 = vector.broadcast %and3A_449 : i32 to vector<16xi32>
      %and3A_451 = arith.andi %add3A_448, %and3A_450 : vector<16xi32>
      %bitcast3A_452 = vector.bitcast %and3A_451 : vector<16xi32> to vector<16xf32>
      %mul3A_453 = arith.mulf %gather3A_15, %bitcast3A_435 : vector<16xf32>
      %add3A_454 = arith.addf %add3A_416, %mul3A_453 : vector<16xf32>
      %mul3A_455 = arith.mulf %gather3A_18, %bitcast3A_452 : vector<16xf32>
      %add3A_456 = arith.addf %add3A_454, %mul3A_455 : vector<16xf32>
      %unpack3A_457 = tpu.unpack_subelements %scan3A_133#8, 0 {pack_format = #tpu.pack_format<interleaved>} : vector<32xi16> -> vector<16xi32>
      %unpack3A_458 = tpu.unpack_subelements %scan3A_133#8, 1 {pack_format = #tpu.pack_format<interleaved>} : vector<32xi16> -> vector<16xi32>
      %convert_element_type3A_459 = arith.sitofp %unpack3A_457 : vector<16xi32> to vector<16xf32>
      %mul3A_460 = arith.mulf %convert_element_type3A_459, %gather3A_36 : vector<16xf32>
      %bitcast3A_461 = vector.bitcast %mul3A_460 : vector<16xf32> to vector<16xi32>
      %add3A_462 = arith.constant 32767 : i32
      %add3A_463 = vector.broadcast %add3A_462 : i32 to vector<16xi32>
      %add3A_464 = arith.addi %bitcast3A_461, %add3A_463 : vector<16xi32>
      %shift_right_logical3A_465 = arith.constant 16 : i32
      %shift_right_logical3A_466 = vector.broadcast %shift_right_logical3A_465 : i32 to vector<16xi32>
      %shift_right_logical3A_467 = arith.shrui %bitcast3A_461, %shift_right_logical3A_466 : vector<16xi32>
      %and3A_468 = arith.constant 1 : i32
      %and3A_469 = vector.broadcast %and3A_468 : i32 to vector<16xi32>
      %and3A_470 = arith.andi %shift_right_logical3A_467, %and3A_469 : vector<16xi32>
      %add3A_471 = arith.addi %add3A_464, %and3A_470 : vector<16xi32>
      %and3A_472 = arith.constant -65536 : i32
      %and3A_473 = vector.broadcast %and3A_472 : i32 to vector<16xi32>
      %and3A_474 = arith.andi %add3A_471, %and3A_473 : vector<16xi32>
      %bitcast3A_475 = vector.bitcast %and3A_474 : vector<16xi32> to vector<16xf32>
      %convert_element_type3A_476 = arith.sitofp %unpack3A_458 : vector<16xi32> to vector<16xf32>
      %mul3A_477 = arith.mulf %convert_element_type3A_476, %gather3A_36 : vector<16xf32>
      %bitcast3A_478 = vector.bitcast %mul3A_477 : vector<16xf32> to vector<16xi32>
      %add3A_479 = arith.constant 32767 : i32
      %add3A_480 = vector.broadcast %add3A_479 : i32 to vector<16xi32>
      %add3A_481 = arith.addi %bitcast3A_478, %add3A_480 : vector<16xi32>
      %shift_right_logical3A_482 = arith.constant 16 : i32
      %shift_right_logical3A_483 = vector.broadcast %shift_right_logical3A_482 : i32 to vector<16xi32>
      %shift_right_logical3A_484 = arith.shrui %bitcast3A_478, %shift_right_logical3A_483 : vector<16xi32>
      %and3A_485 = arith.constant 1 : i32
      %and3A_486 = vector.broadcast %and3A_485 : i32 to vector<16xi32>
      %and3A_487 = arith.andi %shift_right_logical3A_484, %and3A_486 : vector<16xi32>
      %add3A_488 = arith.addi %add3A_481, %and3A_487 : vector<16xi32>
      %and3A_489 = arith.constant -65536 : i32
      %and3A_490 = vector.broadcast %and3A_489 : i32 to vector<16xi32>
      %and3A_491 = arith.andi %add3A_488, %and3A_490 : vector<16xi32>
      %bitcast3A_492 = vector.bitcast %and3A_491 : vector<16xi32> to vector<16xf32>
      %mul3A_493 = arith.mulf %gather3A_21, %bitcast3A_475 : vector<16xf32>
      %add3A_494 = arith.addf %add3A_456, %mul3A_493 : vector<16xf32>
      %mul3A_495 = arith.mulf %gather3A_24, %bitcast3A_492 : vector<16xf32>
      %add3A_496 = arith.addf %add3A_494, %mul3A_495 : vector<16xf32>
      %unpack3A_497 = tpu.unpack_subelements %scan3A_133#9, 0 {pack_format = #tpu.pack_format<interleaved>} : vector<32xi16> -> vector<16xi32>
      %unpack3A_498 = tpu.unpack_subelements %scan3A_133#9, 1 {pack_format = #tpu.pack_format<interleaved>} : vector<32xi16> -> vector<16xi32>
      %convert_element_type3A_499 = arith.sitofp %unpack3A_497 : vector<16xi32> to vector<16xf32>
      %mul3A_500 = arith.mulf %convert_element_type3A_499, %gather3A_36 : vector<16xf32>
      %bitcast3A_501 = vector.bitcast %mul3A_500 : vector<16xf32> to vector<16xi32>
      %add3A_502 = arith.constant 32767 : i32
      %add3A_503 = vector.broadcast %add3A_502 : i32 to vector<16xi32>
      %add3A_504 = arith.addi %bitcast3A_501, %add3A_503 : vector<16xi32>
      %shift_right_logical3A_505 = arith.constant 16 : i32
      %shift_right_logical3A_506 = vector.broadcast %shift_right_logical3A_505 : i32 to vector<16xi32>
      %shift_right_logical3A_507 = arith.shrui %bitcast3A_501, %shift_right_logical3A_506 : vector<16xi32>
      %and3A_508 = arith.constant 1 : i32
      %and3A_509 = vector.broadcast %and3A_508 : i32 to vector<16xi32>
      %and3A_510 = arith.andi %shift_right_logical3A_507, %and3A_509 : vector<16xi32>
      %add3A_511 = arith.addi %add3A_504, %and3A_510 : vector<16xi32>
      %and3A_512 = arith.constant -65536 : i32
      %and3A_513 = vector.broadcast %and3A_512 : i32 to vector<16xi32>
      %and3A_514 = arith.andi %add3A_511, %and3A_513 : vector<16xi32>
      %bitcast3A_515 = vector.bitcast %and3A_514 : vector<16xi32> to vector<16xf32>
      %convert_element_type3A_516 = arith.sitofp %unpack3A_498 : vector<16xi32> to vector<16xf32>
      %mul3A_517 = arith.mulf %convert_element_type3A_516, %gather3A_36 : vector<16xf32>
      %bitcast3A_518 = vector.bitcast %mul3A_517 : vector<16xf32> to vector<16xi32>
      %add3A_519 = arith.constant 32767 : i32
      %add3A_520 = vector.broadcast %add3A_519 : i32 to vector<16xi32>
      %add3A_521 = arith.addi %bitcast3A_518, %add3A_520 : vector<16xi32>
      %shift_right_logical3A_522 = arith.constant 16 : i32
      %shift_right_logical3A_523 = vector.broadcast %shift_right_logical3A_522 : i32 to vector<16xi32>
      %shift_right_logical3A_524 = arith.shrui %bitcast3A_518, %shift_right_logical3A_523 : vector<16xi32>
      %and3A_525 = arith.constant 1 : i32
      %and3A_526 = vector.broadcast %and3A_525 : i32 to vector<16xi32>
      %and3A_527 = arith.andi %shift_right_logical3A_524, %and3A_526 : vector<16xi32>
      %add3A_528 = arith.addi %add3A_521, %and3A_527 : vector<16xi32>
      %and3A_529 = arith.constant -65536 : i32
      %and3A_530 = vector.broadcast %and3A_529 : i32 to vector<16xi32>
      %and3A_531 = arith.andi %add3A_528, %and3A_530 : vector<16xi32>
      %bitcast3A_532 = vector.bitcast %and3A_531 : vector<16xi32> to vector<16xf32>
      %mul3A_533 = arith.mulf %gather3A_27, %bitcast3A_515 : vector<16xf32>
      %add3A_534 = arith.addf %add3A_496, %mul3A_533 : vector<16xf32>
      %mul3A_535 = arith.mulf %gather3A_30, %bitcast3A_532 : vector<16xf32>
      %add3A_536 = arith.addf %add3A_534, %mul3A_535 : vector<16xf32>
      %mul3A_537 = arith.constant 32 : i32
      %mul3A_538 = arith.muli %scan3A_96, %mul3A_537 : i32
      %add3A_539 = arith.constant 384 : i32
      %add3A_540 = arith.addi %add3A_539, %mul3A_538 : i32
      %add3A_541 = arith.constant 16 : i32
      %add3A_542 = arith.addi %add3A_540, %add3A_541 : i32
      %swap3A_543 = arith.index_cast %add3A_542 : i32 to index
      %swap3A_544 = tpu.vector_load %arg10[%swap3A_543] {strides = array<i32>} : memref<512xf32, #tpu.memory_space<vmem>>, vector<16xf32>,
      tpu.vector_store %arg10[%swap3A_543], %add3A_536 {strides = array<i32>} : memref<512xf32, #tpu.memory_space<vmem>>, vector<16xf32>,
    }
    %scan3A_95 = arith.constant 4 : i32
    "tpu.region"() ({
      %run_scoped3A = tpu.sem_alloc : memref<!tpu.dma_semaphore, #tpu.memory_space<semaphore_mem>>
      %dma_start3A_96 = tpu.memref_slice %arg5[%mul3A_2] : memref<16384xf32, #tpu.memory_space<hbm>> -> memref<512xf32, #tpu.memory_space<hbm>>
      %dma_start3A_97 = tpu.memref_slice %arg5[%mul3A_2] : memref<16384xf32, #tpu.memory_space<hbm>> -> memref<512xf32, #tpu.memory_space<hbm>>
      tpu.enqueue_dma source(%arg10 : memref<512xf32, #tpu.memory_space<vmem>>) target(%dma_start3A_97 : memref<512xf32, #tpu.memory_space<hbm>>) target_semaphore(%run_scoped3A : memref<!tpu.dma_semaphore, #tpu.memory_space<semaphore_mem>>)
      %dma_wait3A_98 = tpu.memref_slice %arg5[%mul3A_2] : memref<16384xf32, #tpu.memory_space<hbm>> -> memref<512xf32, #tpu.memory_space<hbm>>
      %dma_wait3A_99 = tpu.memref_slice %arg5[%mul3A_2] : memref<16384xf32, #tpu.memory_space<hbm>> -> memref<512xf32, #tpu.memory_space<hbm>>
      tpu.wait_dma2 semaphore(%run_scoped3A : memref<!tpu.dma_semaphore, #tpu.memory_space<semaphore_mem>>) src(%arg10 : memref<512xf32, #tpu.memory_space<vmem>>) dst(%dma_wait3A_99 : memref<512xf32, #tpu.memory_space<hbm>>)
      tpu.yield
    }) : () -> ()
    return
  }
}

</mosaic_0001>

<sc_bundles>
// kernel: _set_nn.3.cloned.1.call-start
scs
__scs_entry_jumppad:
0x0: {  	(pc) =	sbr.rel $0x88, $3  }
0x1: {  	(tag) =	ssettag $0x0;
	lr =	simm.s32 $0x1  }
0x2: {  	[smem:$0x3F9D] =	sst lr;
	_ =	strace $0xD0000000  }
0x3: {  	_ = 	snop  }
0x4: {  	_ = 	snop  }
0x5: {  	_ = 	snop  }
0x6: {  	_ = 	snop  }
0x7: {  	_ = 	snop  }
__scs_overlays_trampoline_lowered:
0x8: {  	[smem:$0x3FAC] =	sst s0  }
0x9: {  	[smem:$0x3FAD] =	sst s1  }
0xa: {  	[smem:$0x3FAE] =	sst s2  }
0xb: {  	[smem:$0x3FAF] =	sst s3  }
0xc: {  	[smem:$0x3FB0] =	sst s4  }
0xd: {  	[smem:$0x3FB1] =	sst s5  }
0xe: {  	[smem:$0x3FB2] =	sst s6  }
0xf: {  	[smem:$0x3FB3] =	sst s7  }
0x10: {  	[smem:$0x3FB4] =	sst s8  }
0x11: {  	[smem:$0x3FB5] =	sst s9;
	s0 =	simm.s32 @!p0 $0x0  }
0x12: {  	s1 =	sld [smem:$0x3F9B];
	s0 =	simm.s32 @p0 $0x1  }
0x13: {  	[smem:$0x3FB6] =	sst s0;
	s0 =	simm.s32 @!p1 $0x0  }
0x14: {  	s2 =	sld [smem:$0x3F9A];
	s0 =	simm.s32 @p1 $0x1  }
0x15: {  	[smem:$0x3FB7] =	sst s0;
	s0 =	simm.s32 @!p2 $0x0  }
0x16: {  	s3 =	sld [smem:$0x3FDB];
	s0 =	simm.s32 @p2 $0x1  }
0x17: {  	s4 =	simm.s32 $0x1BF5;
	[smem:$0x3FB9] =	sst s0  }
0x18: {  	s0 =	sld [smem:$0x3F9C];
	_ =	swait.ge [sflag:s4], $0x0  }
0x19: {  	s7 =	sld [smem:$0x3F9D]  }
0x1a: {  	s8 =	sadd.s32 $0xFFFFE003, lr  }
0x1b: {  	s9 =	sadd.s32 $0xFFFFFEF7, lr;
	s5 =	simm.s32 $0xFFFFFFFF;
	p2 =	slt.u32 s8, $0xFFFFF086  }
0x1c: {  	p1 =	slt.u32 s9, $0xF7A;
	s5 =	simm.s32 @!p2 $0x0  }
0x1d: {  	s5 =	simm.s32 @p1 $0x1;
	p0 =	seq.s32 s7, s2  }
0x1e: {  	s7 =	smul.u32 @!p0 $0xF7A, s2;
	p2 =	seq.s32 @!p0 s5, $0x0  }
0x1f: {  	s9 =	smul.u32 $0xF7A, s1;
	s8 =	simm.s32 @!p0 $0x1BF5;
	p2 =	por !p2, p0  }
0x20: {  	[sflag:s8] =	ssyncset.s32 @!p0 $0xFFFFF086;
	s6 =	sadd.s32 @!p0 s3, s7;
	s7 =	simm.s32 @!p0 $0x108  }
0x21: {  	s3 =	sadd.s32 s3, s9;
	s6 =	sadd.s32 @!p0 $0x88, s6;
	s7 =	simm.s32 @p2 $0x1082  }
0x22: {  	[simem:s7], [sflag:s8] =	dma.local @!p0 [hbm:s6], $0xF7A  }
0x23: {  	s9 =	sor.u32 $0xD0000000, s2;
	s6 =	simm.s32 $0x108;
	_ =	swait.ge @!p0 [sflag:s8], $0x0  }
0x24: {  	s3 =	sadd.s32 $0x88, s3;
	s6 =	simm.s32 @!p1 $0x1082;
	[sflag:s4] =	ssyncset.s32 $0xFFFFF086  }
0x25: {  	[simem:s6], [sflag:s4] =	dma.local [hbm:s3], $0xF7A  }
0x26: {  	[smem:$0x3F9D] =	sst s1;
	(tag) =	ssettag s2;
	_ =	strace s9  }
0x27: {  	s1 =	sld [smem:$0x3FAD]  }
0x28: {  	s2 =	sld [smem:$0x3FAE]  }
0x29: {  	s4 =	sld [smem:$0x3FB0]  }
0x2a: {  	p0 =	seq.s32 s5, $0x0;
	s5 =	sld [smem:$0x3FB1]  }
0x2b: {  	s6 =	sld [smem:$0x3FB2]  }
0x2c: {  	s7 =	sld [smem:$0x3FB3]  }
0x2d: {  	s3 =	simm.s32 $0x108;
	s8 =	sld [smem:$0x3FB4]  }
0x2e: {  	s3 =	simm.s32 @!p0 $0x1082;
	s9 =	sld [smem:$0x3FB5]  }
0x2f: {  	lr =	sadd.s32 s0, s3;
	s0 =	sld [smem:$0x3FAC]  }
0x30: {  	s3 =	sld [smem:$0x3FAF]  }
0x31: {  	[smem:$0x3FB8] =	sst s10  }
0x32: {  	s10 =	sld [smem:$0x3FB6];
	_ =	sdelay $0x3  }
0x33: {  	p0 =	seq.s32 s10, $0x1;
	s10 =	sld [smem:$0x3FB8];
	_ =	sdelay $0x3  }
0x34: {  	[smem:$0x3FB8] =	sst s10  }
0x35: {  	s10 =	sld [smem:$0x3FB7];
	_ =	sdelay $0x3  }
0x36: {  	p1 =	seq.s32 s10, $0x1;
	s10 =	sld [smem:$0x3FB8];
	_ =	sdelay $0x3  }
0x37: {  	[smem:$0x3FB8] =	sst s10  }
0x38: {  	s10 =	sld [smem:$0x3FB9]  }
0x39: {  	_ = 	snop;
	(pc) =	sbr.ind lr, $3  }
0x3a: {  	_ = 	snop  }
0x3b: {  	_ = 	snop  }
0x3c: {  	p2 =	seq.s32 s10, $0x1;
	s10 =	sld [smem:$0x3FB8]  }
0x3d: {  	_ =	shalt  }
0x3e: {  	_ =	shalt  }
0x3f: {  	_ =	shalt  }
0x40: {  	_ =	shalt  }
0x41: {  	_ =	shalt  }
0x42: {  	_ =	shalt  }
0x43: {  	_ =	shalt  }
0x44: {  	_ =	shalt  }
0x45: {  	_ =	shalt  }
0x46: {  	_ =	shalt  }
0x47: {  	_ =	shalt  }
0x48: {  	_ =	shalt  }
0x49: {  	_ =	shalt  }
0x4a: {  	_ =	shalt  }
0x4b: {  	_ =	shalt  }
0x4c: {  	_ =	shalt  }
0x4d: {  	_ =	shalt  }
0x4e: {  	_ =	shalt  }
0x4f: {  	_ =	shalt  }
0x50: {  	_ =	shalt  }
0x51: {  	_ =	shalt  }
0x52: {  	_ =	shalt  }
0x53: {  	_ =	shalt  }
0x54: {  	_ =	shalt  }
0x55: {  	_ =	shalt  }
0x56: {  	_ =	shalt  }
0x57: {  	_ =	shalt  }
0x58: {  	_ =	shalt  }
0x59: {  	_ =	shalt  }
0x5a: {  	_ =	shalt  }
0x5b: {  	_ =	shalt  }
0x5c: {  	_ =	shalt  }
0x5d: {  	_ =	shalt  }
0x5e: {  	_ =	shalt  }
0x5f: {  	_ =	shalt  }
0x60: {  	_ =	shalt  }
0x61: {  	_ =	shalt  }
0x62: {  	_ =	shalt  }
0x63: {  	_ =	shalt  }
0x64: {  	_ =	shalt  }
0x65: {  	_ =	shalt  }
0x66: {  	_ =	shalt  }
0x67: {  	_ =	shalt  }
0x68: {  	_ =	shalt  }
0x69: {  	_ =	shalt  }
0x6a: {  	_ =	shalt  }
0x6b: {  	_ =	shalt  }
0x6c: {  	_ =	shalt  }
0x6d: {  	_ =	shalt  }
0x6e: {  	_ =	shalt  }
0x6f: {  	_ =	shalt  }
0x70: {  	_ =	shalt  }
0x71: {  	_ =	shalt  }
0x72: {  	_ =	shalt  }
0x73: {  	_ =	shalt  }
0x74: {  	_ =	shalt  }
0x75: {  	_ =	shalt  }
0x76: {  	_ =	shalt  }
0x77: {  	_ =	shalt  }
0x78: {  	_ =	shalt  }
0x79: {  	_ =	shalt  }
0x7a: {  	_ =	shalt  }
0x7b: {  	_ =	shalt  }
0x7c: {  	_ =	shalt  }
0x7d: {  	_ =	shalt  }
0x7e: {  	_ =	shalt  }
0x7f: {  	_ =	shalt  }
0x80: {  	_ =	shalt  }
0x81: {  	_ =	shalt  }
0x82: {  	_ =	shalt  }
0x83: {  	_ =	shalt  }
0x84: {  	_ =	shalt  }
0x85: {  	_ =	shalt  }
0x86: {  	_ =	shalt  }
0x87: {  	_ =	shalt  }
.Lfunc_end0:
.L_simem_size_0:
called_computation_lowered:
.L_overlay_start_0:
0x88: {  	s2 =	sld [smem:$0x3FD9]  }
0x89: {  	s3 =	sld [smem:$0x3FFE];
	_ =	sdelay $0x1  }
0x8a: {  	s1 =	srdreg.scid  }
0x8b: {  	s0 =	sand.u32 $0x1, s1  }
0x8c: {  	s17 =	sshll.u32 s0, $0xA;
	s2 =	sadd.s32 s3, s2  }
0x8d: {  	s2 =	sadd.s32 s2, s17  }
0x8e: {  	[smem:$0x3FC4] =	sst s2  }
0x8f: {  	_ = 	snop  }
0x90: {  	s2 =	sld [smem:$0x3FD0];
	(tm) =	ssettm $0x1  }
0x91: {  	s18 =	sld [smem:$0x3FFB];
	_ =	sdelay $0x3  }
0x92: {  	_ =	strace s18  }
0x93: {  	s3 =	sld [smem:$0x3FFC];
	_ =	sdelay $0x3  }
0x94: {  	_ =	strace s3  }
0x95: {  	s3 =	sld [smem:$0x3FFD];
	_ =	sdelay $0x3  }
0x96: {  	_ =	strace s3  }
0x97: {  	_ =	strace $0x8FFFFFFF  }
0x98: {  	s19 =	sld [smem:$0x3FDB];
	_ =	sdelay $0x1  }
0x99: {  	s4 =	simm.s32 $_scs_section_size  }
0x9a: {  	s5 =	simm.s32 $_size__tile_overlayer_lowered;
	s6 =	simm.s32 $_tile_overlayer_lowered  }
0x9b: {  	s22 =	simm.s32 $0x1BFF;
	s21 =	sshll.u32 s6, $0x1;
	s3 =	sadd.s32 s4, s19  }
0x9c: {  	s7 =	simm.s32 $0x0;
	s20 =	sshll.u32 s5, $0x1;
	s5 =	sadd.s32 s21, s3  }
0x9d: {  	[timem:s7], [sflag:s22] =	dma.local [hbm:s5], s20  }
0x9e: {  	_ =	swait.ge [sflag:s22], s20  }
0x9f: {  	s4 =	ssub.s32 $0x0, s20;
	[sflag:s22] =	ssyncset.done $0x0  }
0xa0: {  	[sflag:s22] =	ssyncadd.s32 s4;
	_ =	sdelay $0x1  }
0xa1: {  	s23 =	simm.s32 $0x1B8B  }
0xa2: {  	_ =	swait.ge [sflag:s23], $0x1  }
0xa3: {  	[sflag:s23] =	ssyncset.done $0x0  }
0xa4: {  	s25 =	simm.s32 $0x1B8E;
	s24 =	sld [smem:$0x3FFE];
	[sflag:s23] =	ssyncadd.s32 $0xFFFFFFFF  }
0xa5: {  	s26 =	simm.s32 $execute0_lowered;
	[smem:$0x3FD2] =	sst s25  }
0xa6: {  	s5 =	sshll.u32 s26, $0x1;
	_ =	strace $0x80000046;
	[dreg:$0x1] =	wrdreg $0xFFFFFFFF  }
0xa7: {  	s28 =	simm.s32 $_size_execute0_lowered;
	s3 =	sadd.s32 s3, s5;
	[dreg:$0x0] =	wrdreg $0x0  }
0xa8: {  	s5 =	sshll.u32 s28, $0x1;
	[dreg:$0x2] =	wrdreg s3  }
0xa9: {  	[dreg:$0x3] =	wrdreg s5  }
0xaa: {  	[dreg:$0x4] =	wrdreg $0xC0  }
0xab: {  	_ =	task [dreg:s7], $0x5FFFF  }
0xac: {  	[dreg:$0x1] =	wrdreg $0xFFFFFFFF  }
0xad: {  	[dreg:$0x0] =	wrdreg $0x60  }
0xae: {  	[dreg:$0x2] =	wrdreg s24  }
0xaf: {  	[dreg:$0x3] =	wrdreg s2  }
0xb0: {  	[dreg:$0x4] =	wrdreg $0x9  }
0xb1: {  	_ =	task.clear_ibuf [dreg:s7], $0x5FFFF;
	_ =	strace $0x90000046  }
0xb2: {  	s29 =	simm.s32 $0x9;
	_ =	strace $0x80000048  }
0xb3: {  	_ =	swait.ge [sflag:s29], $0x1  }
0xb4: {  	[sflag:s29] =	ssyncadd.s32 $0xFFFFFFFF  }
0xb5: {  	_ =	strace $0x90000048  }
0xb6: {  	_ =	sfence  }
0xb7: {  	s30 =	sld [smem:$0x0];
	_ =	sdelay $0x2  }
0xb8: {  	s31 =	sshll.u32 s1, $0xD;
	s1 =	sshrl.u32 s1, $0x2  }
0xb9: {  	s3 =	sand.u32 $0x4000, s31;
	s1 =	sadd.s32 s1, s30  }
0xba: {  	s0 =	sor.u32 s3, s0;
	s1 =	sshll.u32 s1, $0x11  }
0xbb: {  	s0 =	sor.u32 s1, s0  }
0xbc: {  	s0 =	sadd.s32 $0x8F2B, s0  }
0xbd: {  	[sflag:s0] =	ssyncadd.remote.s32 $0x1  }
0xbe: {  	_ =	sfence.sel $0xFFFF  }
0xbf: {  	[dreg:$0x0] =	wrdreg $0xFFFFFFFF;
	(pc) =	sbr.abs _section_cstart, $3  }
0xc0: {  	[dreg:$0x1] =	wrdreg $0xFFFFFFFF  }
0xc1: {  	_ =	task.clear_ibuf [dreg:s7], $0x2FFFF;
	_ =	strace $0x9FFFFFFF  }
0xc2: {  	(tm) =	ssettm $0x7FFFFFFF  }
0xc3: {  	_ =	shalt  }
tec
execute0_lowered:
.L_overlay_start_1:
0x0: {  	(tag) =	ssettag $0x1  }
0x1: {  	s2 =	rddreg [dreg:$0x0]  }
0x2: {  	s9 =	rddreg [dreg:$0x1];
	s3 =	srdreg.scid  }
0x3: {  	s0 =	rddreg [dreg:$0x2];
	s1 =	stileid.u32;
	s12 =	simm.s32 $0x3  }
0x4: {  	s13 =	simm.s32 $0x11400;
	s14 =	simm.s32 $0x1;
	s15 =	simm.s32 $0x8000  }
0x5: {  	s16 =	simm.s32 $0x2;
	s17 =	simm.s32 $0x11480;
	s18 =	simm.s32 $0x0  }
0x6: {  	s4 =	sand.u32 $0x1, s3;
	s3 =	simm.s32 $0x0;
	s5 =	sshll.u32 s1, $0xA  }
0x7: {  	v0 =	vimm.s32 $0x1;
	v1 =	vimm.s32 $0x2;
	s6 =	sshll.u32 s4, $0x9;
	[smem:$0x7FF] =	sst s3;
	s29 =	ssub.s32 $0x2, s4  }
0x8: {  	v2 =	vimm.s32 $0x3;
	v3 =	vimm.s32 $0x4;
	v4 =	vimm.s32 $0x5;
	s4 =	sadd.s32 $0x80400, s2;
	s7 =	sor.u32 s6, s5;
	_ =	strace $0x80000047  }
0x9: {  	v5 =	vimm.s32 $0x6;
	v6 =	vimm.s32 $0x7;
	v7 =	vimm.s32 $0x8;
	s31 =	sshrl.u32 s29, $0x1;
	s30 =	sshll.u32 s7, $0x5;
	s11 =	sshrl.u32 s7, $0x3  }
0xa: {  	v8 =	vimm.s32 $0x9;
	v9 =	vimm.s32 $0xA;
	v10 =	vlaneseq.u32;
	s10 =	ssub.s32 s29, s31;
	s8 =	sadd.s32 s30, s2;
	s9 =	sadd.s32 s9, s11  }
0xb: {  	v11 =	vimm.s32 $0xB;
	v12 =	vimm.s32 $0xC;
	v14 =	vand.u32 $0x7, v10;
	s10 =	smax.u32 s10, $0x1;
	s11 =	simm.s32 $0x10000;
	s5 =	sadd.s32 $0x400, s8  }
0xc: {  	v13 =	vmul.u32 $0x100, v10;
	v15 =	vadd.s32 $0xFFFFFF38, v10;
	v14 =	vmul.u32 $0x80, v14;
	s6 =	sadd.s32 $0x1400, s8;
	s7 =	sadd.s32 $0x2400, s8;
	s8 =	sadd.s32 $0x3400, s8  }
.LBB2_1:
0xd: {  	[tilespmem:s11], [sflag:$0x3] =	stream.linear.gather [hbm4b:s2+s3], $0x1400, $0x38;
	[tilespmem:$0x11680] =	vst v63  }
0xe: {  	_ =	swait.ge [sflag:s12], $0x1400  }
0xf: {  	[sflag:s12] =	ssyncset.done $0x0  }
0x10: {  	[sflag:s12] =	ssyncadd.s32 $0xFFFFEC00  }
0x11: {  	[tilespmem:s13], [sflag:$0x3] =	stream.linear.gather [hbm4b:s4+s3], $0x80, $0x38;
	[tilespmem:$0x11680] =	vst v63  }
0x12: {  	_ =	swait.ge [sflag:s12], $0x80  }
0x13: {  	[sflag:s12] =	ssyncset.done $0x0  }
0x14: {  	[sflag:s12] =	ssyncadd.s32 $0xFFFFFF80  }
0x15: {  	v16 =	vld.idx.msk [tilespmem:v0+s13+$0x0], $0xffff  }
0x16: {  	v17 =	vld.idx.msk [tilespmem:v1+s13+$0x0], $0xffff  }
0x17: {  	v18 =	vld.idx.msk [tilespmem:v2+s13+$0x0], $0xffff  }
0x18: {  	v19 =	vld.idx.msk [tilespmem:v3+s13+$0x0], $0xffff  }
0x19: {  	v20 =	vld.idx.msk [tilespmem:v4+s13+$0x0], $0xffff  }
0x1a: {  	v21 =	vld.idx.msk [tilespmem:v5+s13+$0x0], $0xffff  }
0x1b: {  	v22 =	vld.idx.msk [tilespmem:v6+s13+$0x0], $0xffff  }
0x1c: {  	v23 =	vld.idx.msk [tilespmem:v7+s13+$0x0], $0xffff  }
0x1d: {  	v24 =	vld.idx.msk [tilespmem:v8+s13+$0x0], $0xffff  }
0x1e: {  	v25 =	vld.idx.msk [tilespmem:v9+s13+$0x0], $0xffff  }
0x1f: {  	v26 =	vld.idx.msk [tilespmem:v11+s13+$0x0], $0xffff  }
0x20: {  	v27 =	vld.idx.msk [tilespmem:v12+s13+$0x0], $0xffff;
	[tilespmem:s3], [sflag:$0x1] =	stream.linear.gather [hbm4b:s5+s3], $0x8000, $0x38  }
0x21: {  	_ =	swait.ge [sflag:s14], $0x8000  }
0x22: {  	[sflag:s14] =	ssyncset.done $0x0  }
0x23: {  	s19 =	simm.s32 $0x0;
	[sflag:s14] =	ssyncadd.s32 $0xFFFF8000  }
0x24: {  	[tilespmem:s15], [sflag:$0x2] =	stream.linear.gather [hbm4b:s6+s3], $0x8000, $0x38;
	[tilespmem:$0x11680] =	vst v63  }
.LBB2_2:
0x25: {  	s20 =	sshll.u32 s19, $0x5;
	s21 =	simm.s32 $0x0  }
0x26: {  	v28 =	vmov s20;
	v29 =	vadd.s32 s21, v10  }
0x27: {  	v30 =	vadd.s32 s21, v15;
	v28 =	vshll.u32 v28, $0x8;
	vm0 =	vgt.u32 v29, $0xC7  }
0x28: {  	v28 =	vor.u32 v13, v28;
	v29 =	vsel vm0, v30, v29  }
0x29: {  	v28 =	vand.u32 $0x6800, v28;
	v30 =	vshll.u32 v29, $0x3  }
0x2a: {  	s21 =	sor.u32 $0x10, s20;
	v28 =	vor.u32 v14, v28;
	v30 =	vand.u32 $0xFFFFFC00, v30  }
0x2b: {  	v32 =	vmov s21;
	v31 =	vand.u32 $0x7F, v29;
	v29 =	vadd.s32 v28, v30  }
0x2c: {  	v33 =	vor.u32 v31, v29;
	v29 =	vshll.u32 v32, $0x8  }
0x2d: {  	v29 =	vor.u32 v13, v29  }
0x2e: {  	v29 =	vand.u32 $0x7FFFF800, v29  }
0x2f: {  	v29 =	vor.u32 v14, v29  }
0x30: {  	v30 =	vadd.s32 v29, v30  }
0x31: {  	s22 =	simm.s32 $0x1;
	v59 =	vld.idx.msk [tilespmem:v33+s3+$0x0], $0xffff;
	v30 =	vor.u32 v31, v30  }
0x32: {  	v31 =	vadd.s32 s22, v10  }
0x33: {  	v60 =	vadd.s32 s22, v15;
	vm0 =	vgt.u32 v31, $0xC7  }
0x34: {  	v31 =	vsel vm0, v60, v31  }
0x35: {  	v33 =	vshll.u32 v31, $0x3  }
0x36: {  	v33 =	vand.u32 $0xFFFFFC00, v33;
	v32 =	vmul.u32 $0x5, v59;
	v30 =	vld.idx.msk [tilespmem:v30+s3+$0x0], $0xffff  }
0x37: {  	v31 =	vand.u32 $0x7F, v31;
	v34 =	vadd.s32 v28, v33  }
0x38: {  	v33 =	vadd.s32 v29, v33;
	v34 =	vor.u32 v31, v34  }
0x39: {  	v31 =	vor.u32 v31, v33  }
0x3a: {  	v36 =	vadd.s32 $0x1, v32  }
0x3b: {  	s31 =	simm.s32 $0x2;
	v61 =	vadd.s32 $0x2, v32;
	v30 =	vmul.u32 $0x5, v30  }
0x3c: {  	v35 =	vimm.s32 $0x80008000;
	v41 =	vimm.s32 $0x80008000;
	v62 =	vadd.s32 s31, v10;
	v45 =	vld.idx.msk [tilespmem:v32+s11+$0x0], $0xffff  }
0x3d: {  	v63 =	vadd.s32 s31, v15;
	vm0 =	vgt.u32 v62, $0xC7;
	v37 =	vadd.s32 $0x4, v32;
	v50 =	vld.idx.msk [tilespmem:v34+s3+$0x0], $0xffff  }
0x3e: {  	v39 =	vimm.s32 $0x80008000;
	v52 =	vsel vm0, v63, v62;
	v49 =	vadd.s32 $0x3, v32;
	v51 =	vld.idx.msk [tilespmem:v31+s3+$0x0], $0xffff  }
0x3f: {  	v33 =	vimm.s32 $0x80008000;
	v32 =	vimm.s32 $0x80008000;
	v46 =	vadd.s32 $0x1, v30;
	v44 =	vld.idx.msk [tilespmem:v36+s11+$0x0], $0xffff  }
0x40: {  	v31 =	vimm.s32 $0x80008000;
	v34 =	vimm.s32 $0x80008000;
	v47 =	vadd.s32 $0x4, v30;
	v38 =	vld.idx.msk [tilespmem:v61+s11+$0x0], $0xffff  }
0x41: {  	v42 =	vadd.s32 $0x2, v30;
	v43 =	vadd.s32 $0x3, v30;
	v36 =	vimm.s32 $0x80008000;
	v48 =	vld.idx.msk [tilespmem:v30+s11+$0x0], $0xffff  }
0x42: {  	s22 =	simm.s32 $0x3;
	v40 =	vld.idx.msk [tilespmem:v37+s11+$0x0], $0xffff;
	v37 =	vimm.s32 $0x80008000;
	vm0 =	vgt.s16 v35, v45;
	v30 =	vimm.s32 $0x80008000  }
.LBB2_3:
0x43: {  	p0 =	sne.s32 s22, $0xC7;
	v53 =	vand.u32 $0x7F, v52;
	v52 =	vshll.u32 v52, $0x3;
	v35 =	vsel vm0, v35, v45;
	v54 =	vld.idx.msk [tilespmem:v49+s11+$0x0], $0xffff;
	s23 =	smov.u32 s22;
	s22 =	sadd.s32 $0x1, s22  }
0x44: {  	v50 =	vmul.u32 $0x5, v50;
	vm0 =	vgt.s16 v41, v44;
	v45 =	vand.u32 $0xFFFFFC00, v52;
	v52 =	vld.idx.msk [tilespmem:v46+s11+$0x0], $0xffff  }
0x45: {  	v55 =	vmul.u32 $0x5, v51;
	v46 =	vadd.s32 v28, v45;
	v45 =	vadd.s32 v29, v45;
	v51 =	vld.idx.msk [tilespmem:v47+s11+$0x0], $0xffff  }
0x46: {  	vm1 =	vgt.s16 v39, v48;
	v56 =	vor.u32 v53, v46;
	v53 =	vor.u32 v53, v45;
	v57 =	vld.idx.msk [tilespmem:v42+s11+$0x0], $0xffff  }
0x47: {  	v41 =	vsel vm0, v41, v44;
	v58 =	vadd.s32 $0x1, v50;
	v59 =	vadd.s32 $0x2, v50;
	v60 =	vld.idx.msk [tilespmem:v43+s11+$0x0], $0xffff  }
0x48: {  	v49 =	vadd.s32 $0x3, v50;
	v61 =	vadd.s32 $0x4, v50;
	v39 =	vsel vm1, v39, v48  }
0x49: {  	v46 =	vadd.s32 $0x1, v55;
	v42 =	vadd.s32 $0x2, v55;
	vm0 =	vgt.s16 v32, v38  }
0x4a: {  	v47 =	vadd.s32 $0x4, v55;
	vm1 =	vgt.s16 v31, v40;
	vm2 =	vgt.s16 v34, v52;
	v45 =	vld.idx.msk [tilespmem:v50+s11+$0x0], $0xffff  }
0x4b: {  	v43 =	vadd.s32 $0x3, v55;
	vm3 =	vgt.s16 v36, v54;
	vm4 =	vgt.s16 v37, v51;
	v50 =	vld.idx.msk [tilespmem:v56+s3+$0x0], $0xffff  }
.Ltmp0:
0x4c: {  	v36 =	vsel vm3, v36, v54;
	v34 =	vsel vm2, v34, v52;
	v37 =	vsel vm4, v37, v51;
	v44 =	vld.idx.msk [tilespmem:v58+s11+$0x0], $0xffff;
	(pc) =	sbr.rel @p0 .LBB2_3-.Ltmp0, $4  }
0x4d: {  	v32 =	vsel vm0, v32, v38;
	v31 =	vsel vm1, v31, v40;
	vm0 =	vgt.s16 v33, v60;
	v51 =	vld.idx.msk [tilespmem:v53+s3+$0x0], $0xffff  }
0x4e: {  	v40 =	vadd.s32 s23, v10;
	vm1 =	vgt.s16 v30, v57;
	v33 =	vsel vm0, v33, v60;
	v48 =	vld.idx.msk [tilespmem:v55+s11+$0x0], $0xffff  }
0x4f: {  	v52 =	vadd.s32 s23, v15;
	v30 =	vsel vm1, v30, v57;
	vm0 =	vgt.u32 v40, $0xC7;
	v38 =	vld.idx.msk [tilespmem:v59+s11+$0x0], $0xffff  }
0x50: {  	v52 =	vsel vm0, v52, v40;
	vm0 =	vgt.s16 v35, v45;
	v40 =	vld.idx.msk [tilespmem:v61+s11+$0x0], $0xffff  }
0x51: {  	_ =	sdelay $0x1  }
0x52: {  	v53 =	vshll.u32 v52, $0x3  }
0x53: {  	v50 =	vmul.u32 $0x5, v50;
	v53 =	vand.u32 $0xFFFFFC00, v53  }
0x54: {  	v58 =	vand.u32 $0x7F, v52;
	v49 =	vld.idx.msk [tilespmem:v49+s11+$0x0], $0xffff;
	v28 =	vadd.s32 v28, v53  }
0x55: {  	v46 =	vld.idx.msk [tilespmem:v46+s11+$0x0], $0xffff;
	v29 =	vadd.s32 v29, v53;
	v28 =	vor.u32 v58, v28  }
0x56: {  	v47 =	vld.idx.msk [tilespmem:v47+s11+$0x0], $0xffff;
	v29 =	vor.u32 v58, v29  }
0x57: {  	v42 =	vld.idx.msk [tilespmem:v42+s11+$0x0], $0xffff;
	v51 =	vmul.u32 $0x5, v51;
	v59 =	vadd.s32 $0x1, v50  }
0x58: {  	v43 =	vld.idx.msk [tilespmem:v43+s11+$0x0], $0xffff  }
0x59: {  	v35 =	vsel vm0, v35, v45;
	v45 =	vadd.s32 $0x2, v50;
	v60 =	vld.idx.msk [tilespmem:v50+s11+$0x0], $0xffff  }
0x5a: {  	v63 =	vadd.s32 $0x4, v50;
	v28 =	vld.idx.msk [tilespmem:v28+s3+$0x0], $0xffff  }
0x5b: {  	v62 =	vadd.s32 $0x3, v50;
	v29 =	vld.idx.msk [tilespmem:v29+s3+$0x0], $0xffff  }
0x5c: {  	vm13 =	vgt.s16 v41, v44;
	v61 =	vadd.s32 $0x1, v51;
	v53 =	vld.idx.msk [tilespmem:v59+s11+$0x0], $0xffff  }
0x5d: {  	v54 =	vadd.s32 $0x2, v51;
	v55 =	vadd.s32 $0x4, v51;
	v56 =	vadd.s32 $0x3, v51;
	v51 =	vld.idx.msk [tilespmem:v51+s11+$0x0], $0xffff  }
0x5e: {  	v41 =	vsel vm13, v41, v44;
	vm14 =	vgt.s16 v32, v38;
	v45 =	vld.idx.msk [tilespmem:v45+s11+$0x0], $0xffff  }
0x5f: {  	vm15 =	vgt.s16 v31, v40;
	v32 =	vsel vm14, v32, v38;
	v38 =	vld.idx.msk [tilespmem:v63+s11+$0x0], $0xffff;
	v28 =	vmul.u32 $0x5, v28  }
0x60: {  	vm8 =	vgt.s16 v33, v43;
	v31 =	vsel vm15, v31, v40;
	v40 =	vld.idx.msk [tilespmem:v62+s11+$0x0], $0xffff;
	v29 =	vmul.u32 $0x5, v29  }
0x61: {  	vm1 =	vgt.s16 v39, v48;
	vm9 =	vgt.s16 v30, v42;
	v33 =	vsel vm8, v33, v43;
	v43 =	vld.idx.msk [tilespmem:v61+s11+$0x0], $0xffff  }
0x62: {  	v39 =	vsel vm1, v39, v48;
	v30 =	vsel vm9, v30, v42;
	v42 =	vld.idx.msk [tilespmem:v55+s11+$0x0], $0xffff;
	v44 =	vadd.s32 $0x1, v28  }
0x63: {  	vm2 =	vgt.s16 v34, v46;
	vm3 =	vgt.s16 v36, v49;
	v57 =	vld.idx.msk [tilespmem:v54+s11+$0x0], $0xffff;
	v62 =	vadd.s32 $0x2, v28  }
0x64: {  	vm4 =	vgt.s16 v37, v47;
	v59 =	vld.idx.msk [tilespmem:v56+s11+$0x0], $0xffff;
	vm10 =	vgt.s16 v35, v60;
	v58 =	vadd.s32 $0x3, v28  }
0x65: {  	v36 =	vsel vm3, v36, v49;
	v35 =	vsel vm10, v35, v60;
	v61 =	vadd.s32 $0x4, v29;
	v63 =	vld.idx.msk [tilespmem:v28+s11+$0x0], $0xffff  }
0x66: {  	v60 =	vadd.s32 $0x1, v29;
	v52 =	vadd.s32 $0x2, v29;
	v54 =	vadd.s32 $0x3, v29;
	v29 =	vld.idx.msk [tilespmem:v29+s11+$0x0], $0xffff  }
0x67: {  	v34 =	vsel vm2, v34, v46;
	v37 =	vsel vm4, v37, v47;
	vm11 =	vgt.s16 v41, v53;
	v44 =	vld.idx.msk [tilespmem:v44+s11+$0x0], $0xffff  }
0x68: {  	vm12 =	vgt.s16 v39, v51;
	vm13 =	vgt.s16 v32, v45;
	vm14 =	vgt.s16 v31, v38;
	v62 =	vld.idx.msk [tilespmem:v62+s11+$0x0], $0xffff  }
0x69: {  	vm3 =	vgt.s16 v36, v40;
	v39 =	vsel vm12, v39, v51;
	v28 =	vadd.s32 $0x4, v28;
	v51 =	vld.idx.msk [tilespmem:v58+s11+$0x0], $0xffff  }
0x6a: {  	v41 =	vsel vm11, v41, v53;
	vm2 =	vgt.s16 v34, v43;
	vm4 =	vgt.s16 v37, v42;
	v55 =	vld.idx.msk [tilespmem:v61+s11+$0x0], $0xffff  }
0x6b: {  	v36 =	vsel vm3, v36, v40;
	v32 =	vsel vm13, v32, v45;
	v31 =	vsel vm14, v31, v38;
	v50 =	vld.idx.msk [tilespmem:v54+s11+$0x0], $0xffff  }
0x6c: {  	vm5 =	vgt.s16 v33, v59;
	vm6 =	vgt.s16 v30, v57;
	v34 =	vsel vm2, v34, v43;
	v53 =	vld.idx.msk [tilespmem:v52+s11+$0x0], $0xffff  }
0x6d: {  	v37 =	vsel vm4, v37, v42;
	v33 =	vsel vm5, v33, v59;
	vm15 =	vgt.s16 v35, v63  }
0x6e: {  	v30 =	vsel vm6, v30, v57;
	v42 =	vld.idx.msk [tilespmem:v28+s11+$0x0], $0xffff;
	vm8 =	vgt.s16 v39, v29;
	v28 =	vsel vm15, v35, v63  }
0x6f: {  	vm7 =	vgt.s16 v41, v44;
	v29 =	vsel vm8, v39, v29;
	vm9 =	vgt.s16 v32, v62  }
0x70: {  	vm12 =	vgt.s16 v36, v51;
	vm13 =	vgt.s16 v37, v55;
	vm14 =	vgt.s16 v33, v50  }
0x71: {  	vm15 =	vgt.s16 v30, v53;
	v47 =	vunpack.i.l.s16.s32 v28;
	v41 =	vsel vm7, v41, v44  }
0x72: {  	v28 =	vunpack.i.u.s16.s32 v28;
	v36 =	vsel vm12, v36, v51;
	v32 =	vsel vm9, v32, v62  }
0x73: {  	v33 =	vsel vm14, v33, v50;
	v30 =	vsel vm15, v30, v53;
	v38 =	vcvt.s32.f32 v47  }
0x74: {  	v28 =	vcvt.s32.f32 v28;
	v58 =	vunpack.i.l.s16.s32 v41;
	v59 =	vunpack.i.u.s16.s32 v41  }
0x75: {  	v40 =	vunpack.i.l.s16.s32 v32;
	v32 =	vunpack.i.u.s16.s32 v32;
	v48 =	vunpack.i.l.s16.s32 v36  }
0x76: {  	v36 =	vunpack.i.u.s16.s32 v36;
	v45 =	vunpack.i.l.s16.s32 v30;
	v30 =	vunpack.i.u.s16.s32 v30  }
0x77: {  	v63 =	vld.idx.msk [tilespmem:v60+s11+$0x0], $0xffff;
	v53 =	vunpack.i.l.s16.s32 v33;
	v43 =	vcvt.s32.f32 v58;
	v40 =	vcvt.s32.f32 v40  }
0x78: {  	v33 =	vunpack.i.u.s16.s32 v33;
	v32 =	vcvt.s32.f32 v32;
	v36 =	vcvt.s32.f32 v36  }
0x79: {  	v58 =	vunpack.i.l.s16.s32 v29;
	v30 =	vcvt.s32.f32 v30;
	v33 =	vcvt.s32.f32 v33  }
0x7a: {  	v29 =	vunpack.i.u.s16.s32 v29;
	v38 =	vmul.f32 v38, v27;
	v28 =	vmul.f32 v28, v27  }
0x7b: {  	vm10 =	vgt.s16 v31, v42;
	v29 =	vcvt.s32.f32 v29;
	v60 =	vmul.f32 v43, v27  }
0x7c: {  	vm11 =	vgt.s16 v34, v63;
	v46 =	vmul.f32 v40, v27;
	v32 =	vmul.f32 v32, v27  }
0x7d: {  	v31 =	vsel vm10, v31, v42;
	v36 =	vmul.f32 v36, v27;
	v30 =	vmul.f32 v30, v27  }
0x7e: {  	v33 =	vmul.f32 v33, v27;
	v56 =	vshrl.u32 v38, $0x10;
	v57 =	vshrl.u32 v28, $0x10  }
0x7f: {  	v34 =	vsel vm11, v34, v63;
	v29 =	vmul.f32 v29, v27;
	v39 =	vand.u32 $0x1, v56  }
0x80: {  	v62 =	vshrl.u32 v60, $0x10;
	v40 =	vshrl.u32 v46, $0x10;
	v49 =	vshrl.u32 v32, $0x10  }
0x81: {  	v54 =	vshrl.u32 v36, $0x10;
	v52 =	vshrl.u32 v30, $0x10;
	v38 =	vadd.s32 v39, v38  }
0x82: {  	v39 =	vand.u32 $0x1, v57;
	v40 =	vand.u32 $0x1, v40;
	v57 =	vunpack.i.l.s16.s32 v31  }
0x83: {  	v31 =	vunpack.i.u.s16.s32 v31;
	v38 =	vadd.s32 $0x7FFF, v38;
	v28 =	vadd.s32 v39, v28  }
0x84: {  	v39 =	vcvt.s32.f32 v59;
	v47 =	vadd.s32 v40, v46;
	v31 =	vcvt.s32.f32 v31  }
0x85: {  	v40 =	vunpack.i.l.s16.s32 v34;
	v34 =	vunpack.i.u.s16.s32 v34;
	v46 =	vcvt.s32.f32 v45  }
0x86: {  	v38 =	vand.u32 $0xFFFF0000, v38;
	v28 =	vadd.s32 $0x7FFF, v28;
	v34 =	vcvt.s32.f32 v34  }
0x87: {  	v38 =	vmul.f32 v38, v16;
	v28 =	vand.u32 $0xFFFF0000, v28;
	v39 =	vmul.f32 v39, v27  }
0x88: {  	v41 =	vshrl.u32 v29, $0x10;
	v31 =	vmul.f32 v31, v27;
	v28 =	vmul.f32 v28, v17  }
0x89: {  	v61 =	vadd.f32 v38, v26;
	v38 =	vand.u32 $0x1, v62;
	v63 =	vshrl.u32 v39, $0x10  }
0x8a: {  	v34 =	vmul.f32 v34, v27;
	v38 =	vadd.s32 v38, v60;
	v44 =	vand.u32 $0x1, v63  }
0x8b: {  	v28 =	vadd.f32 v61, v28;
	v43 =	vadd.s32 $0x7FFF, v38;
	v38 =	vadd.s32 v44, v39  }
0x8c: {  	v39 =	vand.u32 $0x1, v49;
	v49 =	vshrl.u32 v31, $0x10;
	v35 =	vand.u32 $0xFFFF0000, v43  }
0x8d: {  	v38 =	vadd.s32 $0x7FFF, v38;
	v32 =	vadd.s32 v39, v32;
	v35 =	vmul.f32 v35, v18  }
0x8e: {  	v43 =	vshrl.u32 v34, $0x10;
	v38 =	vand.u32 $0xFFFF0000, v38;
	v32 =	vadd.s32 $0x7FFF, v32  }
0x8f: {  	v44 =	vand.u32 $0x1, v43;
	v38 =	vmul.f32 v38, v19;
	v35 =	vadd.f32 v35, v28  }
0x90: {  	v32 =	vand.u32 $0xFFFF0000, v32;
	v34 =	vadd.s32 v44, v34;
	v28 =	vsel vm13, v37, v55  }
0x91: {  	v37 =	vadd.s32 $0x7FFF, v47;
	v35 =	vadd.f32 v35, v38;
	v38 =	vcvt.s32.f32 v48  }
0x92: {  	v32 =	vmul.f32 v32, v21;
	v55 =	vand.u32 $0x1, v54;
	v34 =	vadd.s32 $0x7FFF, v34  }
0x93: {  	v37 =	vand.u32 $0xFFFF0000, v37;
	v36 =	vadd.s32 v55, v36;
	v38 =	vmul.f32 v38, v27  }
0x94: {  	v34 =	vand.u32 $0xFFFF0000, v34;
	v37 =	vmul.f32 v37, v20;
	v36 =	vadd.s32 $0x7FFF, v36  }
0x95: {  	v48 =	vmul.f32 v46, v27;
	v34 =	vmul.f32 v34, v19;
	v51 =	vshrl.u32 v38, $0x10  }
0x96: {  	v36 =	vand.u32 $0xFFFF0000, v36;
	v35 =	vadd.f32 v37, v35;
	v37 =	vand.u32 $0x1, v51  }
0x97: {  	v59 =	vmul.f32 v36, v23;
	v37 =	vadd.s32 v37, v38;
	v38 =	vcvt.s32.f32 v58  }
0x98: {  	v50 =	vshrl.u32 v48, $0x10;
	v32 =	vadd.f32 v35, v32;
	v56 =	vadd.s32 $0x7FFF, v37  }
0x99: {  	v37 =	vcvt.s32.f32 v57;
	v35 =	vand.u32 $0xFFFF0000, v56;
	v61 =	vmul.f32 v38, v27  }
0x9a: {  	v56 =	vunpack.i.l.s16.s32 v28;
	v28 =	vunpack.i.u.s16.s32 v28;
	v35 =	vmul.f32 v35, v22  }
0x9b: {  	v60 =	vmul.f32 v37, v27;
	v37 =	vcvt.s32.f32 v40;
	v38 =	vshrl.u32 v61, $0x10  }
0x9c: {  	v57 =	vshrl.u32 v33, $0x10;
	v28 =	vcvt.s32.f32 v28;
	v63 =	vand.u32 $0x1, v38  }
0x9d: {  	v32 =	vadd.f32 v35, v32;
	v37 =	vmul.f32 v37, v27;
	v36 =	vadd.s32 v63, v61  }
0x9e: {  	v62 =	vshrl.u32 v60, $0x10;
	v38 =	vand.u32 $0x1, v41;
	v36 =	vadd.s32 $0x7FFF, v36  }
0x9f: {  	v29 =	vadd.s32 v38, v29;
	v42 =	vshrl.u32 v37, $0x10;
	v36 =	vand.u32 $0xFFFF0000, v36  }
0xa0: {  	v29 =	vadd.s32 $0x7FFF, v29;
	v38 =	vand.u32 $0x1, v42;
	v36 =	vmul.f32 v36, v16  }
0xa1: {  	v28 =	vmul.f32 v28, v27;
	v29 =	vand.u32 $0xFFFF0000, v29;
	v37 =	vadd.s32 v38, v37  }
0xa2: {  	v29 =	vmul.f32 v29, v17;
	v37 =	vadd.s32 $0x7FFF, v37;
	v36 =	vadd.f32 v36, v26  }
0xa3: {  	v35 =	vand.u32 $0x1, v62;
	v32 =	vadd.f32 v32, v59;
	v47 =	vand.u32 $0xFFFF0000, v37  }
0xa4: {  	v35 =	vadd.s32 v35, v60;
	v29 =	vadd.f32 v36, v29;
	v36 =	vmul.f32 v47, v18  }
0xa5: {  	v62 =	vshrl.u32 v28, $0x10;
	v35 =	vadd.s32 $0x7FFF, v35;
	v38 =	vand.u32 $0x1, v49  }
0xa6: {  	v37 =	vcvt.s32.f32 v53;
	v29 =	vadd.f32 v36, v29;
	v36 =	vand.u32 $0x1, v50  }
0xa7: {  	v35 =	vand.u32 $0xFFFF0000, v35;
	v31 =	vadd.s32 v38, v31;
	v51 =	vadd.s32 v36, v48  }
0xa8: {  	v54 =	vmul.f32 v37, v27;
	v29 =	vadd.f32 v29, v34;
	v34 =	vadd.s32 $0x7FFF, v51  }
0xa9: {  	v35 =	vmul.f32 v35, v24;
	v37 =	vcvt.s32.f32 v56;
	v34 =	vand.u32 $0xFFFF0000, v34  }
0xaa: {  	v55 =	vshrl.u32 v54, $0x10;
	v36 =	vand.u32 $0x1, v52;
	v34 =	vmul.f32 v34, v20  }
0xab: {  	v58 =	vmul.f32 v37, v27;
	v30 =	vadd.s32 v36, v30;
	v36 =	vand.u32 $0x1, v57  }
0xac: {  	v30 =	vadd.s32 $0x7FFF, v30;
	v29 =	vadd.f32 v34, v29;
	v34 =	vand.u32 $0x1, v55  }
0xad: {  	v33 =	vadd.s32 v36, v33;
	v30 =	vand.u32 $0xFFFF0000, v30;
	v34 =	vadd.s32 v34, v54  }
0xae: {  	v33 =	vadd.s32 $0x7FFF, v33;
	v30 =	vmul.f32 v30, v21;
	v34 =	vadd.s32 $0x7FFF, v34  }
0xaf: {  	v60 =	vshrl.u32 v58, $0x10;
	v33 =	vand.u32 $0xFFFF0000, v33;
	v59 =	vand.u32 $0xFFFF0000, v34  }
0xb0: {  	v29 =	vadd.f32 v29, v30;
	v34 =	vand.u32 $0x1, v60;
	v30 =	vmul.f32 v59, v22  }
0xb1: {  	v31 =	vadd.s32 $0x7FFF, v31;
	v33 =	vmul.f32 v33, v23;
	v61 =	vadd.s32 v34, v58  }
0xb2: {  	v34 =	vand.u32 $0x1, v62;
	v29 =	vadd.f32 v30, v29;
	v30 =	vadd.s32 $0x7FFF, v61  }
0xb3: {  	v31 =	vand.u32 $0xFFFF0000, v31;
	v28 =	vadd.s32 v34, v28;
	v30 =	vand.u32 $0xFFFF0000, v30  }
0xb4: {  	s19 =	sadd.s32 $0x1, s19;
	v28 =	vadd.s32 $0x7FFF, v28;
	v29 =	vadd.f32 v29, v33;
	v30 =	vmul.f32 v30, v24  }
0xb5: {  	p0 =	sne.s32 s19, $0x4;
	v32 =	vadd.f32 v35, v32;
	v31 =	vmul.f32 v31, v25;
	v28 =	vand.u32 $0xFFFF0000, v28  }
.Ltmp1:
0xb6: {  	v28 =	vmul.f32 v28, v25;
	v29 =	vadd.f32 v30, v29;
	(pc) =	sbr.rel @p0 .LBB2_2-.Ltmp1, $4  }
0xb7: {  	v63 =	vadd.f32 v32, v31  }
0xb8: {  	v28 =	vadd.f32 v29, v28  }
0xb9: {  	[tilespmem:s20+$0x11480] =	vst v63  }
0xba: {  	[tilespmem:s21+$0x11480] =	vst v28  }
0xbb: {  	_ =	swait.ge [sflag:s16], $0x8000  }
0xbc: {  	[sflag:s16] =	ssyncset.done $0x0  }
0xbd: {  	s19 =	simm.s32 $0x0;
	s20 =	simm.s32 $0x0;
	[sflag:s16] =	ssyncadd.s32 $0xFFFF8000  }
0xbe: {  	[tilespmem:s19], [sflag:$0x1] =	stream.linear.gather [hbm4b:s7+s19], $0x8000, $0x38;
	[tilespmem:$0x11680] =	vst v63  }
.LBB2_6:
0xbf: {  	s21 =	sshll.u32 s20, $0x5  }
0xc0: {  	v29 =	vadd.s32 s19, v10;
	v28 =	vmov s21  }
0xc1: {  	v30 =	vadd.s32 s19, v15;
	vm0 =	vgt.u32 v29, $0xC7;
	v28 =	vshll.u32 v28, $0x8  }
0xc2: {  	v29 =	vsel vm0, v30, v29;
	v28 =	vor.u32 v13, v28  }
0xc3: {  	v30 =	vshll.u32 v29, $0x3;
	v28 =	vand.u32 $0x6800, v28  }
0xc4: {  	s22 =	sor.u32 $0x10, s21;
	v30 =	vand.u32 $0xFFFFFC00, v30;
	v28 =	vor.u32 v14, v28  }
0xc5: {  	v32 =	vmov s22;
	v31 =	vand.u32 $0x7F, v29;
	v29 =	vadd.s32 v28, v30  }
0xc6: {  	v33 =	vor.u32 v31, v29;
	v29 =	vshll.u32 v32, $0x8  }
0xc7: {  	v29 =	vor.u32 v13, v29  }
0xc8: {  	v29 =	vand.u32 $0x7FFFF800, v29  }
0xc9: {  	v29 =	vor.u32 v14, v29  }
0xca: {  	v30 =	vadd.s32 v29, v30  }
0xcb: {  	s30 =	simm.s32 $0x1;
	v59 =	vld.idx.msk [tilespmem:v33+s15+$0x0], $0xffff;
	v30 =	vor.u32 v31, v30  }
0xcc: {  	v31 =	vadd.s32 s30, v10  }
0xcd: {  	v60 =	vadd.s32 s30, v15;
	vm0 =	vgt.u32 v31, $0xC7  }
0xce: {  	v31 =	vsel vm0, v60, v31  }
0xcf: {  	v33 =	vshll.u32 v31, $0x3  }
0xd0: {  	v33 =	vand.u32 $0xFFFFFC00, v33;
	v32 =	vmul.u32 $0x5, v59;
	v30 =	vld.idx.msk [tilespmem:v30+s15+$0x0], $0xffff  }
0xd1: {  	v31 =	vand.u32 $0x7F, v31;
	v34 =	vadd.s32 v28, v33  }
0xd2: {  	v33 =	vadd.s32 v29, v33;
	v34 =	vor.u32 v31, v34  }
0xd3: {  	v31 =	vor.u32 v31, v33  }
0xd4: {  	v36 =	vadd.s32 $0x1, v32  }
0xd5: {  	s31 =	simm.s32 $0x2;
	v61 =	vadd.s32 $0x2, v32;
	v30 =	vmul.u32 $0x5, v30  }
0xd6: {  	v35 =	vimm.s32 $0x80008000;
	v41 =	vimm.s32 $0x80008000;
	v62 =	vadd.s32 s31, v10;
	v45 =	vld.idx.msk [tilespmem:v32+s11+$0x0], $0xffff  }
0xd7: {  	v63 =	vadd.s32 s31, v15;
	vm0 =	vgt.u32 v62, $0xC7;
	v37 =	vadd.s32 $0x4, v32;
	v50 =	vld.idx.msk [tilespmem:v34+s15+$0x0], $0xffff  }
0xd8: {  	v39 =	vimm.s32 $0x80008000;
	v52 =	vsel vm0, v63, v62;
	v49 =	vadd.s32 $0x3, v32;
	v51 =	vld.idx.msk [tilespmem:v31+s15+$0x0], $0xffff  }
0xd9: {  	v33 =	vimm.s32 $0x80008000;
	v32 =	vimm.s32 $0x80008000;
	v46 =	vadd.s32 $0x1, v30;
	v44 =	vld.idx.msk [tilespmem:v36+s11+$0x0], $0xffff  }
0xda: {  	v31 =	vimm.s32 $0x80008000;
	v34 =	vimm.s32 $0x80008000;
	v47 =	vadd.s32 $0x4, v30;
	v38 =	vld.idx.msk [tilespmem:v61+s11+$0x0], $0xffff  }
0xdb: {  	v42 =	vadd.s32 $0x2, v30;
	v43 =	vadd.s32 $0x3, v30;
	v36 =	vimm.s32 $0x80008000;
	v48 =	vld.idx.msk [tilespmem:v30+s11+$0x0], $0xffff  }
0xdc: {  	s22 =	simm.s32 $0x3;
	v40 =	vld.idx.msk [tilespmem:v37+s11+$0x0], $0xffff;
	v37 =	vimm.s32 $0x80008000;
	vm0 =	vgt.s16 v35, v45;
	v30 =	vimm.s32 $0x80008000  }
.LBB2_7:
0xdd: {  	p0 =	sne.s32 s22, $0xC7;
	v53 =	vand.u32 $0x7F, v52;
	v52 =	vshll.u32 v52, $0x3;
	v35 =	vsel vm0, v35, v45;
	v54 =	vld.idx.msk [tilespmem:v49+s11+$0x0], $0xffff;
	s23 =	smov.u32 s22;
	s22 =	sadd.s32 $0x1, s22  }
0xde: {  	v50 =	vmul.u32 $0x5, v50;
	vm0 =	vgt.s16 v41, v44;
	v45 =	vand.u32 $0xFFFFFC00, v52;
	v52 =	vld.idx.msk [tilespmem:v46+s11+$0x0], $0xffff  }
0xdf: {  	v55 =	vmul.u32 $0x5, v51;
	v46 =	vadd.s32 v28, v45;
	v45 =	vadd.s32 v29, v45;
	v51 =	vld.idx.msk [tilespmem:v47+s11+$0x0], $0xffff  }
0xe0: {  	vm1 =	vgt.s16 v39, v48;
	v56 =	vor.u32 v53, v46;
	v53 =	vor.u32 v53, v45;
	v57 =	vld.idx.msk [tilespmem:v42+s11+$0x0], $0xffff  }
0xe1: {  	v41 =	vsel vm0, v41, v44;
	v58 =	vadd.s32 $0x1, v50;
	v59 =	vadd.s32 $0x2, v50;
	v60 =	vld.idx.msk [tilespmem:v43+s11+$0x0], $0xffff  }
0xe2: {  	v49 =	vadd.s32 $0x3, v50;
	v61 =	vadd.s32 $0x4, v50;
	v39 =	vsel vm1, v39, v48  }
0xe3: {  	v46 =	vadd.s32 $0x1, v55;
	v42 =	vadd.s32 $0x2, v55;
	vm0 =	vgt.s16 v32, v38  }
0xe4: {  	v47 =	vadd.s32 $0x4, v55;
	vm1 =	vgt.s16 v31, v40;
	vm2 =	vgt.s16 v34, v52;
	v45 =	vld.idx.msk [tilespmem:v50+s11+$0x0], $0xffff  }
0xe5: {  	v43 =	vadd.s32 $0x3, v55;
	vm3 =	vgt.s16 v36, v54;
	vm4 =	vgt.s16 v37, v51;
	v50 =	vld.idx.msk [tilespmem:v56+s15+$0x0], $0xffff  }
.Ltmp2:
0xe6: {  	v36 =	vsel vm3, v36, v54;
	v34 =	vsel vm2, v34, v52;
	v37 =	vsel vm4, v37, v51;
	v44 =	vld.idx.msk [tilespmem:v58+s11+$0x0], $0xffff;
	(pc) =	sbr.rel @p0 .LBB2_7-.Ltmp2, $4  }
0xe7: {  	v32 =	vsel vm0, v32, v38;
	v31 =	vsel vm1, v31, v40;
	vm0 =	vgt.s16 v33, v60;
	v51 =	vld.idx.msk [tilespmem:v53+s15+$0x0], $0xffff  }
0xe8: {  	v40 =	vadd.s32 s23, v10;
	vm1 =	vgt.s16 v30, v57;
	v33 =	vsel vm0, v33, v60;
	v48 =	vld.idx.msk [tilespmem:v55+s11+$0x0], $0xffff  }
0xe9: {  	v52 =	vadd.s32 s23, v15;
	v30 =	vsel vm1, v30, v57;
	vm0 =	vgt.u32 v40, $0xC7;
	v38 =	vld.idx.msk [tilespmem:v59+s11+$0x0], $0xffff  }
0xea: {  	v52 =	vsel vm0, v52, v40;
	vm0 =	vgt.s16 v35, v45;
	v40 =	vld.idx.msk [tilespmem:v61+s11+$0x0], $0xffff  }
0xeb: {  	_ =	sdelay $0x1  }
0xec: {  	v53 =	vshll.u32 v52, $0x3  }
0xed: {  	v50 =	vmul.u32 $0x5, v50;
	v53 =	vand.u32 $0xFFFFFC00, v53  }
0xee: {  	v58 =	vand.u32 $0x7F, v52;
	v49 =	vld.idx.msk [tilespmem:v49+s11+$0x0], $0xffff;
	v28 =	vadd.s32 v28, v53  }
0xef: {  	v46 =	vld.idx.msk [tilespmem:v46+s11+$0x0], $0xffff;
	v29 =	vadd.s32 v29, v53;
	v28 =	vor.u32 v58, v28  }
0xf0: {  	v47 =	vld.idx.msk [tilespmem:v47+s11+$0x0], $0xffff;
	v29 =	vor.u32 v58, v29  }
0xf1: {  	v42 =	vld.idx.msk [tilespmem:v42+s11+$0x0], $0xffff;
	v51 =	vmul.u32 $0x5, v51;
	v59 =	vadd.s32 $0x1, v50  }
0xf2: {  	v43 =	vld.idx.msk [tilespmem:v43+s11+$0x0], $0xffff  }
0xf3: {  	v35 =	vsel vm0, v35, v45;
	v45 =	vadd.s32 $0x2, v50;
	v60 =	vld.idx.msk [tilespmem:v50+s11+$0x0], $0xffff  }
0xf4: {  	v63 =	vadd.s32 $0x4, v50;
	v28 =	vld.idx.msk [tilespmem:v28+s15+$0x0], $0xffff  }
0xf5: {  	v62 =	vadd.s32 $0x3, v50;
	v29 =	vld.idx.msk [tilespmem:v29+s15+$0x0], $0xffff  }
0xf6: {  	vm13 =	vgt.s16 v41, v44;
	v61 =	vadd.s32 $0x1, v51;
	v53 =	vld.idx.msk [tilespmem:v59+s11+$0x0], $0xffff  }
0xf7: {  	v54 =	vadd.s32 $0x2, v51;
	v55 =	vadd.s32 $0x4, v51;
	v56 =	vadd.s32 $0x3, v51;
	v51 =	vld.idx.msk [tilespmem:v51+s11+$0x0], $0xffff  }
0xf8: {  	v41 =	vsel vm13, v41, v44;
	vm14 =	vgt.s16 v32, v38;
	v45 =	vld.idx.msk [tilespmem:v45+s11+$0x0], $0xffff  }
0xf9: {  	vm15 =	vgt.s16 v31, v40;
	v32 =	vsel vm14, v32, v38;
	v38 =	vld.idx.msk [tilespmem:v63+s11+$0x0], $0xffff;
	v28 =	vmul.u32 $0x5, v28  }
0xfa: {  	vm8 =	vgt.s16 v33, v43;
	v31 =	vsel vm15, v31, v40;
	v40 =	vld.idx.msk [tilespmem:v62+s11+$0x0], $0xffff;
	v29 =	vmul.u32 $0x5, v29  }
0xfb: {  	vm1 =	vgt.s16 v39, v48;
	vm9 =	vgt.s16 v30, v42;
	v33 =	vsel vm8, v33, v43;
	v43 =	vld.idx.msk [tilespmem:v61+s11+$0x0], $0xffff  }
0xfc: {  	v39 =	vsel vm1, v39, v48;
	v30 =	vsel vm9, v30, v42;
	v42 =	vld.idx.msk [tilespmem:v55+s11+$0x0], $0xffff;
	v44 =	vadd.s32 $0x1, v28  }
0xfd: {  	vm2 =	vgt.s16 v34, v46;
	vm3 =	vgt.s16 v36, v49;
	v57 =	vld.idx.msk [tilespmem:v54+s11+$0x0], $0xffff;
	v62 =	vadd.s32 $0x2, v28  }
0xfe: {  	vm4 =	vgt.s16 v37, v47;
	v59 =	vld.idx.msk [tilespmem:v56+s11+$0x0], $0xffff;
	vm10 =	vgt.s16 v35, v60;
	v58 =	vadd.s32 $0x3, v28  }
0xff: {  	v36 =	vsel vm3, v36, v49;
	v35 =	vsel vm10, v35, v60;
	v61 =	vadd.s32 $0x4, v29;
	v63 =	vld.idx.msk [tilespmem:v28+s11+$0x0], $0xffff  }
0x100: {  	v60 =	vadd.s32 $0x1, v29;
	v52 =	vadd.s32 $0x2, v29;
	v54 =	vadd.s32 $0x3, v29;
	v29 =	vld.idx.msk [tilespmem:v29+s11+$0x0], $0xffff  }
0x101: {  	v34 =	vsel vm2, v34, v46;
	v37 =	vsel vm4, v37, v47;
	vm11 =	vgt.s16 v41, v53;
	v44 =	vld.idx.msk [tilespmem:v44+s11+$0x0], $0xffff  }
0x102: {  	vm12 =	vgt.s16 v39, v51;
	vm13 =	vgt.s16 v32, v45;
	vm14 =	vgt.s16 v31, v38;
	v62 =	vld.idx.msk [tilespmem:v62+s11+$0x0], $0xffff  }
0x103: {  	vm3 =	vgt.s16 v36, v40;
	v39 =	vsel vm12, v39, v51;
	v28 =	vadd.s32 $0x4, v28;
	v51 =	vld.idx.msk [tilespmem:v58+s11+$0x0], $0xffff  }
0x104: {  	v41 =	vsel vm11, v41, v53;
	vm2 =	vgt.s16 v34, v43;
	vm4 =	vgt.s16 v37, v42;
	v55 =	vld.idx.msk [tilespmem:v61+s11+$0x0], $0xffff  }
0x105: {  	v36 =	vsel vm3, v36, v40;
	v32 =	vsel vm13, v32, v45;
	v31 =	vsel vm14, v31, v38;
	v50 =	vld.idx.msk [tilespmem:v54+s11+$0x0], $0xffff  }
0x106: {  	vm5 =	vgt.s16 v33, v59;
	vm6 =	vgt.s16 v30, v57;
	v34 =	vsel vm2, v34, v43;
	v53 =	vld.idx.msk [tilespmem:v52+s11+$0x0], $0xffff  }
0x107: {  	v37 =	vsel vm4, v37, v42;
	v33 =	vsel vm5, v33, v59;
	vm15 =	vgt.s16 v35, v63  }
0x108: {  	v30 =	vsel vm6, v30, v57;
	v42 =	vld.idx.msk [tilespmem:v28+s11+$0x0], $0xffff;
	vm8 =	vgt.s16 v39, v29;
	v28 =	vsel vm15, v35, v63  }
0x109: {  	vm7 =	vgt.s16 v41, v44;
	v29 =	vsel vm8, v39, v29;
	vm9 =	vgt.s16 v32, v62  }
0x10a: {  	vm12 =	vgt.s16 v36, v51;
	vm13 =	vgt.s16 v37, v55;
	vm14 =	vgt.s16 v33, v50  }
0x10b: {  	vm15 =	vgt.s16 v30, v53;
	v47 =	vunpack.i.l.s16.s32 v28;
	v41 =	vsel vm7, v41, v44  }
0x10c: {  	v28 =	vunpack.i.u.s16.s32 v28;
	v36 =	vsel vm12, v36, v51;
	v32 =	vsel vm9, v32, v62  }
0x10d: {  	v33 =	vsel vm14, v33, v50;
	v30 =	vsel vm15, v30, v53;
	v38 =	vcvt.s32.f32 v47  }
0x10e: {  	v28 =	vcvt.s32.f32 v28;
	v58 =	vunpack.i.l.s16.s32 v41;
	v59 =	vunpack.i.u.s16.s32 v41  }
0x10f: {  	v40 =	vunpack.i.l.s16.s32 v32;
	v32 =	vunpack.i.u.s16.s32 v32;
	v48 =	vunpack.i.l.s16.s32 v36  }
0x110: {  	v36 =	vunpack.i.u.s16.s32 v36;
	v45 =	vunpack.i.l.s16.s32 v30;
	v30 =	vunpack.i.u.s16.s32 v30  }
0x111: {  	v63 =	vld.idx.msk [tilespmem:v60+s11+$0x0], $0xffff;
	v53 =	vunpack.i.l.s16.s32 v33;
	v43 =	vcvt.s32.f32 v58;
	v40 =	vcvt.s32.f32 v40  }
0x112: {  	v33 =	vunpack.i.u.s16.s32 v33;
	v32 =	vcvt.s32.f32 v32;
	v36 =	vcvt.s32.f32 v36  }
0x113: {  	v58 =	vunpack.i.l.s16.s32 v29;
	v30 =	vcvt.s32.f32 v30;
	v33 =	vcvt.s32.f32 v33  }
0x114: {  	v29 =	vunpack.i.u.s16.s32 v29;
	v38 =	vmul.f32 v38, v27;
	v28 =	vmul.f32 v28, v27  }
0x115: {  	vm10 =	vgt.s16 v31, v42;
	v29 =	vcvt.s32.f32 v29;
	v60 =	vmul.f32 v43, v27  }
0x116: {  	vm11 =	vgt.s16 v34, v63;
	v46 =	vmul.f32 v40, v27;
	v32 =	vmul.f32 v32, v27  }
0x117: {  	v31 =	vsel vm10, v31, v42;
	v36 =	vmul.f32 v36, v27;
	v30 =	vmul.f32 v30, v27  }
0x118: {  	v33 =	vmul.f32 v33, v27;
	v56 =	vshrl.u32 v38, $0x10;
	v57 =	vshrl.u32 v28, $0x10  }
0x119: {  	v34 =	vsel vm11, v34, v63;
	v29 =	vmul.f32 v29, v27;
	v39 =	vand.u32 $0x1, v56  }
0x11a: {  	v62 =	vshrl.u32 v60, $0x10;
	v40 =	vshrl.u32 v46, $0x10;
	v49 =	vshrl.u32 v32, $0x10  }
0x11b: {  	v54 =	vshrl.u32 v36, $0x10;
	v52 =	vshrl.u32 v30, $0x10;
	v38 =	vadd.s32 v39, v38  }
0x11c: {  	v39 =	vand.u32 $0x1, v57;
	v40 =	vand.u32 $0x1, v40;
	v57 =	vunpack.i.l.s16.s32 v31  }
0x11d: {  	v31 =	vunpack.i.u.s16.s32 v31;
	v38 =	vadd.s32 $0x7FFF, v38;
	v28 =	vadd.s32 v39, v28  }
0x11e: {  	v39 =	vcvt.s32.f32 v59;
	v47 =	vadd.s32 v40, v46;
	v31 =	vcvt.s32.f32 v31  }
0x11f: {  	v40 =	vunpack.i.l.s16.s32 v34;
	v34 =	vunpack.i.u.s16.s32 v34;
	v46 =	vcvt.s32.f32 v45  }
0x120: {  	v38 =	vand.u32 $0xFFFF0000, v38;
	v28 =	vadd.s32 $0x7FFF, v28;
	v34 =	vcvt.s32.f32 v34  }
0x121: {  	v38 =	vmul.f32 v38, v16;
	v28 =	vand.u32 $0xFFFF0000, v28;
	v39 =	vmul.f32 v39, v27  }
0x122: {  	v41 =	vshrl.u32 v29, $0x10;
	v31 =	vmul.f32 v31, v27;
	v28 =	vmul.f32 v28, v17  }
0x123: {  	v61 =	vadd.f32 v38, v26;
	v38 =	vand.u32 $0x1, v62;
	v63 =	vshrl.u32 v39, $0x10  }
0x124: {  	v34 =	vmul.f32 v34, v27;
	v38 =	vadd.s32 v38, v60;
	v44 =	vand.u32 $0x1, v63  }
0x125: {  	v28 =	vadd.f32 v61, v28;
	v43 =	vadd.s32 $0x7FFF, v38;
	v38 =	vadd.s32 v44, v39  }
0x126: {  	v39 =	vand.u32 $0x1, v49;
	v49 =	vshrl.u32 v31, $0x10;
	v35 =	vand.u32 $0xFFFF0000, v43  }
0x127: {  	v38 =	vadd.s32 $0x7FFF, v38;
	v32 =	vadd.s32 v39, v32;
	v35 =	vmul.f32 v35, v18  }
0x128: {  	v43 =	vshrl.u32 v34, $0x10;
	v38 =	vand.u32 $0xFFFF0000, v38;
	v32 =	vadd.s32 $0x7FFF, v32  }
0x129: {  	v44 =	vand.u32 $0x1, v43;
	v38 =	vmul.f32 v38, v19;
	v35 =	vadd.f32 v35, v28  }
0x12a: {  	v32 =	vand.u32 $0xFFFF0000, v32;
	v34 =	vadd.s32 v44, v34;
	v28 =	vsel vm13, v37, v55  }
0x12b: {  	v37 =	vadd.s32 $0x7FFF, v47;
	v35 =	vadd.f32 v35, v38;
	v38 =	vcvt.s32.f32 v48  }
0x12c: {  	v32 =	vmul.f32 v32, v21;
	v55 =	vand.u32 $0x1, v54;
	v34 =	vadd.s32 $0x7FFF, v34  }
0x12d: {  	v37 =	vand.u32 $0xFFFF0000, v37;
	v36 =	vadd.s32 v55, v36;
	v38 =	vmul.f32 v38, v27  }
0x12e: {  	v34 =	vand.u32 $0xFFFF0000, v34;
	v37 =	vmul.f32 v37, v20;
	v36 =	vadd.s32 $0x7FFF, v36  }
0x12f: {  	v48 =	vmul.f32 v46, v27;
	v34 =	vmul.f32 v34, v19;
	v51 =	vshrl.u32 v38, $0x10  }
0x130: {  	v36 =	vand.u32 $0xFFFF0000, v36;
	v35 =	vadd.f32 v37, v35;
	v37 =	vand.u32 $0x1, v51  }
0x131: {  	v59 =	vmul.f32 v36, v23;
	v37 =	vadd.s32 v37, v38;
	v38 =	vcvt.s32.f32 v58  }
0x132: {  	v50 =	vshrl.u32 v48, $0x10;
	v32 =	vadd.f32 v35, v32;
	v56 =	vadd.s32 $0x7FFF, v37  }
0x133: {  	v37 =	vcvt.s32.f32 v57;
	v35 =	vand.u32 $0xFFFF0000, v56;
	v61 =	vmul.f32 v38, v27  }
0x134: {  	v56 =	vunpack.i.l.s16.s32 v28;
	v28 =	vunpack.i.u.s16.s32 v28;
	v35 =	vmul.f32 v35, v22  }
0x135: {  	v60 =	vmul.f32 v37, v27;
	v37 =	vcvt.s32.f32 v40;
	v38 =	vshrl.u32 v61, $0x10  }
0x136: {  	v57 =	vshrl.u32 v33, $0x10;
	v28 =	vcvt.s32.f32 v28;
	v63 =	vand.u32 $0x1, v38  }
0x137: {  	v32 =	vadd.f32 v35, v32;
	v37 =	vmul.f32 v37, v27;
	v36 =	vadd.s32 v63, v61  }
0x138: {  	v62 =	vshrl.u32 v60, $0x10;
	v38 =	vand.u32 $0x1, v41;
	v36 =	vadd.s32 $0x7FFF, v36  }
0x139: {  	v29 =	vadd.s32 v38, v29;
	v42 =	vshrl.u32 v37, $0x10;
	v36 =	vand.u32 $0xFFFF0000, v36  }
0x13a: {  	v29 =	vadd.s32 $0x7FFF, v29;
	v38 =	vand.u32 $0x1, v42;
	v36 =	vmul.f32 v36, v16  }
0x13b: {  	v28 =	vmul.f32 v28, v27;
	v29 =	vand.u32 $0xFFFF0000, v29;
	v37 =	vadd.s32 v38, v37  }
0x13c: {  	v29 =	vmul.f32 v29, v17;
	v37 =	vadd.s32 $0x7FFF, v37;
	v36 =	vadd.f32 v36, v26  }
0x13d: {  	v35 =	vand.u32 $0x1, v62;
	v32 =	vadd.f32 v32, v59;
	v47 =	vand.u32 $0xFFFF0000, v37  }
0x13e: {  	v35 =	vadd.s32 v35, v60;
	v29 =	vadd.f32 v36, v29;
	v36 =	vmul.f32 v47, v18  }
0x13f: {  	v62 =	vshrl.u32 v28, $0x10;
	v35 =	vadd.s32 $0x7FFF, v35;
	v38 =	vand.u32 $0x1, v49  }
0x140: {  	v37 =	vcvt.s32.f32 v53;
	v29 =	vadd.f32 v36, v29;
	v36 =	vand.u32 $0x1, v50  }
0x141: {  	v35 =	vand.u32 $0xFFFF0000, v35;
	v31 =	vadd.s32 v38, v31;
	v51 =	vadd.s32 v36, v48  }
0x142: {  	v54 =	vmul.f32 v37, v27;
	v29 =	vadd.f32 v29, v34;
	v34 =	vadd.s32 $0x7FFF, v51  }
0x143: {  	v35 =	vmul.f32 v35, v24;
	v37 =	vcvt.s32.f32 v56;
	v34 =	vand.u32 $0xFFFF0000, v34  }
0x144: {  	v55 =	vshrl.u32 v54, $0x10;
	v36 =	vand.u32 $0x1, v52;
	v34 =	vmul.f32 v34, v20  }
0x145: {  	v58 =	vmul.f32 v37, v27;
	v30 =	vadd.s32 v36, v30;
	v36 =	vand.u32 $0x1, v57  }
0x146: {  	v30 =	vadd.s32 $0x7FFF, v30;
	v29 =	vadd.f32 v34, v29;
	v34 =	vand.u32 $0x1, v55  }
0x147: {  	v33 =	vadd.s32 v36, v33;
	v30 =	vand.u32 $0xFFFF0000, v30;
	v34 =	vadd.s32 v34, v54  }
0x148: {  	v33 =	vadd.s32 $0x7FFF, v33;
	v30 =	vmul.f32 v30, v21;
	v34 =	vadd.s32 $0x7FFF, v34  }
0x149: {  	v60 =	vshrl.u32 v58, $0x10;
	v33 =	vand.u32 $0xFFFF0000, v33;
	v59 =	vand.u32 $0xFFFF0000, v34  }
0x14a: {  	v29 =	vadd.f32 v29, v30;
	v34 =	vand.u32 $0x1, v60;
	v30 =	vmul.f32 v59, v22  }
0x14b: {  	v31 =	vadd.s32 $0x7FFF, v31;
	v33 =	vmul.f32 v33, v23;
	v61 =	vadd.s32 v34, v58  }
0x14c: {  	v34 =	vand.u32 $0x1, v62;
	v29 =	vadd.f32 v30, v29;
	v30 =	vadd.s32 $0x7FFF, v61  }
0x14d: {  	v31 =	vand.u32 $0xFFFF0000, v31;
	v28 =	vadd.s32 v34, v28;
	v30 =	vand.u32 $0xFFFF0000, v30  }
0x14e: {  	s20 =	sadd.s32 $0x1, s20;
	v28 =	vadd.s32 $0x7FFF, v28;
	v29 =	vadd.f32 v29, v33;
	v30 =	vmul.f32 v30, v24  }
0x14f: {  	p0 =	sne.s32 s20, $0x4;
	v32 =	vadd.f32 v35, v32;
	v31 =	vmul.f32 v31, v25;
	v28 =	vand.u32 $0xFFFF0000, v28  }
.Ltmp3:
0x150: {  	v28 =	vmul.f32 v28, v25;
	v29 =	vadd.f32 v30, v29;
	(pc) =	sbr.rel @p0 .LBB2_6-.Ltmp3, $4  }
0x151: {  	v63 =	vadd.f32 v32, v31  }
0x152: {  	v28 =	vadd.f32 v29, v28  }
0x153: {  	[tilespmem:s21+$0x11500] =	vst v63  }
0x154: {  	[tilespmem:s21+$0x11510] =	vst v28  }
0x155: {  	_ =	swait.ge [sflag:s14], $0x8000  }
0x156: {  	[sflag:s14] =	ssyncset.done $0x0  }
0x157: {  	s19 =	simm.s32 $0x0;
	s20 =	simm.s32 $0x0;
	[sflag:s14] =	ssyncadd.s32 $0xFFFF8000  }
0x158: {  	[tilespmem:s15], [sflag:$0x2] =	stream.linear.gather [hbm4b:s8+s19], $0x8000, $0x38;
	[tilespmem:$0x11680] =	vst v63  }
.LBB2_10:
0x159: {  	s21 =	sshll.u32 s20, $0x5  }
0x15a: {  	v29 =	vadd.s32 s19, v10;
	v28 =	vmov s21  }
0x15b: {  	v30 =	vadd.s32 s19, v15;
	vm0 =	vgt.u32 v29, $0xC7;
	v28 =	vshll.u32 v28, $0x8  }
0x15c: {  	v29 =	vsel vm0, v30, v29;
	v28 =	vor.u32 v13, v28  }
0x15d: {  	v30 =	vshll.u32 v29, $0x3;
	v28 =	vand.u32 $0x6800, v28  }
0x15e: {  	s22 =	sor.u32 $0x10, s21;
	v30 =	vand.u32 $0xFFFFFC00, v30;
	v28 =	vor.u32 v14, v28  }
0x15f: {  	v32 =	vmov s22;
	v31 =	vand.u32 $0x7F, v29;
	v29 =	vadd.s32 v28, v30  }
0x160: {  	v33 =	vor.u32 v31, v29;
	v29 =	vshll.u32 v32, $0x8  }
0x161: {  	v29 =	vor.u32 v13, v29  }
0x162: {  	v29 =	vand.u32 $0x7FFFF800, v29  }
0x163: {  	v29 =	vor.u32 v14, v29  }
0x164: {  	v30 =	vadd.s32 v29, v30  }
0x165: {  	s30 =	simm.s32 $0x1;
	v59 =	vld.idx.msk [tilespmem:v33+s3+$0x0], $0xffff;
	v30 =	vor.u32 v31, v30  }
0x166: {  	v31 =	vadd.s32 s30, v10  }
0x167: {  	v60 =	vadd.s32 s30, v15;
	vm0 =	vgt.u32 v31, $0xC7  }
0x168: {  	v31 =	vsel vm0, v60, v31  }
0x169: {  	v33 =	vshll.u32 v31, $0x3  }
0x16a: {  	v33 =	vand.u32 $0xFFFFFC00, v33;
	v32 =	vmul.u32 $0x5, v59;
	v30 =	vld.idx.msk [tilespmem:v30+s3+$0x0], $0xffff  }
0x16b: {  	v31 =	vand.u32 $0x7F, v31;
	v34 =	vadd.s32 v28, v33  }
0x16c: {  	v33 =	vadd.s32 v29, v33;
	v34 =	vor.u32 v31, v34  }
0x16d: {  	v31 =	vor.u32 v31, v33  }
0x16e: {  	v36 =	vadd.s32 $0x1, v32  }
0x16f: {  	s31 =	simm.s32 $0x2;
	v61 =	vadd.s32 $0x2, v32;
	v30 =	vmul.u32 $0x5, v30  }
0x170: {  	v35 =	vimm.s32 $0x80008000;
	v41 =	vimm.s32 $0x80008000;
	v62 =	vadd.s32 s31, v10;
	v45 =	vld.idx.msk [tilespmem:v32+s11+$0x0], $0xffff  }
0x171: {  	v63 =	vadd.s32 s31, v15;
	vm0 =	vgt.u32 v62, $0xC7;
	v37 =	vadd.s32 $0x4, v32;
	v50 =	vld.idx.msk [tilespmem:v34+s3+$0x0], $0xffff  }
0x172: {  	v39 =	vimm.s32 $0x80008000;
	v52 =	vsel vm0, v63, v62;
	v49 =	vadd.s32 $0x3, v32;
	v51 =	vld.idx.msk [tilespmem:v31+s3+$0x0], $0xffff  }
0x173: {  	v33 =	vimm.s32 $0x80008000;
	v32 =	vimm.s32 $0x80008000;
	v46 =	vadd.s32 $0x1, v30;
	v44 =	vld.idx.msk [tilespmem:v36+s11+$0x0], $0xffff  }
0x174: {  	v31 =	vimm.s32 $0x80008000;
	v34 =	vimm.s32 $0x80008000;
	v47 =	vadd.s32 $0x4, v30;
	v38 =	vld.idx.msk [tilespmem:v61+s11+$0x0], $0xffff  }
0x175: {  	v42 =	vadd.s32 $0x2, v30;
	v43 =	vadd.s32 $0x3, v30;
	v36 =	vimm.s32 $0x80008000;
	v48 =	vld.idx.msk [tilespmem:v30+s11+$0x0], $0xffff  }
0x176: {  	s22 =	simm.s32 $0x3;
	v40 =	vld.idx.msk [tilespmem:v37+s11+$0x0], $0xffff;
	v37 =	vimm.s32 $0x80008000;
	vm0 =	vgt.s16 v35, v45;
	v30 =	vimm.s32 $0x80008000  }
.LBB2_11:
0x177: {  	p0 =	sne.s32 s22, $0xC7;
	v53 =	vand.u32 $0x7F, v52;
	v52 =	vshll.u32 v52, $0x3;
	v35 =	vsel vm0, v35, v45;
	v54 =	vld.idx.msk [tilespmem:v49+s11+$0x0], $0xffff;
	s23 =	smov.u32 s22;
	s22 =	sadd.s32 $0x1, s22  }
0x178: {  	v50 =	vmul.u32 $0x5, v50;
	vm0 =	vgt.s16 v41, v44;
	v45 =	vand.u32 $0xFFFFFC00, v52;
	v52 =	vld.idx.msk [tilespmem:v46+s11+$0x0], $0xffff  }
0x179: {  	v55 =	vmul.u32 $0x5, v51;
	v46 =	vadd.s32 v28, v45;
	v45 =	vadd.s32 v29, v45;
	v51 =	vld.idx.msk [tilespmem:v47+s11+$0x0], $0xffff  }
0x17a: {  	vm1 =	vgt.s16 v39, v48;
	v56 =	vor.u32 v53, v46;
	v53 =	vor.u32 v53, v45;
	v57 =	vld.idx.msk [tilespmem:v42+s11+$0x0], $0xffff  }
0x17b: {  	v41 =	vsel vm0, v41, v44;
	v58 =	vadd.s32 $0x1, v50;
	v59 =	vadd.s32 $0x2, v50;
	v60 =	vld.idx.msk [tilespmem:v43+s11+$0x0], $0xffff  }
0x17c: {  	v49 =	vadd.s32 $0x3, v50;
	v61 =	vadd.s32 $0x4, v50;
	v39 =	vsel vm1, v39, v48  }
0x17d: {  	v46 =	vadd.s32 $0x1, v55;
	v42 =	vadd.s32 $0x2, v55;
	vm0 =	vgt.s16 v32, v38  }
0x17e: {  	v47 =	vadd.s32 $0x4, v55;
	vm1 =	vgt.s16 v31, v40;
	vm2 =	vgt.s16 v34, v52;
	v45 =	vld.idx.msk [tilespmem:v50+s11+$0x0], $0xffff  }
0x17f: {  	v43 =	vadd.s32 $0x3, v55;
	vm3 =	vgt.s16 v36, v54;
	vm4 =	vgt.s16 v37, v51;
	v50 =	vld.idx.msk [tilespmem:v56+s3+$0x0], $0xffff  }
.Ltmp4:
0x180: {  	v36 =	vsel vm3, v36, v54;
	v34 =	vsel vm2, v34, v52;
	v37 =	vsel vm4, v37, v51;
	v44 =	vld.idx.msk [tilespmem:v58+s11+$0x0], $0xffff;
	(pc) =	sbr.rel @p0 .LBB2_11-.Ltmp4, $4  }
0x181: {  	v32 =	vsel vm0, v32, v38;
	v31 =	vsel vm1, v31, v40;
	vm0 =	vgt.s16 v33, v60;
	v51 =	vld.idx.msk [tilespmem:v53+s3+$0x0], $0xffff  }
0x182: {  	v40 =	vadd.s32 s23, v10;
	vm1 =	vgt.s16 v30, v57;
	v33 =	vsel vm0, v33, v60;
	v48 =	vld.idx.msk [tilespmem:v55+s11+$0x0], $0xffff  }
0x183: {  	v52 =	vadd.s32 s23, v15;
	v30 =	vsel vm1, v30, v57;
	vm0 =	vgt.u32 v40, $0xC7;
	v38 =	vld.idx.msk [tilespmem:v59+s11+$0x0], $0xffff  }
0x184: {  	v52 =	vsel vm0, v52, v40;
	vm0 =	vgt.s16 v35, v45;
	v40 =	vld.idx.msk [tilespmem:v61+s11+$0x0], $0xffff  }
0x185: {  	_ =	sdelay $0x1  }
0x186: {  	v53 =	vshll.u32 v52, $0x3  }
0x187: {  	v50 =	vmul.u32 $0x5, v50;
	v53 =	vand.u32 $0xFFFFFC00, v53  }
0x188: {  	v58 =	vand.u32 $0x7F, v52;
	v49 =	vld.idx.msk [tilespmem:v49+s11+$0x0], $0xffff;
	v28 =	vadd.s32 v28, v53  }
0x189: {  	v46 =	vld.idx.msk [tilespmem:v46+s11+$0x0], $0xffff;
	v29 =	vadd.s32 v29, v53;
	v28 =	vor.u32 v58, v28  }
0x18a: {  	v47 =	vld.idx.msk [tilespmem:v47+s11+$0x0], $0xffff;
	v29 =	vor.u32 v58, v29  }
0x18b: {  	v42 =	vld.idx.msk [tilespmem:v42+s11+$0x0], $0xffff;
	v51 =	vmul.u32 $0x5, v51;
	v59 =	vadd.s32 $0x1, v50  }
0x18c: {  	v43 =	vld.idx.msk [tilespmem:v43+s11+$0x0], $0xffff  }
0x18d: {  	v35 =	vsel vm0, v35, v45;
	v45 =	vadd.s32 $0x2, v50;
	v60 =	vld.idx.msk [tilespmem:v50+s11+$0x0], $0xffff  }
0x18e: {  	v63 =	vadd.s32 $0x4, v50;
	v28 =	vld.idx.msk [tilespmem:v28+s3+$0x0], $0xffff  }
0x18f: {  	v62 =	vadd.s32 $0x3, v50;
	v29 =	vld.idx.msk [tilespmem:v29+s3+$0x0], $0xffff  }
0x190: {  	vm13 =	vgt.s16 v41, v44;
	v61 =	vadd.s32 $0x1, v51;
	v53 =	vld.idx.msk [tilespmem:v59+s11+$0x0], $0xffff  }
0x191: {  	v54 =	vadd.s32 $0x2, v51;
	v55 =	vadd.s32 $0x4, v51;
	v56 =	vadd.s32 $0x3, v51;
	v51 =	vld.idx.msk [tilespmem:v51+s11+$0x0], $0xffff  }
0x192: {  	v41 =	vsel vm13, v41, v44;
	vm14 =	vgt.s16 v32, v38;
	v45 =	vld.idx.msk [tilespmem:v45+s11+$0x0], $0xffff  }
0x193: {  	vm15 =	vgt.s16 v31, v40;
	v32 =	vsel vm14, v32, v38;
	v38 =	vld.idx.msk [tilespmem:v63+s11+$0x0], $0xffff;
	v28 =	vmul.u32 $0x5, v28  }
0x194: {  	vm8 =	vgt.s16 v33, v43;
	v31 =	vsel vm15, v31, v40;
	v40 =	vld.idx.msk [tilespmem:v62+s11+$0x0], $0xffff;
	v29 =	vmul.u32 $0x5, v29  }
0x195: {  	vm1 =	vgt.s16 v39, v48;
	vm9 =	vgt.s16 v30, v42;
	v33 =	vsel vm8, v33, v43;
	v43 =	vld.idx.msk [tilespmem:v61+s11+$0x0], $0xffff  }
0x196: {  	v39 =	vsel vm1, v39, v48;
	v30 =	vsel vm9, v30, v42;
	v42 =	vld.idx.msk [tilespmem:v55+s11+$0x0], $0xffff;
	v44 =	vadd.s32 $0x1, v28  }
0x197: {  	vm2 =	vgt.s16 v34, v46;
	vm3 =	vgt.s16 v36, v49;
	v57 =	vld.idx.msk [tilespmem:v54+s11+$0x0], $0xffff;
	v62 =	vadd.s32 $0x2, v28  }
0x198: {  	vm4 =	vgt.s16 v37, v47;
	v59 =	vld.idx.msk [tilespmem:v56+s11+$0x0], $0xffff;
	vm10 =	vgt.s16 v35, v60;
	v58 =	vadd.s32 $0x3, v28  }
0x199: {  	v36 =	vsel vm3, v36, v49;
	v35 =	vsel vm10, v35, v60;
	v61 =	vadd.s32 $0x4, v29;
	v63 =	vld.idx.msk [tilespmem:v28+s11+$0x0], $0xffff  }
0x19a: {  	v60 =	vadd.s32 $0x1, v29;
	v52 =	vadd.s32 $0x2, v29;
	v54 =	vadd.s32 $0x3, v29;
	v29 =	vld.idx.msk [tilespmem:v29+s11+$0x0], $0xffff  }
0x19b: {  	v34 =	vsel vm2, v34, v46;
	v37 =	vsel vm4, v37, v47;
	vm11 =	vgt.s16 v41, v53;
	v44 =	vld.idx.msk [tilespmem:v44+s11+$0x0], $0xffff  }
0x19c: {  	vm12 =	vgt.s16 v39, v51;
	vm13 =	vgt.s16 v32, v45;
	vm14 =	vgt.s16 v31, v38;
	v62 =	vld.idx.msk [tilespmem:v62+s11+$0x0], $0xffff  }
0x19d: {  	vm3 =	vgt.s16 v36, v40;
	v39 =	vsel vm12, v39, v51;
	v28 =	vadd.s32 $0x4, v28;
	v51 =	vld.idx.msk [tilespmem:v58+s11+$0x0], $0xffff  }
0x19e: {  	v41 =	vsel vm11, v41, v53;
	vm2 =	vgt.s16 v34, v43;
	vm4 =	vgt.s16 v37, v42;
	v55 =	vld.idx.msk [tilespmem:v61+s11+$0x0], $0xffff  }
0x19f: {  	v36 =	vsel vm3, v36, v40;
	v32 =	vsel vm13, v32, v45;
	v31 =	vsel vm14, v31, v38;
	v50 =	vld.idx.msk [tilespmem:v54+s11+$0x0], $0xffff  }
0x1a0: {  	vm5 =	vgt.s16 v33, v59;
	vm6 =	vgt.s16 v30, v57;
	v34 =	vsel vm2, v34, v43;
	v53 =	vld.idx.msk [tilespmem:v52+s11+$0x0], $0xffff  }
0x1a1: {  	v37 =	vsel vm4, v37, v42;
	v33 =	vsel vm5, v33, v59;
	vm15 =	vgt.s16 v35, v63  }
0x1a2: {  	v30 =	vsel vm6, v30, v57;
	v42 =	vld.idx.msk [tilespmem:v28+s11+$0x0], $0xffff;
	vm8 =	vgt.s16 v39, v29;
	v28 =	vsel vm15, v35, v63  }
0x1a3: {  	vm7 =	vgt.s16 v41, v44;
	v29 =	vsel vm8, v39, v29;
	vm9 =	vgt.s16 v32, v62  }
0x1a4: {  	vm12 =	vgt.s16 v36, v51;
	vm13 =	vgt.s16 v37, v55;
	vm14 =	vgt.s16 v33, v50  }
0x1a5: {  	vm15 =	vgt.s16 v30, v53;
	v47 =	vunpack.i.l.s16.s32 v28;
	v41 =	vsel vm7, v41, v44  }
0x1a6: {  	v28 =	vunpack.i.u.s16.s32 v28;
	v36 =	vsel vm12, v36, v51;
	v32 =	vsel vm9, v32, v62  }
0x1a7: {  	v33 =	vsel vm14, v33, v50;
	v30 =	vsel vm15, v30, v53;
	v38 =	vcvt.s32.f32 v47  }
0x1a8: {  	v28 =	vcvt.s32.f32 v28;
	v58 =	vunpack.i.l.s16.s32 v41;
	v59 =	vunpack.i.u.s16.s32 v41  }
0x1a9: {  	v40 =	vunpack.i.l.s16.s32 v32;
	v32 =	vunpack.i.u.s16.s32 v32;
	v48 =	vunpack.i.l.s16.s32 v36  }
0x1aa: {  	v36 =	vunpack.i.u.s16.s32 v36;
	v45 =	vunpack.i.l.s16.s32 v30;
	v30 =	vunpack.i.u.s16.s32 v30  }
0x1ab: {  	v63 =	vld.idx.msk [tilespmem:v60+s11+$0x0], $0xffff;
	v53 =	vunpack.i.l.s16.s32 v33;
	v43 =	vcvt.s32.f32 v58;
	v40 =	vcvt.s32.f32 v40  }
0x1ac: {  	v33 =	vunpack.i.u.s16.s32 v33;
	v32 =	vcvt.s32.f32 v32;
	v36 =	vcvt.s32.f32 v36  }
0x1ad: {  	v58 =	vunpack.i.l.s16.s32 v29;
	v30 =	vcvt.s32.f32 v30;
	v33 =	vcvt.s32.f32 v33  }
0x1ae: {  	v29 =	vunpack.i.u.s16.s32 v29;
	v38 =	vmul.f32 v38, v27;
	v28 =	vmul.f32 v28, v27  }
0x1af: {  	vm10 =	vgt.s16 v31, v42;
	v29 =	vcvt.s32.f32 v29;
	v60 =	vmul.f32 v43, v27  }
0x1b0: {  	vm11 =	vgt.s16 v34, v63;
	v46 =	vmul.f32 v40, v27;
	v32 =	vmul.f32 v32, v27  }
0x1b1: {  	v31 =	vsel vm10, v31, v42;
	v36 =	vmul.f32 v36, v27;
	v30 =	vmul.f32 v30, v27  }
0x1b2: {  	v33 =	vmul.f32 v33, v27;
	v56 =	vshrl.u32 v38, $0x10;
	v57 =	vshrl.u32 v28, $0x10  }
0x1b3: {  	v34 =	vsel vm11, v34, v63;
	v29 =	vmul.f32 v29, v27;
	v39 =	vand.u32 $0x1, v56  }
0x1b4: {  	v62 =	vshrl.u32 v60, $0x10;
	v40 =	vshrl.u32 v46, $0x10;
	v49 =	vshrl.u32 v32, $0x10  }
0x1b5: {  	v54 =	vshrl.u32 v36, $0x10;
	v52 =	vshrl.u32 v30, $0x10;
	v38 =	vadd.s32 v39, v38  }
0x1b6: {  	v39 =	vand.u32 $0x1, v57;
	v40 =	vand.u32 $0x1, v40;
	v57 =	vunpack.i.l.s16.s32 v31  }
0x1b7: {  	v31 =	vunpack.i.u.s16.s32 v31;
	v38 =	vadd.s32 $0x7FFF, v38;
	v28 =	vadd.s32 v39, v28  }
0x1b8: {  	v39 =	vcvt.s32.f32 v59;
	v47 =	vadd.s32 v40, v46;
	v31 =	vcvt.s32.f32 v31  }
0x1b9: {  	v40 =	vunpack.i.l.s16.s32 v34;
	v34 =	vunpack.i.u.s16.s32 v34;
	v46 =	vcvt.s32.f32 v45  }
0x1ba: {  	v38 =	vand.u32 $0xFFFF0000, v38;
	v28 =	vadd.s32 $0x7FFF, v28;
	v34 =	vcvt.s32.f32 v34  }
0x1bb: {  	v38 =	vmul.f32 v38, v16;
	v28 =	vand.u32 $0xFFFF0000, v28;
	v39 =	vmul.f32 v39, v27  }
0x1bc: {  	v41 =	vshrl.u32 v29, $0x10;
	v31 =	vmul.f32 v31, v27;
	v28 =	vmul.f32 v28, v17  }
0x1bd: {  	v61 =	vadd.f32 v38, v26;
	v38 =	vand.u32 $0x1, v62;
	v63 =	vshrl.u32 v39, $0x10  }
0x1be: {  	v34 =	vmul.f32 v34, v27;
	v38 =	vadd.s32 v38, v60;
	v44 =	vand.u32 $0x1, v63  }
0x1bf: {  	v28 =	vadd.f32 v61, v28;
	v43 =	vadd.s32 $0x7FFF, v38;
	v38 =	vadd.s32 v44, v39  }
0x1c0: {  	v39 =	vand.u32 $0x1, v49;
	v49 =	vshrl.u32 v31, $0x10;
	v35 =	vand.u32 $0xFFFF0000, v43  }
0x1c1: {  	v38 =	vadd.s32 $0x7FFF, v38;
	v32 =	vadd.s32 v39, v32;
	v35 =	vmul.f32 v35, v18  }
0x1c2: {  	v43 =	vshrl.u32 v34, $0x10;
	v38 =	vand.u32 $0xFFFF0000, v38;
	v32 =	vadd.s32 $0x7FFF, v32  }
0x1c3: {  	v44 =	vand.u32 $0x1, v43;
	v38 =	vmul.f32 v38, v19;
	v35 =	vadd.f32 v35, v28  }
0x1c4: {  	v32 =	vand.u32 $0xFFFF0000, v32;
	v34 =	vadd.s32 v44, v34;
	v28 =	vsel vm13, v37, v55  }
0x1c5: {  	v37 =	vadd.s32 $0x7FFF, v47;
	v35 =	vadd.f32 v35, v38;
	v38 =	vcvt.s32.f32 v48  }
0x1c6: {  	v32 =	vmul.f32 v32, v21;
	v55 =	vand.u32 $0x1, v54;
	v34 =	vadd.s32 $0x7FFF, v34  }
0x1c7: {  	v37 =	vand.u32 $0xFFFF0000, v37;
	v36 =	vadd.s32 v55, v36;
	v38 =	vmul.f32 v38, v27  }
0x1c8: {  	v34 =	vand.u32 $0xFFFF0000, v34;
	v37 =	vmul.f32 v37, v20;
	v36 =	vadd.s32 $0x7FFF, v36  }
0x1c9: {  	v48 =	vmul.f32 v46, v27;
	v34 =	vmul.f32 v34, v19;
	v51 =	vshrl.u32 v38, $0x10  }
0x1ca: {  	v36 =	vand.u32 $0xFFFF0000, v36;
	v35 =	vadd.f32 v37, v35;
	v37 =	vand.u32 $0x1, v51  }
0x1cb: {  	v59 =	vmul.f32 v36, v23;
	v37 =	vadd.s32 v37, v38;
	v38 =	vcvt.s32.f32 v58  }
0x1cc: {  	v50 =	vshrl.u32 v48, $0x10;
	v32 =	vadd.f32 v35, v32;
	v56 =	vadd.s32 $0x7FFF, v37  }
0x1cd: {  	v37 =	vcvt.s32.f32 v57;
	v35 =	vand.u32 $0xFFFF0000, v56;
	v61 =	vmul.f32 v38, v27  }
0x1ce: {  	v56 =	vunpack.i.l.s16.s32 v28;
	v28 =	vunpack.i.u.s16.s32 v28;
	v35 =	vmul.f32 v35, v22  }
0x1cf: {  	v60 =	vmul.f32 v37, v27;
	v37 =	vcvt.s32.f32 v40;
	v38 =	vshrl.u32 v61, $0x10  }
0x1d0: {  	v57 =	vshrl.u32 v33, $0x10;
	v28 =	vcvt.s32.f32 v28;
	v63 =	vand.u32 $0x1, v38  }
0x1d1: {  	v32 =	vadd.f32 v35, v32;
	v37 =	vmul.f32 v37, v27;
	v36 =	vadd.s32 v63, v61  }
0x1d2: {  	v62 =	vshrl.u32 v60, $0x10;
	v38 =	vand.u32 $0x1, v41;
	v36 =	vadd.s32 $0x7FFF, v36  }
0x1d3: {  	v29 =	vadd.s32 v38, v29;
	v42 =	vshrl.u32 v37, $0x10;
	v36 =	vand.u32 $0xFFFF0000, v36  }
0x1d4: {  	v29 =	vadd.s32 $0x7FFF, v29;
	v38 =	vand.u32 $0x1, v42;
	v36 =	vmul.f32 v36, v16  }
0x1d5: {  	v28 =	vmul.f32 v28, v27;
	v29 =	vand.u32 $0xFFFF0000, v29;
	v37 =	vadd.s32 v38, v37  }
0x1d6: {  	v29 =	vmul.f32 v29, v17;
	v37 =	vadd.s32 $0x7FFF, v37;
	v36 =	vadd.f32 v36, v26  }
0x1d7: {  	v35 =	vand.u32 $0x1, v62;
	v32 =	vadd.f32 v32, v59;
	v47 =	vand.u32 $0xFFFF0000, v37  }
0x1d8: {  	v35 =	vadd.s32 v35, v60;
	v29 =	vadd.f32 v36, v29;
	v36 =	vmul.f32 v47, v18  }
0x1d9: {  	v62 =	vshrl.u32 v28, $0x10;
	v35 =	vadd.s32 $0x7FFF, v35;
	v38 =	vand.u32 $0x1, v49  }
0x1da: {  	v37 =	vcvt.s32.f32 v53;
	v29 =	vadd.f32 v36, v29;
	v36 =	vand.u32 $0x1, v50  }
0x1db: {  	v35 =	vand.u32 $0xFFFF0000, v35;
	v31 =	vadd.s32 v38, v31;
	v51 =	vadd.s32 v36, v48  }
0x1dc: {  	v54 =	vmul.f32 v37, v27;
	v29 =	vadd.f32 v29, v34;
	v34 =	vadd.s32 $0x7FFF, v51  }
0x1dd: {  	v35 =	vmul.f32 v35, v24;
	v37 =	vcvt.s32.f32 v56;
	v34 =	vand.u32 $0xFFFF0000, v34  }
0x1de: {  	v55 =	vshrl.u32 v54, $0x10;
	v36 =	vand.u32 $0x1, v52;
	v34 =	vmul.f32 v34, v20  }
0x1df: {  	v58 =	vmul.f32 v37, v27;
	v30 =	vadd.s32 v36, v30;
	v36 =	vand.u32 $0x1, v57  }
0x1e0: {  	v30 =	vadd.s32 $0x7FFF, v30;
	v29 =	vadd.f32 v34, v29;
	v34 =	vand.u32 $0x1, v55  }
0x1e1: {  	v33 =	vadd.s32 v36, v33;
	v30 =	vand.u32 $0xFFFF0000, v30;
	v34 =	vadd.s32 v34, v54  }
0x1e2: {  	v33 =	vadd.s32 $0x7FFF, v33;
	v30 =	vmul.f32 v30, v21;
	v34 =	vadd.s32 $0x7FFF, v34  }
0x1e3: {  	v60 =	vshrl.u32 v58, $0x10;
	v33 =	vand.u32 $0xFFFF0000, v33;
	v59 =	vand.u32 $0xFFFF0000, v34  }
0x1e4: {  	v29 =	vadd.f32 v29, v30;
	v34 =	vand.u32 $0x1, v60;
	v30 =	vmul.f32 v59, v22  }
0x1e5: {  	v31 =	vadd.s32 $0x7FFF, v31;
	v33 =	vmul.f32 v33, v23;
	v61 =	vadd.s32 v34, v58  }
0x1e6: {  	v34 =	vand.u32 $0x1, v62;
	v29 =	vadd.f32 v30, v29;
	v30 =	vadd.s32 $0x7FFF, v61  }
0x1e7: {  	v31 =	vand.u32 $0xFFFF0000, v31;
	v28 =	vadd.s32 v34, v28;
	v30 =	vand.u32 $0xFFFF0000, v30  }
0x1e8: {  	s20 =	sadd.s32 $0x1, s20;
	v28 =	vadd.s32 $0x7FFF, v28;
	v29 =	vadd.f32 v29, v33;
	v30 =	vmul.f32 v30, v24  }
0x1e9: {  	p0 =	sne.s32 s20, $0x4;
	v32 =	vadd.f32 v35, v32;
	v31 =	vmul.f32 v31, v25;
	v28 =	vand.u32 $0xFFFF0000, v28  }
.Ltmp5:
0x1ea: {  	v28 =	vmul.f32 v28, v25;
	v29 =	vadd.f32 v30, v29;
	(pc) =	sbr.rel @p0 .LBB2_10-.Ltmp5, $4  }
0x1eb: {  	v63 =	vadd.f32 v32, v31  }
0x1ec: {  	v28 =	vadd.f32 v29, v28  }
0x1ed: {  	[tilespmem:s21+$0x11580] =	vst v63  }
0x1ee: {  	[tilespmem:s21+$0x11590] =	vst v28  }
0x1ef: {  	_ =	swait.ge [sflag:s16], $0x8000  }
0x1f0: {  	[sflag:s16] =	ssyncset.done $0x0  }
0x1f1: {  	s19 =	simm.s32 $0x0;
	s20 =	simm.s32 $0x0;
	[sflag:s16] =	ssyncadd.s32 $0xFFFF8000  }
.LBB2_14:
0x1f2: {  	s21 =	sshll.u32 s20, $0x5  }
0x1f3: {  	v29 =	vadd.s32 s19, v10;
	v28 =	vmov s21  }
0x1f4: {  	v30 =	vadd.s32 s19, v15;
	vm0 =	vgt.u32 v29, $0xC7;
	v28 =	vshll.u32 v28, $0x8  }
0x1f5: {  	v29 =	vsel vm0, v30, v29;
	v28 =	vor.u32 v13, v28  }
0x1f6: {  	v30 =	vshll.u32 v29, $0x3;
	v28 =	vand.u32 $0x6800, v28  }
0x1f7: {  	s22 =	sor.u32 $0x10, s21;
	v30 =	vand.u32 $0xFFFFFC00, v30;
	v28 =	vor.u32 v14, v28  }
0x1f8: {  	v32 =	vmov s22;
	v31 =	vand.u32 $0x7F, v29;
	v29 =	vadd.s32 v28, v30  }
0x1f9: {  	v33 =	vor.u32 v31, v29;
	v29 =	vshll.u32 v32, $0x8  }
0x1fa: {  	v29 =	vor.u32 v13, v29  }
0x1fb: {  	v29 =	vand.u32 $0x7FFFF800, v29  }
0x1fc: {  	v29 =	vor.u32 v14, v29  }
0x1fd: {  	v30 =	vadd.s32 v29, v30  }
0x1fe: {  	s30 =	simm.s32 $0x1;
	v59 =	vld.idx.msk [tilespmem:v33+s15+$0x0], $0xffff;
	v30 =	vor.u32 v31, v30  }
0x1ff: {  	v31 =	vadd.s32 s30, v10  }
0x200: {  	v60 =	vadd.s32 s30, v15;
	vm0 =	vgt.u32 v31, $0xC7  }
0x201: {  	v31 =	vsel vm0, v60, v31  }
0x202: {  	v33 =	vshll.u32 v31, $0x3  }
0x203: {  	v33 =	vand.u32 $0xFFFFFC00, v33;
	v32 =	vmul.u32 $0x5, v59;
	v30 =	vld.idx.msk [tilespmem:v30+s15+$0x0], $0xffff  }
0x204: {  	v31 =	vand.u32 $0x7F, v31;
	v34 =	vadd.s32 v28, v33  }
0x205: {  	v33 =	vadd.s32 v29, v33;
	v34 =	vor.u32 v31, v34  }
0x206: {  	v31 =	vor.u32 v31, v33  }
0x207: {  	v36 =	vadd.s32 $0x1, v32  }
0x208: {  	s31 =	simm.s32 $0x2;
	v61 =	vadd.s32 $0x2, v32;
	v30 =	vmul.u32 $0x5, v30  }
0x209: {  	v35 =	vimm.s32 $0x80008000;
	v41 =	vimm.s32 $0x80008000;
	v62 =	vadd.s32 s31, v10;
	v45 =	vld.idx.msk [tilespmem:v32+s11+$0x0], $0xffff  }
0x20a: {  	v63 =	vadd.s32 s31, v15;
	vm0 =	vgt.u32 v62, $0xC7;
	v37 =	vadd.s32 $0x4, v32;
	v50 =	vld.idx.msk [tilespmem:v34+s15+$0x0], $0xffff  }
0x20b: {  	v39 =	vimm.s32 $0x80008000;
	v52 =	vsel vm0, v63, v62;
	v49 =	vadd.s32 $0x3, v32;
	v51 =	vld.idx.msk [tilespmem:v31+s15+$0x0], $0xffff  }
0x20c: {  	v33 =	vimm.s32 $0x80008000;
	v32 =	vimm.s32 $0x80008000;
	v46 =	vadd.s32 $0x1, v30;
	v44 =	vld.idx.msk [tilespmem:v36+s11+$0x0], $0xffff  }
0x20d: {  	v31 =	vimm.s32 $0x80008000;
	v34 =	vimm.s32 $0x80008000;
	v47 =	vadd.s32 $0x4, v30;
	v38 =	vld.idx.msk [tilespmem:v61+s11+$0x0], $0xffff  }
0x20e: {  	v42 =	vadd.s32 $0x2, v30;
	v43 =	vadd.s32 $0x3, v30;
	v36 =	vimm.s32 $0x80008000;
	v48 =	vld.idx.msk [tilespmem:v30+s11+$0x0], $0xffff  }
0x20f: {  	s22 =	simm.s32 $0x3;
	v40 =	vld.idx.msk [tilespmem:v37+s11+$0x0], $0xffff;
	v37 =	vimm.s32 $0x80008000;
	vm0 =	vgt.s16 v35, v45;
	v30 =	vimm.s32 $0x80008000  }
.LBB2_15:
0x210: {  	p0 =	sne.s32 s22, $0xC7;
	v53 =	vand.u32 $0x7F, v52;
	v52 =	vshll.u32 v52, $0x3;
	v35 =	vsel vm0, v35, v45;
	v54 =	vld.idx.msk [tilespmem:v49+s11+$0x0], $0xffff;
	s23 =	smov.u32 s22;
	s22 =	sadd.s32 $0x1, s22  }
0x211: {  	v50 =	vmul.u32 $0x5, v50;
	vm0 =	vgt.s16 v41, v44;
	v45 =	vand.u32 $0xFFFFFC00, v52;
	v52 =	vld.idx.msk [tilespmem:v46+s11+$0x0], $0xffff  }
0x212: {  	v55 =	vmul.u32 $0x5, v51;
	v46 =	vadd.s32 v28, v45;
	v45 =	vadd.s32 v29, v45;
	v51 =	vld.idx.msk [tilespmem:v47+s11+$0x0], $0xffff  }
0x213: {  	vm1 =	vgt.s16 v39, v48;
	v56 =	vor.u32 v53, v46;
	v53 =	vor.u32 v53, v45;
	v57 =	vld.idx.msk [tilespmem:v42+s11+$0x0], $0xffff  }
0x214: {  	v41 =	vsel vm0, v41, v44;
	v58 =	vadd.s32 $0x1, v50;
	v59 =	vadd.s32 $0x2, v50;
	v60 =	vld.idx.msk [tilespmem:v43+s11+$0x0], $0xffff  }
0x215: {  	v49 =	vadd.s32 $0x3, v50;
	v61 =	vadd.s32 $0x4, v50;
	v39 =	vsel vm1, v39, v48  }
0x216: {  	v46 =	vadd.s32 $0x1, v55;
	v42 =	vadd.s32 $0x2, v55;
	vm0 =	vgt.s16 v32, v38  }
0x217: {  	v47 =	vadd.s32 $0x4, v55;
	vm1 =	vgt.s16 v31, v40;
	vm2 =	vgt.s16 v34, v52;
	v45 =	vld.idx.msk [tilespmem:v50+s11+$0x0], $0xffff  }
0x218: {  	v43 =	vadd.s32 $0x3, v55;
	vm3 =	vgt.s16 v36, v54;
	vm4 =	vgt.s16 v37, v51;
	v50 =	vld.idx.msk [tilespmem:v56+s15+$0x0], $0xffff  }
.Ltmp6:
0x219: {  	v36 =	vsel vm3, v36, v54;
	v34 =	vsel vm2, v34, v52;
	v37 =	vsel vm4, v37, v51;
	v44 =	vld.idx.msk [tilespmem:v58+s11+$0x0], $0xffff;
	(pc) =	sbr.rel @p0 .LBB2_15-.Ltmp6, $4  }
0x21a: {  	v32 =	vsel vm0, v32, v38;
	v31 =	vsel vm1, v31, v40;
	vm0 =	vgt.s16 v33, v60;
	v51 =	vld.idx.msk [tilespmem:v53+s15+$0x0], $0xffff  }
0x21b: {  	v40 =	vadd.s32 s23, v10;
	vm1 =	vgt.s16 v30, v57;
	v33 =	vsel vm0, v33, v60;
	v48 =	vld.idx.msk [tilespmem:v55+s11+$0x0], $0xffff  }
0x21c: {  	v52 =	vadd.s32 s23, v15;
	v30 =	vsel vm1, v30, v57;
	vm0 =	vgt.u32 v40, $0xC7;
	v38 =	vld.idx.msk [tilespmem:v59+s11+$0x0], $0xffff  }
0x21d: {  	v52 =	vsel vm0, v52, v40;
	vm0 =	vgt.s16 v35, v45;
	v40 =	vld.idx.msk [tilespmem:v61+s11+$0x0], $0xffff  }
0x21e: {  	_ =	sdelay $0x1  }
0x21f: {  	v53 =	vshll.u32 v52, $0x3  }
0x220: {  	v50 =	vmul.u32 $0x5, v50;
	v53 =	vand.u32 $0xFFFFFC00, v53  }
0x221: {  	v58 =	vand.u32 $0x7F, v52;
	v49 =	vld.idx.msk [tilespmem:v49+s11+$0x0], $0xffff;
	v28 =	vadd.s32 v28, v53  }
0x222: {  	v46 =	vld.idx.msk [tilespmem:v46+s11+$0x0], $0xffff;
	v29 =	vadd.s32 v29, v53;
	v28 =	vor.u32 v58, v28  }
0x223: {  	v47 =	vld.idx.msk [tilespmem:v47+s11+$0x0], $0xffff;
	v29 =	vor.u32 v58, v29  }
0x224: {  	v42 =	vld.idx.msk [tilespmem:v42+s11+$0x0], $0xffff;
	v51 =	vmul.u32 $0x5, v51;
	v59 =	vadd.s32 $0x1, v50  }
0x225: {  	v43 =	vld.idx.msk [tilespmem:v43+s11+$0x0], $0xffff  }
0x226: {  	v35 =	vsel vm0, v35, v45;
	v45 =	vadd.s32 $0x2, v50;
	v60 =	vld.idx.msk [tilespmem:v50+s11+$0x0], $0xffff  }
0x227: {  	v63 =	vadd.s32 $0x4, v50;
	v28 =	vld.idx.msk [tilespmem:v28+s15+$0x0], $0xffff  }
0x228: {  	v62 =	vadd.s32 $0x3, v50;
	v29 =	vld.idx.msk [tilespmem:v29+s15+$0x0], $0xffff  }
0x229: {  	vm13 =	vgt.s16 v41, v44;
	v61 =	vadd.s32 $0x1, v51;
	v53 =	vld.idx.msk [tilespmem:v59+s11+$0x0], $0xffff  }
0x22a: {  	v54 =	vadd.s32 $0x2, v51;
	v55 =	vadd.s32 $0x4, v51;
	v56 =	vadd.s32 $0x3, v51;
	v51 =	vld.idx.msk [tilespmem:v51+s11+$0x0], $0xffff  }
0x22b: {  	v41 =	vsel vm13, v41, v44;
	vm14 =	vgt.s16 v32, v38;
	v45 =	vld.idx.msk [tilespmem:v45+s11+$0x0], $0xffff  }
0x22c: {  	vm15 =	vgt.s16 v31, v40;
	v32 =	vsel vm14, v32, v38;
	v38 =	vld.idx.msk [tilespmem:v63+s11+$0x0], $0xffff;
	v28 =	vmul.u32 $0x5, v28  }
0x22d: {  	vm8 =	vgt.s16 v33, v43;
	v31 =	vsel vm15, v31, v40;
	v40 =	vld.idx.msk [tilespmem:v62+s11+$0x0], $0xffff;
	v29 =	vmul.u32 $0x5, v29  }
0x22e: {  	vm1 =	vgt.s16 v39, v48;
	vm9 =	vgt.s16 v30, v42;
	v33 =	vsel vm8, v33, v43;
	v43 =	vld.idx.msk [tilespmem:v61+s11+$0x0], $0xffff  }
0x22f: {  	v39 =	vsel vm1, v39, v48;
	v30 =	vsel vm9, v30, v42;
	v42 =	vld.idx.msk [tilespmem:v55+s11+$0x0], $0xffff;
	v44 =	vadd.s32 $0x1, v28  }
0x230: {  	vm2 =	vgt.s16 v34, v46;
	vm3 =	vgt.s16 v36, v49;
	v57 =	vld.idx.msk [tilespmem:v54+s11+$0x0], $0xffff;
	v62 =	vadd.s32 $0x2, v28  }
0x231: {  	vm4 =	vgt.s16 v37, v47;
	v59 =	vld.idx.msk [tilespmem:v56+s11+$0x0], $0xffff;
	vm10 =	vgt.s16 v35, v60;
	v58 =	vadd.s32 $0x3, v28  }
0x232: {  	v36 =	vsel vm3, v36, v49;
	v35 =	vsel vm10, v35, v60;
	v61 =	vadd.s32 $0x4, v29;
	v63 =	vld.idx.msk [tilespmem:v28+s11+$0x0], $0xffff  }
0x233: {  	v60 =	vadd.s32 $0x1, v29;
	v52 =	vadd.s32 $0x2, v29;
	v54 =	vadd.s32 $0x3, v29;
	v29 =	vld.idx.msk [tilespmem:v29+s11+$0x0], $0xffff  }
0x234: {  	v34 =	vsel vm2, v34, v46;
	v37 =	vsel vm4, v37, v47;
	vm11 =	vgt.s16 v41, v53;
	v44 =	vld.idx.msk [tilespmem:v44+s11+$0x0], $0xffff  }
0x235: {  	vm12 =	vgt.s16 v39, v51;
	vm13 =	vgt.s16 v32, v45;
	vm14 =	vgt.s16 v31, v38;
	v62 =	vld.idx.msk [tilespmem:v62+s11+$0x0], $0xffff  }
0x236: {  	vm3 =	vgt.s16 v36, v40;
	v39 =	vsel vm12, v39, v51;
	v28 =	vadd.s32 $0x4, v28;
	v51 =	vld.idx.msk [tilespmem:v58+s11+$0x0], $0xffff  }
0x237: {  	v41 =	vsel vm11, v41, v53;
	vm2 =	vgt.s16 v34, v43;
	vm4 =	vgt.s16 v37, v42;
	v55 =	vld.idx.msk [tilespmem:v61+s11+$0x0], $0xffff  }
0x238: {  	v36 =	vsel vm3, v36, v40;
	v32 =	vsel vm13, v32, v45;
	v31 =	vsel vm14, v31, v38;
	v50 =	vld.idx.msk [tilespmem:v54+s11+$0x0], $0xffff  }
0x239: {  	vm5 =	vgt.s16 v33, v59;
	vm6 =	vgt.s16 v30, v57;
	v34 =	vsel vm2, v34, v43;
	v53 =	vld.idx.msk [tilespmem:v52+s11+$0x0], $0xffff  }
0x23a: {  	v37 =	vsel vm4, v37, v42;
	v33 =	vsel vm5, v33, v59;
	vm15 =	vgt.s16 v35, v63  }
0x23b: {  	v30 =	vsel vm6, v30, v57;
	v42 =	vld.idx.msk [tilespmem:v28+s11+$0x0], $0xffff;
	vm8 =	vgt.s16 v39, v29;
	v28 =	vsel vm15, v35, v63  }
0x23c: {  	vm7 =	vgt.s16 v41, v44;
	v29 =	vsel vm8, v39, v29;
	vm9 =	vgt.s16 v32, v62  }
0x23d: {  	vm12 =	vgt.s16 v36, v51;
	vm13 =	vgt.s16 v37, v55;
	vm14 =	vgt.s16 v33, v50  }
0x23e: {  	vm15 =	vgt.s16 v30, v53;
	v47 =	vunpack.i.l.s16.s32 v28;
	v41 =	vsel vm7, v41, v44  }
0x23f: {  	v28 =	vunpack.i.u.s16.s32 v28;
	v36 =	vsel vm12, v36, v51;
	v32 =	vsel vm9, v32, v62  }
0x240: {  	v33 =	vsel vm14, v33, v50;
	v30 =	vsel vm15, v30, v53;
	v38 =	vcvt.s32.f32 v47  }
0x241: {  	v28 =	vcvt.s32.f32 v28;
	v58 =	vunpack.i.l.s16.s32 v41;
	v59 =	vunpack.i.u.s16.s32 v41  }
0x242: {  	v40 =	vunpack.i.l.s16.s32 v32;
	v32 =	vunpack.i.u.s16.s32 v32;
	v48 =	vunpack.i.l.s16.s32 v36  }
0x243: {  	v36 =	vunpack.i.u.s16.s32 v36;
	v45 =	vunpack.i.l.s16.s32 v30;
	v30 =	vunpack.i.u.s16.s32 v30  }
0x244: {  	v63 =	vld.idx.msk [tilespmem:v60+s11+$0x0], $0xffff;
	v53 =	vunpack.i.l.s16.s32 v33;
	v43 =	vcvt.s32.f32 v58;
	v40 =	vcvt.s32.f32 v40  }
0x245: {  	v33 =	vunpack.i.u.s16.s32 v33;
	v32 =	vcvt.s32.f32 v32;
	v36 =	vcvt.s32.f32 v36  }
0x246: {  	v58 =	vunpack.i.l.s16.s32 v29;
	v30 =	vcvt.s32.f32 v30;
	v33 =	vcvt.s32.f32 v33  }
0x247: {  	v29 =	vunpack.i.u.s16.s32 v29;
	v38 =	vmul.f32 v38, v27;
	v28 =	vmul.f32 v28, v27  }
0x248: {  	vm10 =	vgt.s16 v31, v42;
	v29 =	vcvt.s32.f32 v29;
	v60 =	vmul.f32 v43, v27  }
0x249: {  	vm11 =	vgt.s16 v34, v63;
	v46 =	vmul.f32 v40, v27;
	v32 =	vmul.f32 v32, v27  }
0x24a: {  	v31 =	vsel vm10, v31, v42;
	v36 =	vmul.f32 v36, v27;
	v30 =	vmul.f32 v30, v27  }
0x24b: {  	v33 =	vmul.f32 v33, v27;
	v56 =	vshrl.u32 v38, $0x10;
	v57 =	vshrl.u32 v28, $0x10  }
0x24c: {  	v34 =	vsel vm11, v34, v63;
	v29 =	vmul.f32 v29, v27;
	v39 =	vand.u32 $0x1, v56  }
0x24d: {  	v62 =	vshrl.u32 v60, $0x10;
	v40 =	vshrl.u32 v46, $0x10;
	v49 =	vshrl.u32 v32, $0x10  }
0x24e: {  	v54 =	vshrl.u32 v36, $0x10;
	v52 =	vshrl.u32 v30, $0x10;
	v38 =	vadd.s32 v39, v38  }
0x24f: {  	v39 =	vand.u32 $0x1, v57;
	v40 =	vand.u32 $0x1, v40;
	v57 =	vunpack.i.l.s16.s32 v31  }
0x250: {  	v31 =	vunpack.i.u.s16.s32 v31;
	v38 =	vadd.s32 $0x7FFF, v38;
	v28 =	vadd.s32 v39, v28  }
0x251: {  	v39 =	vcvt.s32.f32 v59;
	v47 =	vadd.s32 v40, v46;
	v31 =	vcvt.s32.f32 v31  }
0x252: {  	v40 =	vunpack.i.l.s16.s32 v34;
	v34 =	vunpack.i.u.s16.s32 v34;
	v46 =	vcvt.s32.f32 v45  }
0x253: {  	v38 =	vand.u32 $0xFFFF0000, v38;
	v28 =	vadd.s32 $0x7FFF, v28;
	v34 =	vcvt.s32.f32 v34  }
0x254: {  	v38 =	vmul.f32 v38, v16;
	v28 =	vand.u32 $0xFFFF0000, v28;
	v39 =	vmul.f32 v39, v27  }
0x255: {  	v41 =	vshrl.u32 v29, $0x10;
	v31 =	vmul.f32 v31, v27;
	v28 =	vmul.f32 v28, v17  }
0x256: {  	v61 =	vadd.f32 v38, v26;
	v38 =	vand.u32 $0x1, v62;
	v63 =	vshrl.u32 v39, $0x10  }
0x257: {  	v34 =	vmul.f32 v34, v27;
	v38 =	vadd.s32 v38, v60;
	v44 =	vand.u32 $0x1, v63  }
0x258: {  	v28 =	vadd.f32 v61, v28;
	v43 =	vadd.s32 $0x7FFF, v38;
	v38 =	vadd.s32 v44, v39  }
0x259: {  	v39 =	vand.u32 $0x1, v49;
	v49 =	vshrl.u32 v31, $0x10;
	v35 =	vand.u32 $0xFFFF0000, v43  }
0x25a: {  	v38 =	vadd.s32 $0x7FFF, v38;
	v32 =	vadd.s32 v39, v32;
	v35 =	vmul.f32 v35, v18  }
0x25b: {  	v43 =	vshrl.u32 v34, $0x10;
	v38 =	vand.u32 $0xFFFF0000, v38;
	v32 =	vadd.s32 $0x7FFF, v32  }
0x25c: {  	v44 =	vand.u32 $0x1, v43;
	v38 =	vmul.f32 v38, v19;
	v35 =	vadd.f32 v35, v28  }
0x25d: {  	v32 =	vand.u32 $0xFFFF0000, v32;
	v34 =	vadd.s32 v44, v34;
	v28 =	vsel vm13, v37, v55  }
0x25e: {  	v37 =	vadd.s32 $0x7FFF, v47;
	v35 =	vadd.f32 v35, v38;
	v38 =	vcvt.s32.f32 v48  }
0x25f: {  	v32 =	vmul.f32 v32, v21;
	v55 =	vand.u32 $0x1, v54;
	v34 =	vadd.s32 $0x7FFF, v34  }
0x260: {  	v37 =	vand.u32 $0xFFFF0000, v37;
	v36 =	vadd.s32 v55, v36;
	v38 =	vmul.f32 v38, v27  }
0x261: {  	v34 =	vand.u32 $0xFFFF0000, v34;
	v37 =	vmul.f32 v37, v20;
	v36 =	vadd.s32 $0x7FFF, v36  }
0x262: {  	v48 =	vmul.f32 v46, v27;
	v34 =	vmul.f32 v34, v19;
	v51 =	vshrl.u32 v38, $0x10  }
0x263: {  	v36 =	vand.u32 $0xFFFF0000, v36;
	v35 =	vadd.f32 v37, v35;
	v37 =	vand.u32 $0x1, v51  }
0x264: {  	v59 =	vmul.f32 v36, v23;
	v37 =	vadd.s32 v37, v38;
	v38 =	vcvt.s32.f32 v58  }
0x265: {  	v50 =	vshrl.u32 v48, $0x10;
	v32 =	vadd.f32 v35, v32;
	v56 =	vadd.s32 $0x7FFF, v37  }
0x266: {  	v37 =	vcvt.s32.f32 v57;
	v35 =	vand.u32 $0xFFFF0000, v56;
	v61 =	vmul.f32 v38, v27  }
0x267: {  	v56 =	vunpack.i.l.s16.s32 v28;
	v28 =	vunpack.i.u.s16.s32 v28;
	v35 =	vmul.f32 v35, v22  }
0x268: {  	v60 =	vmul.f32 v37, v27;
	v37 =	vcvt.s32.f32 v40;
	v38 =	vshrl.u32 v61, $0x10  }
0x269: {  	v57 =	vshrl.u32 v33, $0x10;
	v28 =	vcvt.s32.f32 v28;
	v63 =	vand.u32 $0x1, v38  }
0x26a: {  	v32 =	vadd.f32 v35, v32;
	v37 =	vmul.f32 v37, v27;
	v36 =	vadd.s32 v63, v61  }
0x26b: {  	v62 =	vshrl.u32 v60, $0x10;
	v38 =	vand.u32 $0x1, v41;
	v36 =	vadd.s32 $0x7FFF, v36  }
0x26c: {  	v29 =	vadd.s32 v38, v29;
	v42 =	vshrl.u32 v37, $0x10;
	v36 =	vand.u32 $0xFFFF0000, v36  }
0x26d: {  	v29 =	vadd.s32 $0x7FFF, v29;
	v38 =	vand.u32 $0x1, v42;
	v36 =	vmul.f32 v36, v16  }
0x26e: {  	v28 =	vmul.f32 v28, v27;
	v29 =	vand.u32 $0xFFFF0000, v29;
	v37 =	vadd.s32 v38, v37  }
0x26f: {  	v29 =	vmul.f32 v29, v17;
	v37 =	vadd.s32 $0x7FFF, v37;
	v36 =	vadd.f32 v36, v26  }
0x270: {  	v35 =	vand.u32 $0x1, v62;
	v32 =	vadd.f32 v32, v59;
	v47 =	vand.u32 $0xFFFF0000, v37  }
0x271: {  	v35 =	vadd.s32 v35, v60;
	v29 =	vadd.f32 v36, v29;
	v36 =	vmul.f32 v47, v18  }
0x272: {  	v62 =	vshrl.u32 v28, $0x10;
	v35 =	vadd.s32 $0x7FFF, v35;
	v38 =	vand.u32 $0x1, v49  }
0x273: {  	v37 =	vcvt.s32.f32 v53;
	v29 =	vadd.f32 v36, v29;
	v36 =	vand.u32 $0x1, v50  }
0x274: {  	v35 =	vand.u32 $0xFFFF0000, v35;
	v31 =	vadd.s32 v38, v31;
	v51 =	vadd.s32 v36, v48  }
0x275: {  	v54 =	vmul.f32 v37, v27;
	v29 =	vadd.f32 v29, v34;
	v34 =	vadd.s32 $0x7FFF, v51  }
0x276: {  	v35 =	vmul.f32 v35, v24;
	v37 =	vcvt.s32.f32 v56;
	v34 =	vand.u32 $0xFFFF0000, v34  }
0x277: {  	v55 =	vshrl.u32 v54, $0x10;
	v36 =	vand.u32 $0x1, v52;
	v34 =	vmul.f32 v34, v20  }
0x278: {  	v58 =	vmul.f32 v37, v27;
	v30 =	vadd.s32 v36, v30;
	v36 =	vand.u32 $0x1, v57  }
0x279: {  	v30 =	vadd.s32 $0x7FFF, v30;
	v29 =	vadd.f32 v34, v29;
	v34 =	vand.u32 $0x1, v55  }
0x27a: {  	v33 =	vadd.s32 v36, v33;
	v30 =	vand.u32 $0xFFFF0000, v30;
	v34 =	vadd.s32 v34, v54  }
0x27b: {  	v33 =	vadd.s32 $0x7FFF, v33;
	v30 =	vmul.f32 v30, v21;
	v34 =	vadd.s32 $0x7FFF, v34  }
0x27c: {  	v60 =	vshrl.u32 v58, $0x10;
	v33 =	vand.u32 $0xFFFF0000, v33;
	v59 =	vand.u32 $0xFFFF0000, v34  }
0x27d: {  	v29 =	vadd.f32 v29, v30;
	v34 =	vand.u32 $0x1, v60;
	v30 =	vmul.f32 v59, v22  }
0x27e: {  	v31 =	vadd.s32 $0x7FFF, v31;
	v33 =	vmul.f32 v33, v23;
	v61 =	vadd.s32 v34, v58  }
0x27f: {  	v34 =	vand.u32 $0x1, v62;
	v29 =	vadd.f32 v30, v29;
	v30 =	vadd.s32 $0x7FFF, v61  }
0x280: {  	v31 =	vand.u32 $0xFFFF0000, v31;
	v28 =	vadd.s32 v34, v28;
	v30 =	vand.u32 $0xFFFF0000, v30  }
0x281: {  	s20 =	sadd.s32 $0x1, s20;
	v28 =	vadd.s32 $0x7FFF, v28;
	v29 =	vadd.f32 v29, v33;
	v30 =	vmul.f32 v30, v24  }
0x282: {  	p0 =	sne.s32 s20, $0x4;
	v32 =	vadd.f32 v35, v32;
	v31 =	vmul.f32 v31, v25;
	v28 =	vand.u32 $0xFFFF0000, v28  }
.Ltmp7:
0x283: {  	v28 =	vmul.f32 v28, v25;
	v29 =	vadd.f32 v30, v29;
	(pc) =	sbr.rel @p0 .LBB2_14-.Ltmp7, $4  }
0x284: {  	v63 =	vadd.f32 v32, v31  }
0x285: {  	v28 =	vadd.f32 v29, v28  }
0x286: {  	[tilespmem:s21+$0x11600] =	vst v63  }
0x287: {  	[tilespmem:s21+$0x11610] =	vst v28  }
0x288: {  	s18 =	sadd.s32 $0x1, s18  }
0x289: {  	p0 =	sne.s32 s18, s10  }
.Ltmp8:
0x28a: {  	_ = 	snop;
	(pc) =	sbr.rel @p0 .LBB2_1-.Ltmp8, $4  }
0x28b: {  	[hbm4b:s9+s3] =	stream.linear.scatter [tilespmem:s17], [sflag:$0x3], $0x200, $0x38;
	[tilespmem:$0x11680] =	vst v63  }
0x28c: {  	_ =	swait.ge [sflag:s12], $0x200  }
0x28d: {  	[sflag:s12] =	ssyncset.done $0x0  }
0x28e: {  	[sflag:s12] =	ssyncadd.s32 $0xFFFFFE00  }
0x28f: {  	_ =	sfence.sel $0x180000  }
0x290: {  	[bflag:$0x0] =	sbarrier.arrive $0xFFFF  }
0x291: {  	p0 =	sne.s32 s1, $0x0;
	_ =	strace $0x90000047  }
0x292: {  	s0 =	sadd.s32 @!p0 $0x100000, s0;
	[bflag:$0x2] =	sbarrier.arrive $0xFFFF  }
0x293: {  	[sflag:s0] =	ssyncadd.tile.s32 @!p0 $0x1;
	_ =	shalt  }
.Lfunc_end2:
_tile_overlayer_lowered:
.L_overlay_start_2:
0x294: {  	(tag) =	ssettag $0x2  }
0x295: {  	s0 =	rddreg [dreg:$0x0];
	s2 =	stileid.u32  }
0x296: {  	s1 =	rddreg [dreg:$0x1];
	p0 =	sne.s32 s2, $0x0  }
0x297: {  	s3 =	rddreg [dreg:$0x2];
	[bflag:$0x3] =	sbarrier.arrive $0xFFFF;
	s2 =	simm.s32 @!p0 $0x1C03  }
0x298: {  	[timem:s3], [sflag:s2] =	dma.local @!p0 [hbm:s0], s1  }
0x299: {  	s0 =	simm.s32 @!p0 $0x3  }
0x29a: {  	_ =	swait.ge @!p0 [sflag:s0], s1  }
0x29b: {  	s1 =	ssub.s32 @!p0 $0x0, s1;
	[sflag:s0] =	ssyncset.done @!p0 $0x0  }
0x29c: {  	[sflag:s0] =	ssyncadd.s32 @!p0 s1  }
0x29d: {  	[bflag:$0x3] =	sbarrier.arrive $0xFFFF  }
0x29e: {  	_ =	shalt  }

</sc_bundles>
